<compile_context>
chip_gen: v7x
topology: tpu7x:2x2x1
jax: 0.10.2.dev20260603
libtpu: 0.0.44.dev20260713+nightly
codegen_flags: <defaults>
</compile_context>

<pallas_src>
import functools

import jax
import jax.numpy as jnp
from jax import lax
from jax.experimental import pallas as pl
from jax.experimental.pallas import tpu as pltpu
from jax.experimental.pallas import tpu_sc as plsc

N_POI = 1000
N_POI_PAD = 1024
N_USERS = 100
N_USERS_PAD = 104
DIM = 64
STRIDE = 65
BATCH = 16384
NUM_TILES = 32
B_PER_TILE = BATCH // NUM_TILES
CHUNKS = B_PER_TILE // 16


def _sc_body(poi_h, vtab_h, bias_h, uid_h, pid_h, qid_h, nid_h,
             d2p_h, d2n_h, bd_h, mask_h,
             poi_v, vtab_v, bias_v, uid_v, pid_v, qid_v, nid_v,
             outp_v, outn_v, outb_v, mask_v, poi_sh, vtab_sh, bias_sh, sem):
  c = lax.axis_index("c")
  s = lax.axis_index("s")
  wid = s * 2 + c
  base = wid * B_PER_TILE

  with jax.named_scope("stage"):
    cps = [
        pltpu.async_copy(uid_h.at[pl.ds(base, B_PER_TILE)], uid_v, sem),
        pltpu.async_copy(pid_h.at[pl.ds(base, B_PER_TILE)], pid_v, sem),
        pltpu.async_copy(qid_h.at[pl.ds(base, B_PER_TILE)], qid_v, sem),
        pltpu.async_copy(nid_h.at[pl.ds(base, B_PER_TILE)], nid_v, sem),
    ]

    @pl.when(s == 0)
    def _():
      pltpu.sync_copy(poi_h, poi_sh)
      pltpu.sync_copy(vtab_h, vtab_sh)
      pltpu.sync_copy(bias_h, bias_sh)

    zeros16 = jnp.zeros((16,), jnp.float32)
    for i in range(N_POI_PAD // 16):
      mask_v[pl.ds(i * 16, 16)] = zeros16
    plsc.subcore_barrier()
    cps += [
        pltpu.async_copy(poi_sh, poi_v, sem),
        pltpu.async_copy(vtab_sh, vtab_v, sem),
        pltpu.async_copy(bias_sh, bias_v, sem),
    ]
    for cp in cps:
      cp.wait()

  ones16 = jnp.ones((16,), jnp.float32)

  scope = jax.named_scope("gatherloop")
  scope.__enter__()

  @plsc.parallel_loop(0, CHUNKS, unroll=2)
  def chunk(i):
    sl = pl.ds(i * 16, 16)
    u = uid_v[sl]
    p = pid_v[sl]
    q = qid_v[sl]
    r = nid_v[sl]
    bq = plsc.load_gather(bias_v, [q])
    br = plsc.load_gather(bias_v, [r])
    ub = u * STRIDE
    pb = p * STRIDE
    qb = q * STRIDE
    rb = r * STRIDE
    accp0 = jnp.zeros((16,), jnp.float32)
    accp1 = jnp.zeros((16,), jnp.float32)
    accn0 = jnp.zeros((16,), jnp.float32)
    accn1 = jnp.zeros((16,), jnp.float32)
    for d in range(0, DIM, 2):
      td0 = plsc.load_gather(poi_v, [pb + d]) + plsc.load_gather(vtab_v, [ub + d])
      ep0 = td0 - plsc.load_gather(poi_v, [qb + d])
      en0 = td0 - plsc.load_gather(poi_v, [rb + d])
      accp0 = accp0 + ep0 * ep0
      accn0 = accn0 + en0 * en0
      td1 = plsc.load_gather(poi_v, [pb + (d + 1)]) + plsc.load_gather(
          vtab_v, [ub + (d + 1)])
      ep1 = td1 - plsc.load_gather(poi_v, [qb + (d + 1)])
      en1 = td1 - plsc.load_gather(poi_v, [rb + (d + 1)])
      accp1 = accp1 + ep1 * ep1
      accn1 = accn1 + en1 * en1
    outp_v[sl] = accp0 + accp1
    outn_v[sl] = accn0 + accn1
    outb_v[sl] = bq - br
    plsc.store_scatter(mask_v, [p], ones16)
    plsc.store_scatter(mask_v, [q], ones16)
    plsc.store_scatter(mask_v, [r], ones16)

  scope.__exit__(None, None, None)
  pltpu.sync_copy(outp_v, d2p_h.at[pl.ds(base, B_PER_TILE)])
  pltpu.sync_copy(outn_v, d2n_h.at[pl.ds(base, B_PER_TILE)])
  pltpu.sync_copy(outb_v, bd_h.at[pl.ds(base, B_PER_TILE)])
  pltpu.sync_copy(mask_v, mask_h.at[wid])


_sc_kernel = functools.partial(
    pl.kernel,
    out_type=(
        jax.ShapeDtypeStruct((BATCH,), jnp.float32),
        jax.ShapeDtypeStruct((BATCH,), jnp.float32),
        jax.ShapeDtypeStruct((BATCH,), jnp.float32),
        jax.ShapeDtypeStruct((NUM_TILES, N_POI_PAD), jnp.float32),
    ),
    mesh=plsc.VectorSubcoreMesh(core_axis_name="c", subcore_axis_name="s"),
    compiler_params=pltpu.CompilerParams(needs_layout_passes=False),
    scratch_types=[
        pltpu.VMEM((N_POI_PAD * STRIDE,), jnp.float32),
        pltpu.VMEM((N_USERS_PAD * STRIDE,), jnp.float32),
        pltpu.VMEM((N_POI_PAD,), jnp.float32),
        pltpu.VMEM((B_PER_TILE,), jnp.int32),
        pltpu.VMEM((B_PER_TILE,), jnp.int32),
        pltpu.VMEM((B_PER_TILE,), jnp.int32),
        pltpu.VMEM((B_PER_TILE,), jnp.int32),
        pltpu.VMEM((B_PER_TILE,), jnp.float32),
        pltpu.VMEM((B_PER_TILE,), jnp.float32),
        pltpu.VMEM((B_PER_TILE,), jnp.float32),
        pltpu.VMEM((N_POI_PAD,), jnp.float32),
        pltpu.VMEM_SHARED((N_POI_PAD * STRIDE,), jnp.float32),
        pltpu.VMEM_SHARED((N_USERS_PAD * STRIDE,), jnp.float32),
        pltpu.VMEM_SHARED((N_POI_PAD,), jnp.float32),
        pltpu.SemaphoreType.DMA,
    ],
)(_sc_body)


def _tc_body(poi_ref, masks_ref, d2p_ref, d2n_ref, bd_ref, w_ref, obj_ref):
  m = jnp.max(masks_ref[...], axis=0)[:N_POI]
  poi = poi_ref[...]
  n2 = jnp.sum(poi * poi, axis=1)
  denom = jnp.maximum(1.0, jnp.sqrt(n2))
  scale = jnp.where(m > 0.0, 1.0 / denom, 1.0)
  w_ref[...] = poi * scale[:, None]
  obj_ref[...] = bd_ref[...] - jnp.sqrt(d2p_ref[...]) + jnp.sqrt(d2n_ref[...])


def kernel(user_id, prev_id, pos_id, neg_id, poi_weight, user_weight,
           user_global_weight, poi_bias_weight):
  uid = user_id.astype(jnp.int32)
  pid = prev_id.astype(jnp.int32)
  qid = pos_id.astype(jnp.int32)
  nid = neg_id.astype(jnp.int32)
  poi_s = jnp.pad(poi_weight,
                  ((0, N_POI_PAD - N_POI), (0, STRIDE - DIM))).reshape(-1)
  vtab_s = jnp.pad(user_weight + user_global_weight,
                   ((0, N_USERS_PAD - N_USERS), (0, STRIDE - DIM))).reshape(-1)
  bias_p = jnp.pad(poi_bias_weight[:, 0], (0, N_POI_PAD - N_POI))

  d2p, d2n, bd, masks = _sc_kernel(poi_s, vtab_s, bias_p, uid, pid, qid, nid)

  w, obj = pl.pallas_call(
      _tc_body,
      out_shape=(
          jax.ShapeDtypeStruct((N_POI, DIM), jnp.float32),
          jax.ShapeDtypeStruct((BATCH,), jnp.float32),
      ),
  )(poi_weight, masks, d2p, d2n, bd)

  return obj, w

# --- scband reference (transcript-rebuilt; emitter-appended) ---
"""Pipeline reference for scband-trans-rec-16363825398134 (READ-ONLY COPY).

The authoritative reference and input builder live on the scoring server;
editing this copy changes nothing except your own understanding.
"""

import jax, jax.numpy as jnp
import numpy as np

N_POI = 1000
N_USERS = 100
DIM = 64
BATCH = 16384

def _row_normalize(w, eps=1e-12):
    return w / jnp.maximum(jnp.linalg.norm(w, axis=1, keepdims=True), eps)

def setup_inputs(seed: int = 0):
    key = jax.random.key(seed)
    ks = jax.random.split(key, 6)
    user_id = jax.random.randint(ks[0], (BATCH,), 0, 90)
    prev_id = jax.random.randint(ks[1], (BATCH,), 0, 980)
    pos_id = jax.random.randint(ks[2], (BATCH,), 0, 980)
    neg_id = jax.random.randint(ks[3], (BATCH,), 0, 980)
    # learned parameters, initialized per TransRec.init_weights()
    poi_weight = _row_normalize(jax.random.normal(ks[4], (N_POI, DIM), dtype=jnp.float32))
    user_weight = jnp.zeros((N_USERS, DIM), dtype=jnp.float32)
    user_global_weight = _row_normalize(jax.random.normal(ks[5], (1, DIM), dtype=jnp.float32))
    poi_bias_weight = jnp.zeros((N_POI, 1), dtype=jnp.float32)
    return {"user_id": user_id, "prev_id": prev_id, "pos_id": pos_id, "neg_id": neg_id,
            "poi_weight": poi_weight, "user_weight": user_weight,
            "user_global_weight": user_global_weight, "poi_bias_weight": poi_bias_weight}

def reference(user_id, prev_id, pos_id, neg_id, poi_weight, user_weight, user_global_weight, poi_bias_weight):
    # embedding gathers
    user_personal = jnp.take(user_weight, user_id, axis=0)
    user_global = user_global_weight[0:1]  # [1, DIM], broadcasts over batch
    prev_poi = jnp.take(poi_weight, prev_id, axis=0)
    pos_poi = jnp.take(poi_weight, pos_id, axis=0)
    neg_poi = jnp.take(poi_weight, neg_id, axis=0)
    pos_poi_bias = jnp.take(poi_bias_weight, pos_id, axis=0)
    neg_poi_bias = jnp.take(poi_bias_weight, neg_id, axis=0)
    translation = prev_poi + user_personal + user_global
    pos_probability = pos_poi_bias - jnp.linalg.norm(translation - pos_poi, axis=1, keepdims=True)
    neg_probability = neg_poi_bias - jnp.linalg.norm(translation - neg_poi, axis=1, keepdims=True)
    objective = jnp.squeeze(pos_probability - neg_probability, axis=1)
    # in-place row renormalization side effect on poi table (scatter-overwrite,
    # computed from pre-update rows per index set, last-write-wins on duplicates,
    # matching torch index_put semantics)
    w = poi_weight
    for idx in (prev_id, pos_id, neg_id):
        rows = jnp.take(w, idx, axis=0)
        denom = jnp.maximum(1.0, jnp.linalg.norm(rows, axis=1, keepdims=True))
        w = w.at[idx].set(rows / denom)
    return objective, w

if __name__ == "__main__":
    import jax
    _d = setup_inputs()
    print(jax.jit(kernel)(*tuple(_d.values())))

</pallas_src>

<mosaic_0001>
#map = affine_map<(d0, d1) -> (0)>
#map1 = affine_map<(d0, d1) -> (0, 0)>
module attributes {stable_mosaic.version = 14 : i64} {
  func.func @_sc_body(%arg0: i32, %arg1: i32, %arg2: memref<66560xf32, #tpu.memory_space<hbm>>, %arg3: memref<6760xf32, #tpu.memory_space<hbm>>, %arg4: memref<1024xf32, #tpu.memory_space<hbm>>, %arg5: memref<16384xi32, #tpu.memory_space<hbm>>, %arg6: memref<16384xi32, #tpu.memory_space<hbm>>, %arg7: memref<16384xi32, #tpu.memory_space<hbm>>, %arg8: memref<16384xi32, #tpu.memory_space<hbm>>, %arg9: memref<16384xf32, #tpu.memory_space<hbm>>, %arg10: memref<16384xf32, #tpu.memory_space<hbm>>, %arg11: memref<16384xf32, #tpu.memory_space<hbm>>, %arg12: memref<32x1024xf32, #tpu.memory_space<hbm>>, %arg13: memref<66560xf32, #tpu.memory_space<vmem>>, %arg14: memref<6760xf32, #tpu.memory_space<vmem>>, %arg15: memref<1024xf32, #tpu.memory_space<vmem>>, %arg16: memref<512xi32, #tpu.memory_space<vmem>>, %arg17: memref<512xi32, #tpu.memory_space<vmem>>, %arg18: memref<512xi32, #tpu.memory_space<vmem>>, %arg19: memref<512xi32, #tpu.memory_space<vmem>>, %arg20: memref<512xf32, #tpu.memory_space<vmem>>, %arg21: memref<512xf32, #tpu.memory_space<vmem>>, %arg22: memref<512xf32, #tpu.memory_space<vmem>>, %arg23: memref<1024xf32, #tpu.memory_space<vmem>>, %arg24: memref<66560xf32, #tpu.memory_space<vmem_shared>>, %arg25: memref<6760xf32, #tpu.memory_space<vmem_shared>>, %arg26: memref<1024xf32, #tpu.memory_space<vmem_shared>>, %arg27: memref<!tpu.dma_semaphore, #tpu.memory_space<semaphore_mem>>) attributes {dimension_semantics = [#tpu.dimension_semantics<core_parallel>, #tpu.dimension_semantics<subcore_parallel>], iteration_bounds = array<i64: 2, 16>, scalar_prefetch = 0 : i64, scratch_operands = 15 : i64, tpu.core_type = #tpu.core_type<sc_vector_subcore>, window_params = [{transform_indices = #map}, {transform_indices = #map}, {transform_indices = #map}, {transform_indices = #map}, {transform_indices = #map}, {transform_indices = #map}, {transform_indices = #map}, {transform_indices = #map}, {transform_indices = #map}, {transform_indices = #map}, {transform_indices = #map1}]} {
    %mul3A = arith.constant 2 : i32
    %mul3A_0 = arith.muli %arg1, %mul3A : i32
    %add3A = arith.addi %mul3A_0, %arg0 : i32
    %mul3A_1 = arith.constant 512 : i32
    %mul3A_2 = arith.muli %add3A, %mul3A_1 : i32
    "tpu.trace_start"() <{level = 10 : i32, message = "stage"}> : () -> ()
    %dma_start3A = tpu.memref_slice %arg5[%mul3A_2] : memref<16384xi32, #tpu.memory_space<hbm>> -> memref<512xi32, #tpu.memory_space<hbm>>
    %dma_start3A_3 = tpu.memref_slice %arg5[%mul3A_2] : memref<16384xi32, #tpu.memory_space<hbm>> -> memref<512xi32, #tpu.memory_space<hbm>>
    tpu.enqueue_dma source(%dma_start3A_3 : memref<512xi32, #tpu.memory_space<hbm>>) target(%arg16 : memref<512xi32, #tpu.memory_space<vmem>>) target_semaphore(%arg27 : memref<!tpu.dma_semaphore, #tpu.memory_space<semaphore_mem>>)
    %dma_start3A_4 = tpu.memref_slice %arg6[%mul3A_2] : memref<16384xi32, #tpu.memory_space<hbm>> -> memref<512xi32, #tpu.memory_space<hbm>>
    %dma_start3A_5 = tpu.memref_slice %arg6[%mul3A_2] : memref<16384xi32, #tpu.memory_space<hbm>> -> memref<512xi32, #tpu.memory_space<hbm>>
    tpu.enqueue_dma source(%dma_start3A_5 : memref<512xi32, #tpu.memory_space<hbm>>) target(%arg17 : memref<512xi32, #tpu.memory_space<vmem>>) target_semaphore(%arg27 : memref<!tpu.dma_semaphore, #tpu.memory_space<semaphore_mem>>)
    %dma_start3A_6 = tpu.memref_slice %arg7[%mul3A_2] : memref<16384xi32, #tpu.memory_space<hbm>> -> memref<512xi32, #tpu.memory_space<hbm>>
    %dma_start3A_7 = tpu.memref_slice %arg7[%mul3A_2] : memref<16384xi32, #tpu.memory_space<hbm>> -> memref<512xi32, #tpu.memory_space<hbm>>
    tpu.enqueue_dma source(%dma_start3A_7 : memref<512xi32, #tpu.memory_space<hbm>>) target(%arg18 : memref<512xi32, #tpu.memory_space<vmem>>) target_semaphore(%arg27 : memref<!tpu.dma_semaphore, #tpu.memory_space<semaphore_mem>>)
    %dma_start3A_8 = tpu.memref_slice %arg8[%mul3A_2] : memref<16384xi32, #tpu.memory_space<hbm>> -> memref<512xi32, #tpu.memory_space<hbm>>
    %dma_start3A_9 = tpu.memref_slice %arg8[%mul3A_2] : memref<16384xi32, #tpu.memory_space<hbm>> -> memref<512xi32, #tpu.memory_space<hbm>>
    tpu.enqueue_dma source(%dma_start3A_9 : memref<512xi32, #tpu.memory_space<hbm>>) target(%arg19 : memref<512xi32, #tpu.memory_space<vmem>>) target_semaphore(%arg27 : memref<!tpu.dma_semaphore, #tpu.memory_space<semaphore_mem>>)
    %eq3A = arith.constant 0 : i32
    %eq3A_10 = arith.cmpi eq, %arg1, %eq3A : i32
    %convert_element_type3A = arith.extui %eq3A_10 : i1 to i32
    %cond3A = arith.constant 0 : i32
    %cond3A_11 = arith.cmpi ne, %convert_element_type3A, %cond3A : i32
    scf.if %cond3A_11 {
      "tpu.region"() ({
        %run_scoped3A = tpu.sem_alloc : memref<!tpu.dma_semaphore, #tpu.memory_space<semaphore_mem>>
        tpu.enqueue_dma source(%arg2 : memref<66560xf32, #tpu.memory_space<hbm>>) target(%arg24 : memref<66560xf32, #tpu.memory_space<vmem_shared>>) target_semaphore(%run_scoped3A : memref<!tpu.dma_semaphore, #tpu.memory_space<semaphore_mem>>)
        tpu.wait_dma2 semaphore(%run_scoped3A : memref<!tpu.dma_semaphore, #tpu.memory_space<semaphore_mem>>) src(%arg2 : memref<66560xf32, #tpu.memory_space<hbm>>) dst(%arg24 : memref<66560xf32, #tpu.memory_space<vmem_shared>>)
        tpu.yield
      }) : () -> ()
      "tpu.region"() ({
        %run_scoped3A = tpu.sem_alloc : memref<!tpu.dma_semaphore, #tpu.memory_space<semaphore_mem>>
        tpu.enqueue_dma source(%arg3 : memref<6760xf32, #tpu.memory_space<hbm>>) target(%arg25 : memref<6760xf32, #tpu.memory_space<vmem_shared>>) target_semaphore(%run_scoped3A : memref<!tpu.dma_semaphore, #tpu.memory_space<semaphore_mem>>)
        tpu.wait_dma2 semaphore(%run_scoped3A : memref<!tpu.dma_semaphore, #tpu.memory_space<semaphore_mem>>) src(%arg3 : memref<6760xf32, #tpu.memory_space<hbm>>) dst(%arg25 : memref<6760xf32, #tpu.memory_space<vmem_shared>>)
        tpu.yield
      }) : () -> ()
      "tpu.region"() ({
        %run_scoped3A = tpu.sem_alloc : memref<!tpu.dma_semaphore, #tpu.memory_space<semaphore_mem>>
        tpu.enqueue_dma source(%arg4 : memref<1024xf32, #tpu.memory_space<hbm>>) target(%arg26 : memref<1024xf32, #tpu.memory_space<vmem_shared>>) target_semaphore(%run_scoped3A : memref<!tpu.dma_semaphore, #tpu.memory_space<semaphore_mem>>)
        tpu.wait_dma2 semaphore(%run_scoped3A : memref<!tpu.dma_semaphore, #tpu.memory_space<semaphore_mem>>) src(%arg4 : memref<1024xf32, #tpu.memory_space<hbm>>) dst(%arg26 : memref<1024xf32, #tpu.memory_space<vmem_shared>>)
        tpu.yield
      }) : () -> ()
    } else {
    }
    %broadcast_in_dim3A = arith.constant 0.000000e+00 : f32
    %broadcast_in_dim3A_12 = vector.broadcast %broadcast_in_dim3A : f32 to vector<16xf32>
    %swap3A = arith.constant 0 : index
    %swap3A_13 = tpu.vector_load %arg23[%swap3A] {strides = array<i32>} : memref<1024xf32, #tpu.memory_space<vmem>>, vector<16xf32>,
    tpu.vector_store %arg23[%swap3A], %broadcast_in_dim3A_12 {strides = array<i32>} : memref<1024xf32, #tpu.memory_space<vmem>>, vector<16xf32>,
    %swap3A_14 = arith.constant 16 : index
    %swap3A_15 = tpu.vector_load %arg23[%swap3A_14] {strides = array<i32>} : memref<1024xf32, #tpu.memory_space<vmem>>, vector<16xf32>,
    tpu.vector_store %arg23[%swap3A_14], %broadcast_in_dim3A_12 {strides = array<i32>} : memref<1024xf32, #tpu.memory_space<vmem>>, vector<16xf32>,
    %swap3A_16 = arith.constant 32 : index
    %swap3A_17 = tpu.vector_load %arg23[%swap3A_16] {strides = array<i32>} : memref<1024xf32, #tpu.memory_space<vmem>>, vector<16xf32>,
    tpu.vector_store %arg23[%swap3A_16], %broadcast_in_dim3A_12 {strides = array<i32>} : memref<1024xf32, #tpu.memory_space<vmem>>, vector<16xf32>,
    %swap3A_18 = arith.constant 48 : index
    %swap3A_19 = tpu.vector_load %arg23[%swap3A_18] {strides = array<i32>} : memref<1024xf32, #tpu.memory_space<vmem>>, vector<16xf32>,
    tpu.vector_store %arg23[%swap3A_18], %broadcast_in_dim3A_12 {strides = array<i32>} : memref<1024xf32, #tpu.memory_space<vmem>>, vector<16xf32>,
    %swap3A_20 = arith.constant 64 : index
    %swap3A_21 = tpu.vector_load %arg23[%swap3A_20] {strides = array<i32>} : memref<1024xf32, #tpu.memory_space<vmem>>, vector<16xf32>,
    tpu.vector_store %arg23[%swap3A_20], %broadcast_in_dim3A_12 {strides = array<i32>} : memref<1024xf32, #tpu.memory_space<vmem>>, vector<16xf32>,
    %swap3A_22 = arith.constant 80 : index
    %swap3A_23 = tpu.vector_load %arg23[%swap3A_22] {strides = array<i32>} : memref<1024xf32, #tpu.memory_space<vmem>>, vector<16xf32>,
    tpu.vector_store %arg23[%swap3A_22], %broadcast_in_dim3A_12 {strides = array<i32>} : memref<1024xf32, #tpu.memory_space<vmem>>, vector<16xf32>,
    %swap3A_24 = arith.constant 96 : index
    %swap3A_25 = tpu.vector_load %arg23[%swap3A_24] {strides = array<i32>} : memref<1024xf32, #tpu.memory_space<vmem>>, vector<16xf32>,
    tpu.vector_store %arg23[%swap3A_24], %broadcast_in_dim3A_12 {strides = array<i32>} : memref<1024xf32, #tpu.memory_space<vmem>>, vector<16xf32>,
    %swap3A_26 = arith.constant 112 : index
    %swap3A_27 = tpu.vector_load %arg23[%swap3A_26] {strides = array<i32>} : memref<1024xf32, #tpu.memory_space<vmem>>, vector<16xf32>,
    tpu.vector_store %arg23[%swap3A_26], %broadcast_in_dim3A_12 {strides = array<i32>} : memref<1024xf32, #tpu.memory_space<vmem>>, vector<16xf32>,
    %swap3A_28 = arith.constant 128 : index
    %swap3A_29 = tpu.vector_load %arg23[%swap3A_28] {strides = array<i32>} : memref<1024xf32, #tpu.memory_space<vmem>>, vector<16xf32>,
    tpu.vector_store %arg23[%swap3A_28], %broadcast_in_dim3A_12 {strides = array<i32>} : memref<1024xf32, #tpu.memory_space<vmem>>, vector<16xf32>,
    %swap3A_30 = arith.constant 144 : index
    %swap3A_31 = tpu.vector_load %arg23[%swap3A_30] {strides = array<i32>} : memref<1024xf32, #tpu.memory_space<vmem>>, vector<16xf32>,
    tpu.vector_store %arg23[%swap3A_30], %broadcast_in_dim3A_12 {strides = array<i32>} : memref<1024xf32, #tpu.memory_space<vmem>>, vector<16xf32>,
    %swap3A_32 = arith.constant 160 : index
    %swap3A_33 = tpu.vector_load %arg23[%swap3A_32] {strides = array<i32>} : memref<1024xf32, #tpu.memory_space<vmem>>, vector<16xf32>,
    tpu.vector_store %arg23[%swap3A_32], %broadcast_in_dim3A_12 {strides = array<i32>} : memref<1024xf32, #tpu.memory_space<vmem>>, vector<16xf32>,
    %swap3A_34 = arith.constant 176 : index
    %swap3A_35 = tpu.vector_load %arg23[%swap3A_34] {strides = array<i32>} : memref<1024xf32, #tpu.memory_space<vmem>>, vector<16xf32>,
    tpu.vector_store %arg23[%swap3A_34], %broadcast_in_dim3A_12 {strides = array<i32>} : memref<1024xf32, #tpu.memory_space<vmem>>, vector<16xf32>,
    %swap3A_36 = arith.constant 192 : index
    %swap3A_37 = tpu.vector_load %arg23[%swap3A_36] {strides = array<i32>} : memref<1024xf32, #tpu.memory_space<vmem>>, vector<16xf32>,
    tpu.vector_store %arg23[%swap3A_36], %broadcast_in_dim3A_12 {strides = array<i32>} : memref<1024xf32, #tpu.memory_space<vmem>>, vector<16xf32>,
    %swap3A_38 = arith.constant 208 : index
    %swap3A_39 = tpu.vector_load %arg23[%swap3A_38] {strides = array<i32>} : memref<1024xf32, #tpu.memory_space<vmem>>, vector<16xf32>,
    tpu.vector_store %arg23[%swap3A_38], %broadcast_in_dim3A_12 {strides = array<i32>} : memref<1024xf32, #tpu.memory_space<vmem>>, vector<16xf32>,
    %swap3A_40 = arith.constant 224 : index
    %swap3A_41 = tpu.vector_load %arg23[%swap3A_40] {strides = array<i32>} : memref<1024xf32, #tpu.memory_space<vmem>>, vector<16xf32>,
    tpu.vector_store %arg23[%swap3A_40], %broadcast_in_dim3A_12 {strides = array<i32>} : memref<1024xf32, #tpu.memory_space<vmem>>, vector<16xf32>,
    %swap3A_42 = arith.constant 240 : index
    %swap3A_43 = tpu.vector_load %arg23[%swap3A_42] {strides = array<i32>} : memref<1024xf32, #tpu.memory_space<vmem>>, vector<16xf32>,
    tpu.vector_store %arg23[%swap3A_42], %broadcast_in_dim3A_12 {strides = array<i32>} : memref<1024xf32, #tpu.memory_space<vmem>>, vector<16xf32>,
    %swap3A_44 = arith.constant 256 : index
    %swap3A_45 = tpu.vector_load %arg23[%swap3A_44] {strides = array<i32>} : memref<1024xf32, #tpu.memory_space<vmem>>, vector<16xf32>,
    tpu.vector_store %arg23[%swap3A_44], %broadcast_in_dim3A_12 {strides = array<i32>} : memref<1024xf32, #tpu.memory_space<vmem>>, vector<16xf32>,
    %swap3A_46 = arith.constant 272 : index
    %swap3A_47 = tpu.vector_load %arg23[%swap3A_46] {strides = array<i32>} : memref<1024xf32, #tpu.memory_space<vmem>>, vector<16xf32>,
    tpu.vector_store %arg23[%swap3A_46], %broadcast_in_dim3A_12 {strides = array<i32>} : memref<1024xf32, #tpu.memory_space<vmem>>, vector<16xf32>,
    %swap3A_48 = arith.constant 288 : index
    %swap3A_49 = tpu.vector_load %arg23[%swap3A_48] {strides = array<i32>} : memref<1024xf32, #tpu.memory_space<vmem>>, vector<16xf32>,
    tpu.vector_store %arg23[%swap3A_48], %broadcast_in_dim3A_12 {strides = array<i32>} : memref<1024xf32, #tpu.memory_space<vmem>>, vector<16xf32>,
    %swap3A_50 = arith.constant 304 : index
    %swap3A_51 = tpu.vector_load %arg23[%swap3A_50] {strides = array<i32>} : memref<1024xf32, #tpu.memory_space<vmem>>, vector<16xf32>,
    tpu.vector_store %arg23[%swap3A_50], %broadcast_in_dim3A_12 {strides = array<i32>} : memref<1024xf32, #tpu.memory_space<vmem>>, vector<16xf32>,
    %swap3A_52 = arith.constant 320 : index
    %swap3A_53 = tpu.vector_load %arg23[%swap3A_52] {strides = array<i32>} : memref<1024xf32, #tpu.memory_space<vmem>>, vector<16xf32>,
    tpu.vector_store %arg23[%swap3A_52], %broadcast_in_dim3A_12 {strides = array<i32>} : memref<1024xf32, #tpu.memory_space<vmem>>, vector<16xf32>,
    %swap3A_54 = arith.constant 336 : index
    %swap3A_55 = tpu.vector_load %arg23[%swap3A_54] {strides = array<i32>} : memref<1024xf32, #tpu.memory_space<vmem>>, vector<16xf32>,
    tpu.vector_store %arg23[%swap3A_54], %broadcast_in_dim3A_12 {strides = array<i32>} : memref<1024xf32, #tpu.memory_space<vmem>>, vector<16xf32>,
    %swap3A_56 = arith.constant 352 : index
    %swap3A_57 = tpu.vector_load %arg23[%swap3A_56] {strides = array<i32>} : memref<1024xf32, #tpu.memory_space<vmem>>, vector<16xf32>,
    tpu.vector_store %arg23[%swap3A_56], %broadcast_in_dim3A_12 {strides = array<i32>} : memref<1024xf32, #tpu.memory_space<vmem>>, vector<16xf32>,
    %swap3A_58 = arith.constant 368 : index
    %swap3A_59 = tpu.vector_load %arg23[%swap3A_58] {strides = array<i32>} : memref<1024xf32, #tpu.memory_space<vmem>>, vector<16xf32>,
    tpu.vector_store %arg23[%swap3A_58], %broadcast_in_dim3A_12 {strides = array<i32>} : memref<1024xf32, #tpu.memory_space<vmem>>, vector<16xf32>,
    %swap3A_60 = arith.constant 384 : index
    %swap3A_61 = tpu.vector_load %arg23[%swap3A_60] {strides = array<i32>} : memref<1024xf32, #tpu.memory_space<vmem>>, vector<16xf32>,
    tpu.vector_store %arg23[%swap3A_60], %broadcast_in_dim3A_12 {strides = array<i32>} : memref<1024xf32, #tpu.memory_space<vmem>>, vector<16xf32>,
    %swap3A_62 = arith.constant 400 : index
    %swap3A_63 = tpu.vector_load %arg23[%swap3A_62] {strides = array<i32>} : memref<1024xf32, #tpu.memory_space<vmem>>, vector<16xf32>,
    tpu.vector_store %arg23[%swap3A_62], %broadcast_in_dim3A_12 {strides = array<i32>} : memref<1024xf32, #tpu.memory_space<vmem>>, vector<16xf32>,
    %swap3A_64 = arith.constant 416 : index
    %swap3A_65 = tpu.vector_load %arg23[%swap3A_64] {strides = array<i32>} : memref<1024xf32, #tpu.memory_space<vmem>>, vector<16xf32>,
    tpu.vector_store %arg23[%swap3A_64], %broadcast_in_dim3A_12 {strides = array<i32>} : memref<1024xf32, #tpu.memory_space<vmem>>, vector<16xf32>,
    %swap3A_66 = arith.constant 432 : index
    %swap3A_67 = tpu.vector_load %arg23[%swap3A_66] {strides = array<i32>} : memref<1024xf32, #tpu.memory_space<vmem>>, vector<16xf32>,
    tpu.vector_store %arg23[%swap3A_66], %broadcast_in_dim3A_12 {strides = array<i32>} : memref<1024xf32, #tpu.memory_space<vmem>>, vector<16xf32>,
    %swap3A_68 = arith.constant 448 : index
    %swap3A_69 = tpu.vector_load %arg23[%swap3A_68] {strides = array<i32>} : memref<1024xf32, #tpu.memory_space<vmem>>, vector<16xf32>,
    tpu.vector_store %arg23[%swap3A_68], %broadcast_in_dim3A_12 {strides = array<i32>} : memref<1024xf32, #tpu.memory_space<vmem>>, vector<16xf32>,
    %swap3A_70 = arith.constant 464 : index
    %swap3A_71 = tpu.vector_load %arg23[%swap3A_70] {strides = array<i32>} : memref<1024xf32, #tpu.memory_space<vmem>>, vector<16xf32>,
    tpu.vector_store %arg23[%swap3A_70], %broadcast_in_dim3A_12 {strides = array<i32>} : memref<1024xf32, #tpu.memory_space<vmem>>, vector<16xf32>,
    %swap3A_72 = arith.constant 480 : index
    %swap3A_73 = tpu.vector_load %arg23[%swap3A_72] {strides = array<i32>} : memref<1024xf32, #tpu.memory_space<vmem>>, vector<16xf32>,
    tpu.vector_store %arg23[%swap3A_72], %broadcast_in_dim3A_12 {strides = array<i32>} : memref<1024xf32, #tpu.memory_space<vmem>>, vector<16xf32>,
    %swap3A_74 = arith.constant 496 : index
    %swap3A_75 = tpu.vector_load %arg23[%swap3A_74] {strides = array<i32>} : memref<1024xf32, #tpu.memory_space<vmem>>, vector<16xf32>,
    tpu.vector_store %arg23[%swap3A_74], %broadcast_in_dim3A_12 {strides = array<i32>} : memref<1024xf32, #tpu.memory_space<vmem>>, vector<16xf32>,
    %swap3A_76 = arith.constant 512 : index
    %swap3A_77 = tpu.vector_load %arg23[%swap3A_76] {strides = array<i32>} : memref<1024xf32, #tpu.memory_space<vmem>>, vector<16xf32>,
    tpu.vector_store %arg23[%swap3A_76], %broadcast_in_dim3A_12 {strides = array<i32>} : memref<1024xf32, #tpu.memory_space<vmem>>, vector<16xf32>,
    %swap3A_78 = arith.constant 528 : index
    %swap3A_79 = tpu.vector_load %arg23[%swap3A_78] {strides = array<i32>} : memref<1024xf32, #tpu.memory_space<vmem>>, vector<16xf32>,
    tpu.vector_store %arg23[%swap3A_78], %broadcast_in_dim3A_12 {strides = array<i32>} : memref<1024xf32, #tpu.memory_space<vmem>>, vector<16xf32>,
    %swap3A_80 = arith.constant 544 : index
    %swap3A_81 = tpu.vector_load %arg23[%swap3A_80] {strides = array<i32>} : memref<1024xf32, #tpu.memory_space<vmem>>, vector<16xf32>,
    tpu.vector_store %arg23[%swap3A_80], %broadcast_in_dim3A_12 {strides = array<i32>} : memref<1024xf32, #tpu.memory_space<vmem>>, vector<16xf32>,
    %swap3A_82 = arith.constant 560 : index
    %swap3A_83 = tpu.vector_load %arg23[%swap3A_82] {strides = array<i32>} : memref<1024xf32, #tpu.memory_space<vmem>>, vector<16xf32>,
    tpu.vector_store %arg23[%swap3A_82], %broadcast_in_dim3A_12 {strides = array<i32>} : memref<1024xf32, #tpu.memory_space<vmem>>, vector<16xf32>,
    %swap3A_84 = arith.constant 576 : index
    %swap3A_85 = tpu.vector_load %arg23[%swap3A_84] {strides = array<i32>} : memref<1024xf32, #tpu.memory_space<vmem>>, vector<16xf32>,
    tpu.vector_store %arg23[%swap3A_84], %broadcast_in_dim3A_12 {strides = array<i32>} : memref<1024xf32, #tpu.memory_space<vmem>>, vector<16xf32>,
    %swap3A_86 = arith.constant 592 : index
    %swap3A_87 = tpu.vector_load %arg23[%swap3A_86] {strides = array<i32>} : memref<1024xf32, #tpu.memory_space<vmem>>, vector<16xf32>,
    tpu.vector_store %arg23[%swap3A_86], %broadcast_in_dim3A_12 {strides = array<i32>} : memref<1024xf32, #tpu.memory_space<vmem>>, vector<16xf32>,
    %swap3A_88 = arith.constant 608 : index
    %swap3A_89 = tpu.vector_load %arg23[%swap3A_88] {strides = array<i32>} : memref<1024xf32, #tpu.memory_space<vmem>>, vector<16xf32>,
    tpu.vector_store %arg23[%swap3A_88], %broadcast_in_dim3A_12 {strides = array<i32>} : memref<1024xf32, #tpu.memory_space<vmem>>, vector<16xf32>,
    %swap3A_90 = arith.constant 624 : index
    %swap3A_91 = tpu.vector_load %arg23[%swap3A_90] {strides = array<i32>} : memref<1024xf32, #tpu.memory_space<vmem>>, vector<16xf32>,
    tpu.vector_store %arg23[%swap3A_90], %broadcast_in_dim3A_12 {strides = array<i32>} : memref<1024xf32, #tpu.memory_space<vmem>>, vector<16xf32>,
    %swap3A_92 = arith.constant 640 : index
    %swap3A_93 = tpu.vector_load %arg23[%swap3A_92] {strides = array<i32>} : memref<1024xf32, #tpu.memory_space<vmem>>, vector<16xf32>,
    tpu.vector_store %arg23[%swap3A_92], %broadcast_in_dim3A_12 {strides = array<i32>} : memref<1024xf32, #tpu.memory_space<vmem>>, vector<16xf32>,
    %swap3A_94 = arith.constant 656 : index
    %swap3A_95 = tpu.vector_load %arg23[%swap3A_94] {strides = array<i32>} : memref<1024xf32, #tpu.memory_space<vmem>>, vector<16xf32>,
    tpu.vector_store %arg23[%swap3A_94], %broadcast_in_dim3A_12 {strides = array<i32>} : memref<1024xf32, #tpu.memory_space<vmem>>, vector<16xf32>,
    %swap3A_96 = arith.constant 672 : index
    %swap3A_97 = tpu.vector_load %arg23[%swap3A_96] {strides = array<i32>} : memref<1024xf32, #tpu.memory_space<vmem>>, vector<16xf32>,
    tpu.vector_store %arg23[%swap3A_96], %broadcast_in_dim3A_12 {strides = array<i32>} : memref<1024xf32, #tpu.memory_space<vmem>>, vector<16xf32>,
    %swap3A_98 = arith.constant 688 : index
    %swap3A_99 = tpu.vector_load %arg23[%swap3A_98] {strides = array<i32>} : memref<1024xf32, #tpu.memory_space<vmem>>, vector<16xf32>,
    tpu.vector_store %arg23[%swap3A_98], %broadcast_in_dim3A_12 {strides = array<i32>} : memref<1024xf32, #tpu.memory_space<vmem>>, vector<16xf32>,
    %swap3A_100 = arith.constant 704 : index
    %swap3A_101 = tpu.vector_load %arg23[%swap3A_100] {strides = array<i32>} : memref<1024xf32, #tpu.memory_space<vmem>>, vector<16xf32>,
    tpu.vector_store %arg23[%swap3A_100], %broadcast_in_dim3A_12 {strides = array<i32>} : memref<1024xf32, #tpu.memory_space<vmem>>, vector<16xf32>,
    %swap3A_102 = arith.constant 720 : index
    %swap3A_103 = tpu.vector_load %arg23[%swap3A_102] {strides = array<i32>} : memref<1024xf32, #tpu.memory_space<vmem>>, vector<16xf32>,
    tpu.vector_store %arg23[%swap3A_102], %broadcast_in_dim3A_12 {strides = array<i32>} : memref<1024xf32, #tpu.memory_space<vmem>>, vector<16xf32>,
    %swap3A_104 = arith.constant 736 : index
    %swap3A_105 = tpu.vector_load %arg23[%swap3A_104] {strides = array<i32>} : memref<1024xf32, #tpu.memory_space<vmem>>, vector<16xf32>,
    tpu.vector_store %arg23[%swap3A_104], %broadcast_in_dim3A_12 {strides = array<i32>} : memref<1024xf32, #tpu.memory_space<vmem>>, vector<16xf32>,
    %swap3A_106 = arith.constant 752 : index
    %swap3A_107 = tpu.vector_load %arg23[%swap3A_106] {strides = array<i32>} : memref<1024xf32, #tpu.memory_space<vmem>>, vector<16xf32>,
    tpu.vector_store %arg23[%swap3A_106], %broadcast_in_dim3A_12 {strides = array<i32>} : memref<1024xf32, #tpu.memory_space<vmem>>, vector<16xf32>,
    %swap3A_108 = arith.constant 768 : index
    %swap3A_109 = tpu.vector_load %arg23[%swap3A_108] {strides = array<i32>} : memref<1024xf32, #tpu.memory_space<vmem>>, vector<16xf32>,
    tpu.vector_store %arg23[%swap3A_108], %broadcast_in_dim3A_12 {strides = array<i32>} : memref<1024xf32, #tpu.memory_space<vmem>>, vector<16xf32>,
    %swap3A_110 = arith.constant 784 : index
    %swap3A_111 = tpu.vector_load %arg23[%swap3A_110] {strides = array<i32>} : memref<1024xf32, #tpu.memory_space<vmem>>, vector<16xf32>,
    tpu.vector_store %arg23[%swap3A_110], %broadcast_in_dim3A_12 {strides = array<i32>} : memref<1024xf32, #tpu.memory_space<vmem>>, vector<16xf32>,
    %swap3A_112 = arith.constant 800 : index
    %swap3A_113 = tpu.vector_load %arg23[%swap3A_112] {strides = array<i32>} : memref<1024xf32, #tpu.memory_space<vmem>>, vector<16xf32>,
    tpu.vector_store %arg23[%swap3A_112], %broadcast_in_dim3A_12 {strides = array<i32>} : memref<1024xf32, #tpu.memory_space<vmem>>, vector<16xf32>,
    %swap3A_114 = arith.constant 816 : index
    %swap3A_115 = tpu.vector_load %arg23[%swap3A_114] {strides = array<i32>} : memref<1024xf32, #tpu.memory_space<vmem>>, vector<16xf32>,
    tpu.vector_store %arg23[%swap3A_114], %broadcast_in_dim3A_12 {strides = array<i32>} : memref<1024xf32, #tpu.memory_space<vmem>>, vector<16xf32>,
    %swap3A_116 = arith.constant 832 : index
    %swap3A_117 = tpu.vector_load %arg23[%swap3A_116] {strides = array<i32>} : memref<1024xf32, #tpu.memory_space<vmem>>, vector<16xf32>,
    tpu.vector_store %arg23[%swap3A_116], %broadcast_in_dim3A_12 {strides = array<i32>} : memref<1024xf32, #tpu.memory_space<vmem>>, vector<16xf32>,
    %swap3A_118 = arith.constant 848 : index
    %swap3A_119 = tpu.vector_load %arg23[%swap3A_118] {strides = array<i32>} : memref<1024xf32, #tpu.memory_space<vmem>>, vector<16xf32>,
    tpu.vector_store %arg23[%swap3A_118], %broadcast_in_dim3A_12 {strides = array<i32>} : memref<1024xf32, #tpu.memory_space<vmem>>, vector<16xf32>,
    %swap3A_120 = arith.constant 864 : index
    %swap3A_121 = tpu.vector_load %arg23[%swap3A_120] {strides = array<i32>} : memref<1024xf32, #tpu.memory_space<vmem>>, vector<16xf32>,
    tpu.vector_store %arg23[%swap3A_120], %broadcast_in_dim3A_12 {strides = array<i32>} : memref<1024xf32, #tpu.memory_space<vmem>>, vector<16xf32>,
    %swap3A_122 = arith.constant 880 : index
    %swap3A_123 = tpu.vector_load %arg23[%swap3A_122] {strides = array<i32>} : memref<1024xf32, #tpu.memory_space<vmem>>, vector<16xf32>,
    tpu.vector_store %arg23[%swap3A_122], %broadcast_in_dim3A_12 {strides = array<i32>} : memref<1024xf32, #tpu.memory_space<vmem>>, vector<16xf32>,
    %swap3A_124 = arith.constant 896 : index
    %swap3A_125 = tpu.vector_load %arg23[%swap3A_124] {strides = array<i32>} : memref<1024xf32, #tpu.memory_space<vmem>>, vector<16xf32>,
    tpu.vector_store %arg23[%swap3A_124], %broadcast_in_dim3A_12 {strides = array<i32>} : memref<1024xf32, #tpu.memory_space<vmem>>, vector<16xf32>,
    %swap3A_126 = arith.constant 912 : index
    %swap3A_127 = tpu.vector_load %arg23[%swap3A_126] {strides = array<i32>} : memref<1024xf32, #tpu.memory_space<vmem>>, vector<16xf32>,
    tpu.vector_store %arg23[%swap3A_126], %broadcast_in_dim3A_12 {strides = array<i32>} : memref<1024xf32, #tpu.memory_space<vmem>>, vector<16xf32>,
    %swap3A_128 = arith.constant 928 : index
    %swap3A_129 = tpu.vector_load %arg23[%swap3A_128] {strides = array<i32>} : memref<1024xf32, #tpu.memory_space<vmem>>, vector<16xf32>,
    tpu.vector_store %arg23[%swap3A_128], %broadcast_in_dim3A_12 {strides = array<i32>} : memref<1024xf32, #tpu.memory_space<vmem>>, vector<16xf32>,
    %swap3A_130 = arith.constant 944 : index
    %swap3A_131 = tpu.vector_load %arg23[%swap3A_130] {strides = array<i32>} : memref<1024xf32, #tpu.memory_space<vmem>>, vector<16xf32>,
    tpu.vector_store %arg23[%swap3A_130], %broadcast_in_dim3A_12 {strides = array<i32>} : memref<1024xf32, #tpu.memory_space<vmem>>, vector<16xf32>,
    %swap3A_132 = arith.constant 960 : index
    %swap3A_133 = tpu.vector_load %arg23[%swap3A_132] {strides = array<i32>} : memref<1024xf32, #tpu.memory_space<vmem>>, vector<16xf32>,
    tpu.vector_store %arg23[%swap3A_132], %broadcast_in_dim3A_12 {strides = array<i32>} : memref<1024xf32, #tpu.memory_space<vmem>>, vector<16xf32>,
    %swap3A_134 = arith.constant 976 : index
    %swap3A_135 = tpu.vector_load %arg23[%swap3A_134] {strides = array<i32>} : memref<1024xf32, #tpu.memory_space<vmem>>, vector<16xf32>,
    tpu.vector_store %arg23[%swap3A_134], %broadcast_in_dim3A_12 {strides = array<i32>} : memref<1024xf32, #tpu.memory_space<vmem>>, vector<16xf32>,
    %swap3A_136 = arith.constant 992 : index
    %swap3A_137 = tpu.vector_load %arg23[%swap3A_136] {strides = array<i32>} : memref<1024xf32, #tpu.memory_space<vmem>>, vector<16xf32>,
    tpu.vector_store %arg23[%swap3A_136], %broadcast_in_dim3A_12 {strides = array<i32>} : memref<1024xf32, #tpu.memory_space<vmem>>, vector<16xf32>,
    %swap3A_138 = arith.constant 1008 : index
    %swap3A_139 = tpu.vector_load %arg23[%swap3A_138] {strides = array<i32>} : memref<1024xf32, #tpu.memory_space<vmem>>, vector<16xf32>,
    tpu.vector_store %arg23[%swap3A_138], %broadcast_in_dim3A_12 {strides = array<i32>} : memref<1024xf32, #tpu.memory_space<vmem>>, vector<16xf32>,
    %barrier3A = arith.constant 0 : index
    tpu.barrier barrier_id(%barrier3A)
    tpu.enqueue_dma source(%arg24 : memref<66560xf32, #tpu.memory_space<vmem_shared>>) target(%arg13 : memref<66560xf32, #tpu.memory_space<vmem>>) target_semaphore(%arg27 : memref<!tpu.dma_semaphore, #tpu.memory_space<semaphore_mem>>)
    tpu.enqueue_dma source(%arg25 : memref<6760xf32, #tpu.memory_space<vmem_shared>>) target(%arg14 : memref<6760xf32, #tpu.memory_space<vmem>>) target_semaphore(%arg27 : memref<!tpu.dma_semaphore, #tpu.memory_space<semaphore_mem>>)
    tpu.enqueue_dma source(%arg26 : memref<1024xf32, #tpu.memory_space<vmem_shared>>) target(%arg15 : memref<1024xf32, #tpu.memory_space<vmem>>) target_semaphore(%arg27 : memref<!tpu.dma_semaphore, #tpu.memory_space<semaphore_mem>>)
    %dma_wait3A = tpu.memref_slice %arg5[%mul3A_2] : memref<16384xi32, #tpu.memory_space<hbm>> -> memref<512xi32, #tpu.memory_space<hbm>>
    %dma_wait3A_140 = tpu.memref_slice %arg5[%mul3A_2] : memref<16384xi32, #tpu.memory_space<hbm>> -> memref<512xi32, #tpu.memory_space<hbm>>
    tpu.wait_dma2 semaphore(%arg27 : memref<!tpu.dma_semaphore, #tpu.memory_space<semaphore_mem>>) src(%dma_wait3A_140 : memref<512xi32, #tpu.memory_space<hbm>>) dst(%arg16 : memref<512xi32, #tpu.memory_space<vmem>>)
    %dma_wait3A_141 = tpu.memref_slice %arg6[%mul3A_2] : memref<16384xi32, #tpu.memory_space<hbm>> -> memref<512xi32, #tpu.memory_space<hbm>>
    %dma_wait3A_142 = tpu.memref_slice %arg6[%mul3A_2] : memref<16384xi32, #tpu.memory_space<hbm>> -> memref<512xi32, #tpu.memory_space<hbm>>
    tpu.wait_dma2 semaphore(%arg27 : memref<!tpu.dma_semaphore, #tpu.memory_space<semaphore_mem>>) src(%dma_wait3A_142 : memref<512xi32, #tpu.memory_space<hbm>>) dst(%arg17 : memref<512xi32, #tpu.memory_space<vmem>>)
    %dma_wait3A_143 = tpu.memref_slice %arg7[%mul3A_2] : memref<16384xi32, #tpu.memory_space<hbm>> -> memref<512xi32, #tpu.memory_space<hbm>>
    %dma_wait3A_144 = tpu.memref_slice %arg7[%mul3A_2] : memref<16384xi32, #tpu.memory_space<hbm>> -> memref<512xi32, #tpu.memory_space<hbm>>
    tpu.wait_dma2 semaphore(%arg27 : memref<!tpu.dma_semaphore, #tpu.memory_space<semaphore_mem>>) src(%dma_wait3A_144 : memref<512xi32, #tpu.memory_space<hbm>>) dst(%arg18 : memref<512xi32, #tpu.memory_space<vmem>>)
    %dma_wait3A_145 = tpu.memref_slice %arg8[%mul3A_2] : memref<16384xi32, #tpu.memory_space<hbm>> -> memref<512xi32, #tpu.memory_space<hbm>>
    %dma_wait3A_146 = tpu.memref_slice %arg8[%mul3A_2] : memref<16384xi32, #tpu.memory_space<hbm>> -> memref<512xi32, #tpu.memory_space<hbm>>
    tpu.wait_dma2 semaphore(%arg27 : memref<!tpu.dma_semaphore, #tpu.memory_space<semaphore_mem>>) src(%dma_wait3A_146 : memref<512xi32, #tpu.memory_space<hbm>>) dst(%arg19 : memref<512xi32, #tpu.memory_space<vmem>>)
    tpu.wait_dma2 semaphore(%arg27 : memref<!tpu.dma_semaphore, #tpu.memory_space<semaphore_mem>>) src(%arg24 : memref<66560xf32, #tpu.memory_space<vmem_shared>>) dst(%arg13 : memref<66560xf32, #tpu.memory_space<vmem>>)
    tpu.wait_dma2 semaphore(%arg27 : memref<!tpu.dma_semaphore, #tpu.memory_space<semaphore_mem>>) src(%arg25 : memref<6760xf32, #tpu.memory_space<vmem_shared>>) dst(%arg14 : memref<6760xf32, #tpu.memory_space<vmem>>)
    tpu.wait_dma2 semaphore(%arg27 : memref<!tpu.dma_semaphore, #tpu.memory_space<semaphore_mem>>) src(%arg26 : memref<1024xf32, #tpu.memory_space<vmem_shared>>) dst(%arg15 : memref<1024xf32, #tpu.memory_space<vmem>>)
    %broadcast_in_dim3A_147 = arith.constant 1.000000e+00 : f32
    "tpu.trace_stop"() : () -> ()
    %broadcast_in_dim3A_148 = vector.broadcast %broadcast_in_dim3A_147 : f32 to vector<16xf32>
    %parallel_loop3A = arith.constant 0 : i32
    %parallel_loop3A_149 = arith.constant 32 : i32
    %parallel_loop3A_150 = arith.constant 1 : i32
    "tpu.trace_start"() <{level = 10 : i32, message = "gatherloop"}> : () -> ()
    scf.for %parallel_loop3A_151 = %parallel_loop3A to %parallel_loop3A_149 step %parallel_loop3A_150  : i32 {
      %parallel_loop3A_152 = arith.constant 16 : i32
      %parallel_loop3A_153 = arith.muli %parallel_loop3A_151, %parallel_loop3A_152 : i32
      %parallel_loop3A_154 = arith.index_cast %parallel_loop3A_153 : i32 to index
      %parallel_loop3A_155 = tpu.vector_load %arg16[%parallel_loop3A_154] {strides = array<i32>} : memref<512xi32, #tpu.memory_space<vmem>>, vector<16xi32>,
      %parallel_loop3A_156 = arith.index_cast %parallel_loop3A_153 : i32 to index
      %parallel_loop3A_157 = tpu.vector_load %arg17[%parallel_loop3A_156] {strides = array<i32>} : memref<512xi32, #tpu.memory_space<vmem>>, vector<16xi32>,
      %parallel_loop3A_158 = arith.index_cast %parallel_loop3A_153 : i32 to index
      %parallel_loop3A_159 = tpu.vector_load %arg18[%parallel_loop3A_158] {strides = array<i32>} : memref<512xi32, #tpu.memory_space<vmem>>, vector<16xi32>,
      %parallel_loop3A_160 = arith.index_cast %parallel_loop3A_153 : i32 to index
      %parallel_loop3A_161 = tpu.vector_load %arg19[%parallel_loop3A_160] {strides = array<i32>} : memref<512xi32, #tpu.memory_space<vmem>>, vector<16xi32>,
      %parallel_loop3A_162 = tpu.vector_load_idx %arg15[%parallel_loop3A_159] : memref<1024xf32, #tpu.memory_space<vmem>>[vector<16xi32>], vector<16xf32>,
      %parallel_loop3A_163 = tpu.vector_load_idx %arg15[%parallel_loop3A_161] : memref<1024xf32, #tpu.memory_space<vmem>>[vector<16xi32>], vector<16xf32>,
      %parallel_loop3A_164 = arith.constant 65 : i32
      %parallel_loop3A_165 = vector.broadcast %parallel_loop3A_164 : i32 to vector<16xi32>
      %parallel_loop3A_166 = arith.muli %parallel_loop3A_155, %parallel_loop3A_165 : vector<16xi32>
      %parallel_loop3A_167 = arith.constant 65 : i32
      %parallel_loop3A_168 = vector.broadcast %parallel_loop3A_167 : i32 to vector<16xi32>
      %parallel_loop3A_169 = arith.muli %parallel_loop3A_157, %parallel_loop3A_168 : vector<16xi32>
      %parallel_loop3A_170 = arith.constant 65 : i32
      %parallel_loop3A_171 = vector.broadcast %parallel_loop3A_170 : i32 to vector<16xi32>
      %parallel_loop3A_172 = arith.muli %parallel_loop3A_159, %parallel_loop3A_171 : vector<16xi32>
      %parallel_loop3A_173 = arith.constant 65 : i32
      %parallel_loop3A_174 = vector.broadcast %parallel_loop3A_173 : i32 to vector<16xi32>
      %parallel_loop3A_175 = arith.muli %parallel_loop3A_161, %parallel_loop3A_174 : vector<16xi32>
      %parallel_loop3A_176 = arith.constant 0.000000e+00 : f32
      %parallel_loop3A_177 = vector.broadcast %parallel_loop3A_176 : f32 to vector<16xf32>
      %parallel_loop3A_178 = arith.constant 0.000000e+00 : f32
      %parallel_loop3A_179 = vector.broadcast %parallel_loop3A_178 : f32 to vector<16xf32>
      %parallel_loop3A_180 = arith.constant 0.000000e+00 : f32
      %parallel_loop3A_181 = vector.broadcast %parallel_loop3A_180 : f32 to vector<16xf32>
      %parallel_loop3A_182 = arith.constant 0.000000e+00 : f32
      %parallel_loop3A_183 = vector.broadcast %parallel_loop3A_182 : f32 to vector<16xf32>
      %parallel_loop3A_184 = arith.constant 0 : i32
      %parallel_loop3A_185 = vector.broadcast %parallel_loop3A_184 : i32 to vector<16xi32>
      %parallel_loop3A_186 = arith.addi %parallel_loop3A_169, %parallel_loop3A_185 : vector<16xi32>
      %parallel_loop3A_187 = tpu.vector_load_idx %arg13[%parallel_loop3A_186] : memref<66560xf32, #tpu.memory_space<vmem>>[vector<16xi32>], vector<16xf32>,
      %parallel_loop3A_188 = arith.constant 0 : i32
      %parallel_loop3A_189 = vector.broadcast %parallel_loop3A_188 : i32 to vector<16xi32>
      %parallel_loop3A_190 = arith.addi %parallel_loop3A_166, %parallel_loop3A_189 : vector<16xi32>
      %parallel_loop3A_191 = tpu.vector_load_idx %arg14[%parallel_loop3A_190] : memref<6760xf32, #tpu.memory_space<vmem>>[vector<16xi32>], vector<16xf32>,
      %parallel_loop3A_192 = arith.addf %parallel_loop3A_187, %parallel_loop3A_191 : vector<16xf32>
      %parallel_loop3A_193 = arith.constant 0 : i32
      %parallel_loop3A_194 = vector.broadcast %parallel_loop3A_193 : i32 to vector<16xi32>
      %parallel_loop3A_195 = arith.addi %parallel_loop3A_172, %parallel_loop3A_194 : vector<16xi32>
      %parallel_loop3A_196 = tpu.vector_load_idx %arg13[%parallel_loop3A_195] : memref<66560xf32, #tpu.memory_space<vmem>>[vector<16xi32>], vector<16xf32>,
      %parallel_loop3A_197 = arith.subf %parallel_loop3A_192, %parallel_loop3A_196 : vector<16xf32>
      %parallel_loop3A_198 = arith.constant 0 : i32
      %parallel_loop3A_199 = vector.broadcast %parallel_loop3A_198 : i32 to vector<16xi32>
      %parallel_loop3A_200 = arith.addi %parallel_loop3A_175, %parallel_loop3A_199 : vector<16xi32>
      %parallel_loop3A_201 = tpu.vector_load_idx %arg13[%parallel_loop3A_200] : memref<66560xf32, #tpu.memory_space<vmem>>[vector<16xi32>], vector<16xf32>,
      %parallel_loop3A_202 = arith.subf %parallel_loop3A_192, %parallel_loop3A_201 : vector<16xf32>
      %parallel_loop3A_203 = arith.mulf %parallel_loop3A_197, %parallel_loop3A_197 : vector<16xf32>
      %parallel_loop3A_204 = arith.addf %parallel_loop3A_177, %parallel_loop3A_203 : vector<16xf32>
      %parallel_loop3A_205 = arith.mulf %parallel_loop3A_202, %parallel_loop3A_202 : vector<16xf32>
      %parallel_loop3A_206 = arith.addf %parallel_loop3A_181, %parallel_loop3A_205 : vector<16xf32>
      %parallel_loop3A_207 = arith.constant 1 : i32
      %parallel_loop3A_208 = vector.broadcast %parallel_loop3A_207 : i32 to vector<16xi32>
      %parallel_loop3A_209 = arith.addi %parallel_loop3A_169, %parallel_loop3A_208 : vector<16xi32>
      %parallel_loop3A_210 = tpu.vector_load_idx %arg13[%parallel_loop3A_209] : memref<66560xf32, #tpu.memory_space<vmem>>[vector<16xi32>], vector<16xf32>,
      %parallel_loop3A_211 = arith.constant 1 : i32
      %parallel_loop3A_212 = vector.broadcast %parallel_loop3A_211 : i32 to vector<16xi32>
      %parallel_loop3A_213 = arith.addi %parallel_loop3A_166, %parallel_loop3A_212 : vector<16xi32>
      %parallel_loop3A_214 = tpu.vector_load_idx %arg14[%parallel_loop3A_213] : memref<6760xf32, #tpu.memory_space<vmem>>[vector<16xi32>], vector<16xf32>,
      %parallel_loop3A_215 = arith.addf %parallel_loop3A_210, %parallel_loop3A_214 : vector<16xf32>
      %parallel_loop3A_216 = arith.constant 1 : i32
      %parallel_loop3A_217 = vector.broadcast %parallel_loop3A_216 : i32 to vector<16xi32>
      %parallel_loop3A_218 = arith.addi %parallel_loop3A_172, %parallel_loop3A_217 : vector<16xi32>
      %parallel_loop3A_219 = tpu.vector_load_idx %arg13[%parallel_loop3A_218] : memref<66560xf32, #tpu.memory_space<vmem>>[vector<16xi32>], vector<16xf32>,
      %parallel_loop3A_220 = arith.subf %parallel_loop3A_215, %parallel_loop3A_219 : vector<16xf32>
      %parallel_loop3A_221 = arith.constant 1 : i32
      %parallel_loop3A_222 = vector.broadcast %parallel_loop3A_221 : i32 to vector<16xi32>
      %parallel_loop3A_223 = arith.addi %parallel_loop3A_175, %parallel_loop3A_222 : vector<16xi32>
      %parallel_loop3A_224 = tpu.vector_load_idx %arg13[%parallel_loop3A_223] : memref<66560xf32, #tpu.memory_space<vmem>>[vector<16xi32>], vector<16xf32>,
      %parallel_loop3A_225 = arith.subf %parallel_loop3A_215, %parallel_loop3A_224 : vector<16xf32>
      %parallel_loop3A_226 = arith.mulf %parallel_loop3A_220, %parallel_loop3A_220 : vector<16xf32>
      %parallel_loop3A_227 = arith.addf %parallel_loop3A_179, %parallel_loop3A_226 : vector<16xf32>
      %parallel_loop3A_228 = arith.mulf %parallel_loop3A_225, %parallel_loop3A_225 : vector<16xf32>
      %parallel_loop3A_229 = arith.addf %parallel_loop3A_183, %parallel_loop3A_228 : vector<16xf32>
      %parallel_loop3A_230 = arith.constant 2 : i32
      %parallel_loop3A_231 = vector.broadcast %parallel_loop3A_230 : i32 to vector<16xi32>
      %parallel_loop3A_232 = arith.addi %parallel_loop3A_169, %parallel_loop3A_231 : vector<16xi32>
      %parallel_loop3A_233 = tpu.vector_load_idx %arg13[%parallel_loop3A_232] : memref<66560xf32, #tpu.memory_space<vmem>>[vector<16xi32>], vector<16xf32>,
      %parallel_loop3A_234 = arith.constant 2 : i32
      %parallel_loop3A_235 = vector.broadcast %parallel_loop3A_234 : i32 to vector<16xi32>
      %parallel_loop3A_236 = arith.addi %parallel_loop3A_166, %parallel_loop3A_235 : vector<16xi32>
      %parallel_loop3A_237 = tpu.vector_load_idx %arg14[%parallel_loop3A_236] : memref<6760xf32, #tpu.memory_space<vmem>>[vector<16xi32>], vector<16xf32>,
      %parallel_loop3A_238 = arith.addf %parallel_loop3A_233, %parallel_loop3A_237 : vector<16xf32>
      %parallel_loop3A_239 = arith.constant 2 : i32
      %parallel_loop3A_240 = vector.broadcast %parallel_loop3A_239 : i32 to vector<16xi32>
      %parallel_loop3A_241 = arith.addi %parallel_loop3A_172, %parallel_loop3A_240 : vector<16xi32>
      %parallel_loop3A_242 = tpu.vector_load_idx %arg13[%parallel_loop3A_241] : memref<66560xf32, #tpu.memory_space<vmem>>[vector<16xi32>], vector<16xf32>,
      %parallel_loop3A_243 = arith.subf %parallel_loop3A_238, %parallel_loop3A_242 : vector<16xf32>
      %parallel_loop3A_244 = arith.constant 2 : i32
      %parallel_loop3A_245 = vector.broadcast %parallel_loop3A_244 : i32 to vector<16xi32>
      %parallel_loop3A_246 = arith.addi %parallel_loop3A_175, %parallel_loop3A_245 : vector<16xi32>
      %parallel_loop3A_247 = tpu.vector_load_idx %arg13[%parallel_loop3A_246] : memref<66560xf32, #tpu.memory_space<vmem>>[vector<16xi32>], vector<16xf32>,
      %parallel_loop3A_248 = arith.subf %parallel_loop3A_238, %parallel_loop3A_247 : vector<16xf32>
      %parallel_loop3A_249 = arith.mulf %parallel_loop3A_243, %parallel_loop3A_243 : vector<16xf32>
      %parallel_loop3A_250 = arith.addf %parallel_loop3A_204, %parallel_loop3A_249 : vector<16xf32>
      %parallel_loop3A_251 = arith.mulf %parallel_loop3A_248, %parallel_loop3A_248 : vector<16xf32>
      %parallel_loop3A_252 = arith.addf %parallel_loop3A_206, %parallel_loop3A_251 : vector<16xf32>
      %parallel_loop3A_253 = arith.constant 3 : i32
      %parallel_loop3A_254 = vector.broadcast %parallel_loop3A_253 : i32 to vector<16xi32>
      %parallel_loop3A_255 = arith.addi %parallel_loop3A_169, %parallel_loop3A_254 : vector<16xi32>
      %parallel_loop3A_256 = tpu.vector_load_idx %arg13[%parallel_loop3A_255] : memref<66560xf32, #tpu.memory_space<vmem>>[vector<16xi32>], vector<16xf32>,
      %parallel_loop3A_257 = arith.constant 3 : i32
      %parallel_loop3A_258 = vector.broadcast %parallel_loop3A_257 : i32 to vector<16xi32>
      %parallel_loop3A_259 = arith.addi %parallel_loop3A_166, %parallel_loop3A_258 : vector<16xi32>
      %parallel_loop3A_260 = tpu.vector_load_idx %arg14[%parallel_loop3A_259] : memref<6760xf32, #tpu.memory_space<vmem>>[vector<16xi32>], vector<16xf32>,
      %parallel_loop3A_261 = arith.addf %parallel_loop3A_256, %parallel_loop3A_260 : vector<16xf32>
      %parallel_loop3A_262 = arith.constant 3 : i32
      %parallel_loop3A_263 = vector.broadcast %parallel_loop3A_262 : i32 to vector<16xi32>
      %parallel_loop3A_264 = arith.addi %parallel_loop3A_172, %parallel_loop3A_263 : vector<16xi32>
      %parallel_loop3A_265 = tpu.vector_load_idx %arg13[%parallel_loop3A_264] : memref<66560xf32, #tpu.memory_space<vmem>>[vector<16xi32>], vector<16xf32>,
      %parallel_loop3A_266 = arith.subf %parallel_loop3A_261, %parallel_loop3A_265 : vector<16xf32>
      %parallel_loop3A_267 = arith.constant 3 : i32
      %parallel_loop3A_268 = vector.broadcast %parallel_loop3A_267 : i32 to vector<16xi32>
      %parallel_loop3A_269 = arith.addi %parallel_loop3A_175, %parallel_loop3A_268 : vector<16xi32>
      %parallel_loop3A_270 = tpu.vector_load_idx %arg13[%parallel_loop3A_269] : memref<66560xf32, #tpu.memory_space<vmem>>[vector<16xi32>], vector<16xf32>,
      %parallel_loop3A_271 = arith.subf %parallel_loop3A_261, %parallel_loop3A_270 : vector<16xf32>
      %parallel_loop3A_272 = arith.mulf %parallel_loop3A_266, %parallel_loop3A_266 : vector<16xf32>
      %parallel_loop3A_273 = arith.addf %parallel_loop3A_227, %parallel_loop3A_272 : vector<16xf32>
      %parallel_loop3A_274 = arith.mulf %parallel_loop3A_271, %parallel_loop3A_271 : vector<16xf32>
      %parallel_loop3A_275 = arith.addf %parallel_loop3A_229, %parallel_loop3A_274 : vector<16xf32>
      %parallel_loop3A_276 = arith.constant 4 : i32
      %parallel_loop3A_277 = vector.broadcast %parallel_loop3A_276 : i32 to vector<16xi32>
      %parallel_loop3A_278 = arith.addi %parallel_loop3A_169, %parallel_loop3A_277 : vector<16xi32>
      %parallel_loop3A_279 = tpu.vector_load_idx %arg13[%parallel_loop3A_278] : memref<66560xf32, #tpu.memory_space<vmem>>[vector<16xi32>], vector<16xf32>,
      %parallel_loop3A_280 = arith.constant 4 : i32
      %parallel_loop3A_281 = vector.broadcast %parallel_loop3A_280 : i32 to vector<16xi32>
      %parallel_loop3A_282 = arith.addi %parallel_loop3A_166, %parallel_loop3A_281 : vector<16xi32>
      %parallel_loop3A_283 = tpu.vector_load_idx %arg14[%parallel_loop3A_282] : memref<6760xf32, #tpu.memory_space<vmem>>[vector<16xi32>], vector<16xf32>,
      %parallel_loop3A_284 = arith.addf %parallel_loop3A_279, %parallel_loop3A_283 : vector<16xf32>
      %parallel_loop3A_285 = arith.constant 4 : i32
      %parallel_loop3A_286 = vector.broadcast %parallel_loop3A_285 : i32 to vector<16xi32>
      %parallel_loop3A_287 = arith.addi %parallel_loop3A_172, %parallel_loop3A_286 : vector<16xi32>
      %parallel_loop3A_288 = tpu.vector_load_idx %arg13[%parallel_loop3A_287] : memref<66560xf32, #tpu.memory_space<vmem>>[vector<16xi32>], vector<16xf32>,
      %parallel_loop3A_289 = arith.subf %parallel_loop3A_284, %parallel_loop3A_288 : vector<16xf32>
      %parallel_loop3A_290 = arith.constant 4 : i32
      %parallel_loop3A_291 = vector.broadcast %parallel_loop3A_290 : i32 to vector<16xi32>
      %parallel_loop3A_292 = arith.addi %parallel_loop3A_175, %parallel_loop3A_291 : vector<16xi32>
      %parallel_loop3A_293 = tpu.vector_load_idx %arg13[%parallel_loop3A_292] : memref<66560xf32, #tpu.memory_space<vmem>>[vector<16xi32>], vector<16xf32>,
      %parallel_loop3A_294 = arith.subf %parallel_loop3A_284, %parallel_loop3A_293 : vector<16xf32>
      %parallel_loop3A_295 = arith.mulf %parallel_loop3A_289, %parallel_loop3A_289 : vector<16xf32>
      %parallel_loop3A_296 = arith.addf %parallel_loop3A_250, %parallel_loop3A_295 : vector<16xf32>
      %parallel_loop3A_297 = arith.mulf %parallel_loop3A_294, %parallel_loop3A_294 : vector<16xf32>
      %parallel_loop3A_298 = arith.addf %parallel_loop3A_252, %parallel_loop3A_297 : vector<16xf32>
      %parallel_loop3A_299 = arith.constant 5 : i32
      %parallel_loop3A_300 = vector.broadcast %parallel_loop3A_299 : i32 to vector<16xi32>
      %parallel_loop3A_301 = arith.addi %parallel_loop3A_169, %parallel_loop3A_300 : vector<16xi32>
      %parallel_loop3A_302 = tpu.vector_load_idx %arg13[%parallel_loop3A_301] : memref<66560xf32, #tpu.memory_space<vmem>>[vector<16xi32>], vector<16xf32>,
      %parallel_loop3A_303 = arith.constant 5 : i32
      %parallel_loop3A_304 = vector.broadcast %parallel_loop3A_303 : i32 to vector<16xi32>
      %parallel_loop3A_305 = arith.addi %parallel_loop3A_166, %parallel_loop3A_304 : vector<16xi32>
      %parallel_loop3A_306 = tpu.vector_load_idx %arg14[%parallel_loop3A_305] : memref<6760xf32, #tpu.memory_space<vmem>>[vector<16xi32>], vector<16xf32>,
      %parallel_loop3A_307 = arith.addf %parallel_loop3A_302, %parallel_loop3A_306 : vector<16xf32>
      %parallel_loop3A_308 = arith.constant 5 : i32
      %parallel_loop3A_309 = vector.broadcast %parallel_loop3A_308 : i32 to vector<16xi32>
      %parallel_loop3A_310 = arith.addi %parallel_loop3A_172, %parallel_loop3A_309 : vector<16xi32>
      %parallel_loop3A_311 = tpu.vector_load_idx %arg13[%parallel_loop3A_310] : memref<66560xf32, #tpu.memory_space<vmem>>[vector<16xi32>], vector<16xf32>,
      %parallel_loop3A_312 = arith.subf %parallel_loop3A_307, %parallel_loop3A_311 : vector<16xf32>
      %parallel_loop3A_313 = arith.constant 5 : i32
      %parallel_loop3A_314 = vector.broadcast %parallel_loop3A_313 : i32 to vector<16xi32>
      %parallel_loop3A_315 = arith.addi %parallel_loop3A_175, %parallel_loop3A_314 : vector<16xi32>
      %parallel_loop3A_316 = tpu.vector_load_idx %arg13[%parallel_loop3A_315] : memref<66560xf32, #tpu.memory_space<vmem>>[vector<16xi32>], vector<16xf32>,
      %parallel_loop3A_317 = arith.subf %parallel_loop3A_307, %parallel_loop3A_316 : vector<16xf32>
      %parallel_loop3A_318 = arith.mulf %parallel_loop3A_312, %parallel_loop3A_312 : vector<16xf32>
      %parallel_loop3A_319 = arith.addf %parallel_loop3A_273, %parallel_loop3A_318 : vector<16xf32>
      %parallel_loop3A_320 = arith.mulf %parallel_loop3A_317, %parallel_loop3A_317 : vector<16xf32>
      %parallel_loop3A_321 = arith.addf %parallel_loop3A_275, %parallel_loop3A_320 : vector<16xf32>
      %parallel_loop3A_322 = arith.constant 6 : i32
      %parallel_loop3A_323 = vector.broadcast %parallel_loop3A_322 : i32 to vector<16xi32>
      %parallel_loop3A_324 = arith.addi %parallel_loop3A_169, %parallel_loop3A_323 : vector<16xi32>
      %parallel_loop3A_325 = tpu.vector_load_idx %arg13[%parallel_loop3A_324] : memref<66560xf32, #tpu.memory_space<vmem>>[vector<16xi32>], vector<16xf32>,
      %parallel_loop3A_326 = arith.constant 6 : i32
      %parallel_loop3A_327 = vector.broadcast %parallel_loop3A_326 : i32 to vector<16xi32>
      %parallel_loop3A_328 = arith.addi %parallel_loop3A_166, %parallel_loop3A_327 : vector<16xi32>
      %parallel_loop3A_329 = tpu.vector_load_idx %arg14[%parallel_loop3A_328] : memref<6760xf32, #tpu.memory_space<vmem>>[vector<16xi32>], vector<16xf32>,
      %parallel_loop3A_330 = arith.addf %parallel_loop3A_325, %parallel_loop3A_329 : vector<16xf32>
      %parallel_loop3A_331 = arith.constant 6 : i32
      %parallel_loop3A_332 = vector.broadcast %parallel_loop3A_331 : i32 to vector<16xi32>
      %parallel_loop3A_333 = arith.addi %parallel_loop3A_172, %parallel_loop3A_332 : vector<16xi32>
      %parallel_loop3A_334 = tpu.vector_load_idx %arg13[%parallel_loop3A_333] : memref<66560xf32, #tpu.memory_space<vmem>>[vector<16xi32>], vector<16xf32>,
      %parallel_loop3A_335 = arith.subf %parallel_loop3A_330, %parallel_loop3A_334 : vector<16xf32>
      %parallel_loop3A_336 = arith.constant 6 : i32
      %parallel_loop3A_337 = vector.broadcast %parallel_loop3A_336 : i32 to vector<16xi32>
      %parallel_loop3A_338 = arith.addi %parallel_loop3A_175, %parallel_loop3A_337 : vector<16xi32>
      %parallel_loop3A_339 = tpu.vector_load_idx %arg13[%parallel_loop3A_338] : memref<66560xf32, #tpu.memory_space<vmem>>[vector<16xi32>], vector<16xf32>,
      %parallel_loop3A_340 = arith.subf %parallel_loop3A_330, %parallel_loop3A_339 : vector<16xf32>
      %parallel_loop3A_341 = arith.mulf %parallel_loop3A_335, %parallel_loop3A_335 : vector<16xf32>
      %parallel_loop3A_342 = arith.addf %parallel_loop3A_296, %parallel_loop3A_341 : vector<16xf32>
      %parallel_loop3A_343 = arith.mulf %parallel_loop3A_340, %parallel_loop3A_340 : vector<16xf32>
      %parallel_loop3A_344 = arith.addf %parallel_loop3A_298, %parallel_loop3A_343 : vector<16xf32>
      %parallel_loop3A_345 = arith.constant 7 : i32
      %parallel_loop3A_346 = vector.broadcast %parallel_loop3A_345 : i32 to vector<16xi32>
      %parallel_loop3A_347 = arith.addi %parallel_loop3A_169, %parallel_loop3A_346 : vector<16xi32>
      %parallel_loop3A_348 = tpu.vector_load_idx %arg13[%parallel_loop3A_347] : memref<66560xf32, #tpu.memory_space<vmem>>[vector<16xi32>], vector<16xf32>,
      %parallel_loop3A_349 = arith.constant 7 : i32
      %parallel_loop3A_350 = vector.broadcast %parallel_loop3A_349 : i32 to vector<16xi32>
      %parallel_loop3A_351 = arith.addi %parallel_loop3A_166, %parallel_loop3A_350 : vector<16xi32>
      %parallel_loop3A_352 = tpu.vector_load_idx %arg14[%parallel_loop3A_351] : memref<6760xf32, #tpu.memory_space<vmem>>[vector<16xi32>], vector<16xf32>,
      %parallel_loop3A_353 = arith.addf %parallel_loop3A_348, %parallel_loop3A_352 : vector<16xf32>
      %parallel_loop3A_354 = arith.constant 7 : i32
      %parallel_loop3A_355 = vector.broadcast %parallel_loop3A_354 : i32 to vector<16xi32>
      %parallel_loop3A_356 = arith.addi %parallel_loop3A_172, %parallel_loop3A_355 : vector<16xi32>
      %parallel_loop3A_357 = tpu.vector_load_idx %arg13[%parallel_loop3A_356] : memref<66560xf32, #tpu.memory_space<vmem>>[vector<16xi32>], vector<16xf32>,
      %parallel_loop3A_358 = arith.subf %parallel_loop3A_353, %parallel_loop3A_357 : vector<16xf32>
      %parallel_loop3A_359 = arith.constant 7 : i32
      %parallel_loop3A_360 = vector.broadcast %parallel_loop3A_359 : i32 to vector<16xi32>
      %parallel_loop3A_361 = arith.addi %parallel_loop3A_175, %parallel_loop3A_360 : vector<16xi32>
      %parallel_loop3A_362 = tpu.vector_load_idx %arg13[%parallel_loop3A_361] : memref<66560xf32, #tpu.memory_space<vmem>>[vector<16xi32>], vector<16xf32>,
      %parallel_loop3A_363 = arith.subf %parallel_loop3A_353, %parallel_loop3A_362 : vector<16xf32>
      %parallel_loop3A_364 = arith.mulf %parallel_loop3A_358, %parallel_loop3A_358 : vector<16xf32>
      %parallel_loop3A_365 = arith.addf %parallel_loop3A_319, %parallel_loop3A_364 : vector<16xf32>
      %parallel_loop3A_366 = arith.mulf %parallel_loop3A_363, %parallel_loop3A_363 : vector<16xf32>
      %parallel_loop3A_367 = arith.addf %parallel_loop3A_321, %parallel_loop3A_366 : vector<16xf32>
      %parallel_loop3A_368 = arith.constant 8 : i32
      %parallel_loop3A_369 = vector.broadcast %parallel_loop3A_368 : i32 to vector<16xi32>
      %parallel_loop3A_370 = arith.addi %parallel_loop3A_169, %parallel_loop3A_369 : vector<16xi32>
      %parallel_loop3A_371 = tpu.vector_load_idx %arg13[%parallel_loop3A_370] : memref<66560xf32, #tpu.memory_space<vmem>>[vector<16xi32>], vector<16xf32>,
      %parallel_loop3A_372 = arith.constant 8 : i32
      %parallel_loop3A_373 = vector.broadcast %parallel_loop3A_372 : i32 to vector<16xi32>
      %parallel_loop3A_374 = arith.addi %parallel_loop3A_166, %parallel_loop3A_373 : vector<16xi32>
      %parallel_loop3A_375 = tpu.vector_load_idx %arg14[%parallel_loop3A_374] : memref<6760xf32, #tpu.memory_space<vmem>>[vector<16xi32>], vector<16xf32>,
      %parallel_loop3A_376 = arith.addf %parallel_loop3A_371, %parallel_loop3A_375 : vector<16xf32>
      %parallel_loop3A_377 = arith.constant 8 : i32
      %parallel_loop3A_378 = vector.broadcast %parallel_loop3A_377 : i32 to vector<16xi32>
      %parallel_loop3A_379 = arith.addi %parallel_loop3A_172, %parallel_loop3A_378 : vector<16xi32>
      %parallel_loop3A_380 = tpu.vector_load_idx %arg13[%parallel_loop3A_379] : memref<66560xf32, #tpu.memory_space<vmem>>[vector<16xi32>], vector<16xf32>,
      %parallel_loop3A_381 = arith.subf %parallel_loop3A_376, %parallel_loop3A_380 : vector<16xf32>
      %parallel_loop3A_382 = arith.constant 8 : i32
      %parallel_loop3A_383 = vector.broadcast %parallel_loop3A_382 : i32 to vector<16xi32>
      %parallel_loop3A_384 = arith.addi %parallel_loop3A_175, %parallel_loop3A_383 : vector<16xi32>
      %parallel_loop3A_385 = tpu.vector_load_idx %arg13[%parallel_loop3A_384] : memref<66560xf32, #tpu.memory_space<vmem>>[vector<16xi32>], vector<16xf32>,
      %parallel_loop3A_386 = arith.subf %parallel_loop3A_376, %parallel_loop3A_385 : vector<16xf32>
      %parallel_loop3A_387 = arith.mulf %parallel_loop3A_381, %parallel_loop3A_381 : vector<16xf32>
      %parallel_loop3A_388 = arith.addf %parallel_loop3A_342, %parallel_loop3A_387 : vector<16xf32>
      %parallel_loop3A_389 = arith.mulf %parallel_loop3A_386, %parallel_loop3A_386 : vector<16xf32>
      %parallel_loop3A_390 = arith.addf %parallel_loop3A_344, %parallel_loop3A_389 : vector<16xf32>
      %parallel_loop3A_391 = arith.constant 9 : i32
      %parallel_loop3A_392 = vector.broadcast %parallel_loop3A_391 : i32 to vector<16xi32>
      %parallel_loop3A_393 = arith.addi %parallel_loop3A_169, %parallel_loop3A_392 : vector<16xi32>
      %parallel_loop3A_394 = tpu.vector_load_idx %arg13[%parallel_loop3A_393] : memref<66560xf32, #tpu.memory_space<vmem>>[vector<16xi32>], vector<16xf32>,
      %parallel_loop3A_395 = arith.constant 9 : i32
      %parallel_loop3A_396 = vector.broadcast %parallel_loop3A_395 : i32 to vector<16xi32>
      %parallel_loop3A_397 = arith.addi %parallel_loop3A_166, %parallel_loop3A_396 : vector<16xi32>
      %parallel_loop3A_398 = tpu.vector_load_idx %arg14[%parallel_loop3A_397] : memref<6760xf32, #tpu.memory_space<vmem>>[vector<16xi32>], vector<16xf32>,
      %parallel_loop3A_399 = arith.addf %parallel_loop3A_394, %parallel_loop3A_398 : vector<16xf32>
      %parallel_loop3A_400 = arith.constant 9 : i32
      %parallel_loop3A_401 = vector.broadcast %parallel_loop3A_400 : i32 to vector<16xi32>
      %parallel_loop3A_402 = arith.addi %parallel_loop3A_172, %parallel_loop3A_401 : vector<16xi32>
      %parallel_loop3A_403 = tpu.vector_load_idx %arg13[%parallel_loop3A_402] : memref<66560xf32, #tpu.memory_space<vmem>>[vector<16xi32>], vector<16xf32>,
      %parallel_loop3A_404 = arith.subf %parallel_loop3A_399, %parallel_loop3A_403 : vector<16xf32>
      %parallel_loop3A_405 = arith.constant 9 : i32
      %parallel_loop3A_406 = vector.broadcast %parallel_loop3A_405 : i32 to vector<16xi32>
      %parallel_loop3A_407 = arith.addi %parallel_loop3A_175, %parallel_loop3A_406 : vector<16xi32>
      %parallel_loop3A_408 = tpu.vector_load_idx %arg13[%parallel_loop3A_407] : memref<66560xf32, #tpu.memory_space<vmem>>[vector<16xi32>], vector<16xf32>,
      %parallel_loop3A_409 = arith.subf %parallel_loop3A_399, %parallel_loop3A_408 : vector<16xf32>
      %parallel_loop3A_410 = arith.mulf %parallel_loop3A_404, %parallel_loop3A_404 : vector<16xf32>
      %parallel_loop3A_411 = arith.addf %parallel_loop3A_365, %parallel_loop3A_410 : vector<16xf32>
      %parallel_loop3A_412 = arith.mulf %parallel_loop3A_409, %parallel_loop3A_409 : vector<16xf32>
      %parallel_loop3A_413 = arith.addf %parallel_loop3A_367, %parallel_loop3A_412 : vector<16xf32>
      %parallel_loop3A_414 = arith.constant 10 : i32
      %parallel_loop3A_415 = vector.broadcast %parallel_loop3A_414 : i32 to vector<16xi32>
      %parallel_loop3A_416 = arith.addi %parallel_loop3A_169, %parallel_loop3A_415 : vector<16xi32>
      %parallel_loop3A_417 = tpu.vector_load_idx %arg13[%parallel_loop3A_416] : memref<66560xf32, #tpu.memory_space<vmem>>[vector<16xi32>], vector<16xf32>,
      %parallel_loop3A_418 = arith.constant 10 : i32
      %parallel_loop3A_419 = vector.broadcast %parallel_loop3A_418 : i32 to vector<16xi32>
      %parallel_loop3A_420 = arith.addi %parallel_loop3A_166, %parallel_loop3A_419 : vector<16xi32>
      %parallel_loop3A_421 = tpu.vector_load_idx %arg14[%parallel_loop3A_420] : memref<6760xf32, #tpu.memory_space<vmem>>[vector<16xi32>], vector<16xf32>,
      %parallel_loop3A_422 = arith.addf %parallel_loop3A_417, %parallel_loop3A_421 : vector<16xf32>
      %parallel_loop3A_423 = arith.constant 10 : i32
      %parallel_loop3A_424 = vector.broadcast %parallel_loop3A_423 : i32 to vector<16xi32>
      %parallel_loop3A_425 = arith.addi %parallel_loop3A_172, %parallel_loop3A_424 : vector<16xi32>
      %parallel_loop3A_426 = tpu.vector_load_idx %arg13[%parallel_loop3A_425] : memref<66560xf32, #tpu.memory_space<vmem>>[vector<16xi32>], vector<16xf32>,
      %parallel_loop3A_427 = arith.subf %parallel_loop3A_422, %parallel_loop3A_426 : vector<16xf32>
      %parallel_loop3A_428 = arith.constant 10 : i32
      %parallel_loop3A_429 = vector.broadcast %parallel_loop3A_428 : i32 to vector<16xi32>
      %parallel_loop3A_430 = arith.addi %parallel_loop3A_175, %parallel_loop3A_429 : vector<16xi32>
      %parallel_loop3A_431 = tpu.vector_load_idx %arg13[%parallel_loop3A_430] : memref<66560xf32, #tpu.memory_space<vmem>>[vector<16xi32>], vector<16xf32>,
      %parallel_loop3A_432 = arith.subf %parallel_loop3A_422, %parallel_loop3A_431 : vector<16xf32>
      %parallel_loop3A_433 = arith.mulf %parallel_loop3A_427, %parallel_loop3A_427 : vector<16xf32>
      %parallel_loop3A_434 = arith.addf %parallel_loop3A_388, %parallel_loop3A_433 : vector<16xf32>
      %parallel_loop3A_435 = arith.mulf %parallel_loop3A_432, %parallel_loop3A_432 : vector<16xf32>
      %parallel_loop3A_436 = arith.addf %parallel_loop3A_390, %parallel_loop3A_435 : vector<16xf32>
      %parallel_loop3A_437 = arith.constant 11 : i32
      %parallel_loop3A_438 = vector.broadcast %parallel_loop3A_437 : i32 to vector<16xi32>
      %parallel_loop3A_439 = arith.addi %parallel_loop3A_169, %parallel_loop3A_438 : vector<16xi32>
      %parallel_loop3A_440 = tpu.vector_load_idx %arg13[%parallel_loop3A_439] : memref<66560xf32, #tpu.memory_space<vmem>>[vector<16xi32>], vector<16xf32>,
      %parallel_loop3A_441 = arith.constant 11 : i32
      %parallel_loop3A_442 = vector.broadcast %parallel_loop3A_441 : i32 to vector<16xi32>
      %parallel_loop3A_443 = arith.addi %parallel_loop3A_166, %parallel_loop3A_442 : vector<16xi32>
      %parallel_loop3A_444 = tpu.vector_load_idx %arg14[%parallel_loop3A_443] : memref<6760xf32, #tpu.memory_space<vmem>>[vector<16xi32>], vector<16xf32>,
      %parallel_loop3A_445 = arith.addf %parallel_loop3A_440, %parallel_loop3A_444 : vector<16xf32>
      %parallel_loop3A_446 = arith.constant 11 : i32
      %parallel_loop3A_447 = vector.broadcast %parallel_loop3A_446 : i32 to vector<16xi32>
      %parallel_loop3A_448 = arith.addi %parallel_loop3A_172, %parallel_loop3A_447 : vector<16xi32>
      %parallel_loop3A_449 = tpu.vector_load_idx %arg13[%parallel_loop3A_448] : memref<66560xf32, #tpu.memory_space<vmem>>[vector<16xi32>], vector<16xf32>,
      %parallel_loop3A_450 = arith.subf %parallel_loop3A_445, %parallel_loop3A_449 : vector<16xf32>
      %parallel_loop3A_451 = arith.constant 11 : i32
      %parallel_loop3A_452 = vector.broadcast %parallel_loop3A_451 : i32 to vector<16xi32>
      %parallel_loop3A_453 = arith.addi %parallel_loop3A_175, %parallel_loop3A_452 : vector<16xi32>
      %parallel_loop3A_454 = tpu.vector_load_idx %arg13[%parallel_loop3A_453] : memref<66560xf32, #tpu.memory_space<vmem>>[vector<16xi32>], vector<16xf32>,
      %parallel_loop3A_455 = arith.subf %parallel_loop3A_445, %parallel_loop3A_454 : vector<16xf32>
      %parallel_loop3A_456 = arith.mulf %parallel_loop3A_450, %parallel_loop3A_450 : vector<16xf32>
      %parallel_loop3A_457 = arith.addf %parallel_loop3A_411, %parallel_loop3A_456 : vector<16xf32>
      %parallel_loop3A_458 = arith.mulf %parallel_loop3A_455, %parallel_loop3A_455 : vector<16xf32>
      %parallel_loop3A_459 = arith.addf %parallel_loop3A_413, %parallel_loop3A_458 : vector<16xf32>
      %parallel_loop3A_460 = arith.constant 12 : i32
      %parallel_loop3A_461 = vector.broadcast %parallel_loop3A_460 : i32 to vector<16xi32>
      %parallel_loop3A_462 = arith.addi %parallel_loop3A_169, %parallel_loop3A_461 : vector<16xi32>
      %parallel_loop3A_463 = tpu.vector_load_idx %arg13[%parallel_loop3A_462] : memref<66560xf32, #tpu.memory_space<vmem>>[vector<16xi32>], vector<16xf32>,
      %parallel_loop3A_464 = arith.constant 12 : i32
      %parallel_loop3A_465 = vector.broadcast %parallel_loop3A_464 : i32 to vector<16xi32>
      %parallel_loop3A_466 = arith.addi %parallel_loop3A_166, %parallel_loop3A_465 : vector<16xi32>
      %parallel_loop3A_467 = tpu.vector_load_idx %arg14[%parallel_loop3A_466] : memref<6760xf32, #tpu.memory_space<vmem>>[vector<16xi32>], vector<16xf32>,
      %parallel_loop3A_468 = arith.addf %parallel_loop3A_463, %parallel_loop3A_467 : vector<16xf32>
      %parallel_loop3A_469 = arith.constant 12 : i32
      %parallel_loop3A_470 = vector.broadcast %parallel_loop3A_469 : i32 to vector<16xi32>
      %parallel_loop3A_471 = arith.addi %parallel_loop3A_172, %parallel_loop3A_470 : vector<16xi32>
      %parallel_loop3A_472 = tpu.vector_load_idx %arg13[%parallel_loop3A_471] : memref<66560xf32, #tpu.memory_space<vmem>>[vector<16xi32>], vector<16xf32>,
      %parallel_loop3A_473 = arith.subf %parallel_loop3A_468, %parallel_loop3A_472 : vector<16xf32>
      %parallel_loop3A_474 = arith.constant 12 : i32
      %parallel_loop3A_475 = vector.broadcast %parallel_loop3A_474 : i32 to vector<16xi32>
      %parallel_loop3A_476 = arith.addi %parallel_loop3A_175, %parallel_loop3A_475 : vector<16xi32>
      %parallel_loop3A_477 = tpu.vector_load_idx %arg13[%parallel_loop3A_476] : memref<66560xf32, #tpu.memory_space<vmem>>[vector<16xi32>], vector<16xf32>,
      %parallel_loop3A_478 = arith.subf %parallel_loop3A_468, %parallel_loop3A_477 : vector<16xf32>
      %parallel_loop3A_479 = arith.mulf %parallel_loop3A_473, %parallel_loop3A_473 : vector<16xf32>
      %parallel_loop3A_480 = arith.addf %parallel_loop3A_434, %parallel_loop3A_479 : vector<16xf32>
      %parallel_loop3A_481 = arith.mulf %parallel_loop3A_478, %parallel_loop3A_478 : vector<16xf32>
      %parallel_loop3A_482 = arith.addf %parallel_loop3A_436, %parallel_loop3A_481 : vector<16xf32>
      %parallel_loop3A_483 = arith.constant 13 : i32
      %parallel_loop3A_484 = vector.broadcast %parallel_loop3A_483 : i32 to vector<16xi32>
      %parallel_loop3A_485 = arith.addi %parallel_loop3A_169, %parallel_loop3A_484 : vector<16xi32>
      %parallel_loop3A_486 = tpu.vector_load_idx %arg13[%parallel_loop3A_485] : memref<66560xf32, #tpu.memory_space<vmem>>[vector<16xi32>], vector<16xf32>,
      %parallel_loop3A_487 = arith.constant 13 : i32
      %parallel_loop3A_488 = vector.broadcast %parallel_loop3A_487 : i32 to vector<16xi32>
      %parallel_loop3A_489 = arith.addi %parallel_loop3A_166, %parallel_loop3A_488 : vector<16xi32>
      %parallel_loop3A_490 = tpu.vector_load_idx %arg14[%parallel_loop3A_489] : memref<6760xf32, #tpu.memory_space<vmem>>[vector<16xi32>], vector<16xf32>,
      %parallel_loop3A_491 = arith.addf %parallel_loop3A_486, %parallel_loop3A_490 : vector<16xf32>
      %parallel_loop3A_492 = arith.constant 13 : i32
      %parallel_loop3A_493 = vector.broadcast %parallel_loop3A_492 : i32 to vector<16xi32>
      %parallel_loop3A_494 = arith.addi %parallel_loop3A_172, %parallel_loop3A_493 : vector<16xi32>
      %parallel_loop3A_495 = tpu.vector_load_idx %arg13[%parallel_loop3A_494] : memref<66560xf32, #tpu.memory_space<vmem>>[vector<16xi32>], vector<16xf32>,
      %parallel_loop3A_496 = arith.subf %parallel_loop3A_491, %parallel_loop3A_495 : vector<16xf32>
      %parallel_loop3A_497 = arith.constant 13 : i32
      %parallel_loop3A_498 = vector.broadcast %parallel_loop3A_497 : i32 to vector<16xi32>
      %parallel_loop3A_499 = arith.addi %parallel_loop3A_175, %parallel_loop3A_498 : vector<16xi32>
      %parallel_loop3A_500 = tpu.vector_load_idx %arg13[%parallel_loop3A_499] : memref<66560xf32, #tpu.memory_space<vmem>>[vector<16xi32>], vector<16xf32>,
      %parallel_loop3A_501 = arith.subf %parallel_loop3A_491, %parallel_loop3A_500 : vector<16xf32>
      %parallel_loop3A_502 = arith.mulf %parallel_loop3A_496, %parallel_loop3A_496 : vector<16xf32>
      %parallel_loop3A_503 = arith.addf %parallel_loop3A_457, %parallel_loop3A_502 : vector<16xf32>
      %parallel_loop3A_504 = arith.mulf %parallel_loop3A_501, %parallel_loop3A_501 : vector<16xf32>
      %parallel_loop3A_505 = arith.addf %parallel_loop3A_459, %parallel_loop3A_504 : vector<16xf32>
      %parallel_loop3A_506 = arith.constant 14 : i32
      %parallel_loop3A_507 = vector.broadcast %parallel_loop3A_506 : i32 to vector<16xi32>
      %parallel_loop3A_508 = arith.addi %parallel_loop3A_169, %parallel_loop3A_507 : vector<16xi32>
      %parallel_loop3A_509 = tpu.vector_load_idx %arg13[%parallel_loop3A_508] : memref<66560xf32, #tpu.memory_space<vmem>>[vector<16xi32>], vector<16xf32>,
      %parallel_loop3A_510 = arith.constant 14 : i32
      %parallel_loop3A_511 = vector.broadcast %parallel_loop3A_510 : i32 to vector<16xi32>
      %parallel_loop3A_512 = arith.addi %parallel_loop3A_166, %parallel_loop3A_511 : vector<16xi32>
      %parallel_loop3A_513 = tpu.vector_load_idx %arg14[%parallel_loop3A_512] : memref<6760xf32, #tpu.memory_space<vmem>>[vector<16xi32>], vector<16xf32>,
      %parallel_loop3A_514 = arith.addf %parallel_loop3A_509, %parallel_loop3A_513 : vector<16xf32>
      %parallel_loop3A_515 = arith.constant 14 : i32
      %parallel_loop3A_516 = vector.broadcast %parallel_loop3A_515 : i32 to vector<16xi32>
      %parallel_loop3A_517 = arith.addi %parallel_loop3A_172, %parallel_loop3A_516 : vector<16xi32>
      %parallel_loop3A_518 = tpu.vector_load_idx %arg13[%parallel_loop3A_517] : memref<66560xf32, #tpu.memory_space<vmem>>[vector<16xi32>], vector<16xf32>,
      %parallel_loop3A_519 = arith.subf %parallel_loop3A_514, %parallel_loop3A_518 : vector<16xf32>
      %parallel_loop3A_520 = arith.constant 14 : i32
      %parallel_loop3A_521 = vector.broadcast %parallel_loop3A_520 : i32 to vector<16xi32>
      %parallel_loop3A_522 = arith.addi %parallel_loop3A_175, %parallel_loop3A_521 : vector<16xi32>
      %parallel_loop3A_523 = tpu.vector_load_idx %arg13[%parallel_loop3A_522] : memref<66560xf32, #tpu.memory_space<vmem>>[vector<16xi32>], vector<16xf32>,
      %parallel_loop3A_524 = arith.subf %parallel_loop3A_514, %parallel_loop3A_523 : vector<16xf32>
      %parallel_loop3A_525 = arith.mulf %parallel_loop3A_519, %parallel_loop3A_519 : vector<16xf32>
      %parallel_loop3A_526 = arith.addf %parallel_loop3A_480, %parallel_loop3A_525 : vector<16xf32>
      %parallel_loop3A_527 = arith.mulf %parallel_loop3A_524, %parallel_loop3A_524 : vector<16xf32>
      %parallel_loop3A_528 = arith.addf %parallel_loop3A_482, %parallel_loop3A_527 : vector<16xf32>
      %parallel_loop3A_529 = arith.constant 15 : i32
      %parallel_loop3A_530 = vector.broadcast %parallel_loop3A_529 : i32 to vector<16xi32>
      %parallel_loop3A_531 = arith.addi %parallel_loop3A_169, %parallel_loop3A_530 : vector<16xi32>
      %parallel_loop3A_532 = tpu.vector_load_idx %arg13[%parallel_loop3A_531] : memref<66560xf32, #tpu.memory_space<vmem>>[vector<16xi32>], vector<16xf32>,
      %parallel_loop3A_533 = arith.constant 15 : i32
      %parallel_loop3A_534 = vector.broadcast %parallel_loop3A_533 : i32 to vector<16xi32>
      %parallel_loop3A_535 = arith.addi %parallel_loop3A_166, %parallel_loop3A_534 : vector<16xi32>
      %parallel_loop3A_536 = tpu.vector_load_idx %arg14[%parallel_loop3A_535] : memref<6760xf32, #tpu.memory_space<vmem>>[vector<16xi32>], vector<16xf32>,
      %parallel_loop3A_537 = arith.addf %parallel_loop3A_532, %parallel_loop3A_536 : vector<16xf32>
      %parallel_loop3A_538 = arith.constant 15 : i32
      %parallel_loop3A_539 = vector.broadcast %parallel_loop3A_538 : i32 to vector<16xi32>
      %parallel_loop3A_540 = arith.addi %parallel_loop3A_172, %parallel_loop3A_539 : vector<16xi32>
      %parallel_loop3A_541 = tpu.vector_load_idx %arg13[%parallel_loop3A_540] : memref<66560xf32, #tpu.memory_space<vmem>>[vector<16xi32>], vector<16xf32>,
      %parallel_loop3A_542 = arith.subf %parallel_loop3A_537, %parallel_loop3A_541 : vector<16xf32>
      %parallel_loop3A_543 = arith.constant 15 : i32
      %parallel_loop3A_544 = vector.broadcast %parallel_loop3A_543 : i32 to vector<16xi32>
      %parallel_loop3A_545 = arith.addi %parallel_loop3A_175, %parallel_loop3A_544 : vector<16xi32>
      %parallel_loop3A_546 = tpu.vector_load_idx %arg13[%parallel_loop3A_545] : memref<66560xf32, #tpu.memory_space<vmem>>[vector<16xi32>], vector<16xf32>,
      %parallel_loop3A_547 = arith.subf %parallel_loop3A_537, %parallel_loop3A_546 : vector<16xf32>
      %parallel_loop3A_548 = arith.mulf %parallel_loop3A_542, %parallel_loop3A_542 : vector<16xf32>
      %parallel_loop3A_549 = arith.addf %parallel_loop3A_503, %parallel_loop3A_548 : vector<16xf32>
      %parallel_loop3A_550 = arith.mulf %parallel_loop3A_547, %parallel_loop3A_547 : vector<16xf32>
      %parallel_loop3A_551 = arith.addf %parallel_loop3A_505, %parallel_loop3A_550 : vector<16xf32>
      %parallel_loop3A_552 = arith.constant 16 : i32
      %parallel_loop3A_553 = vector.broadcast %parallel_loop3A_552 : i32 to vector<16xi32>
      %parallel_loop3A_554 = arith.addi %parallel_loop3A_169, %parallel_loop3A_553 : vector<16xi32>
      %parallel_loop3A_555 = tpu.vector_load_idx %arg13[%parallel_loop3A_554] : memref<66560xf32, #tpu.memory_space<vmem>>[vector<16xi32>], vector<16xf32>,
      %parallel_loop3A_556 = arith.constant 16 : i32
      %parallel_loop3A_557 = vector.broadcast %parallel_loop3A_556 : i32 to vector<16xi32>
      %parallel_loop3A_558 = arith.addi %parallel_loop3A_166, %parallel_loop3A_557 : vector<16xi32>
      %parallel_loop3A_559 = tpu.vector_load_idx %arg14[%parallel_loop3A_558] : memref<6760xf32, #tpu.memory_space<vmem>>[vector<16xi32>], vector<16xf32>,
      %parallel_loop3A_560 = arith.addf %parallel_loop3A_555, %parallel_loop3A_559 : vector<16xf32>
      %parallel_loop3A_561 = arith.constant 16 : i32
      %parallel_loop3A_562 = vector.broadcast %parallel_loop3A_561 : i32 to vector<16xi32>
      %parallel_loop3A_563 = arith.addi %parallel_loop3A_172, %parallel_loop3A_562 : vector<16xi32>
      %parallel_loop3A_564 = tpu.vector_load_idx %arg13[%parallel_loop3A_563] : memref<66560xf32, #tpu.memory_space<vmem>>[vector<16xi32>], vector<16xf32>,
      %parallel_loop3A_565 = arith.subf %parallel_loop3A_560, %parallel_loop3A_564 : vector<16xf32>
      %parallel_loop3A_566 = arith.constant 16 : i32
      %parallel_loop3A_567 = vector.broadcast %parallel_loop3A_566 : i32 to vector<16xi32>
      %parallel_loop3A_568 = arith.addi %parallel_loop3A_175, %parallel_loop3A_567 : vector<16xi32>
      %parallel_loop3A_569 = tpu.vector_load_idx %arg13[%parallel_loop3A_568] : memref<66560xf32, #tpu.memory_space<vmem>>[vector<16xi32>], vector<16xf32>,
      %parallel_loop3A_570 = arith.subf %parallel_loop3A_560, %parallel_loop3A_569 : vector<16xf32>
      %parallel_loop3A_571 = arith.mulf %parallel_loop3A_565, %parallel_loop3A_565 : vector<16xf32>
      %parallel_loop3A_572 = arith.addf %parallel_loop3A_526, %parallel_loop3A_571 : vector<16xf32>
      %parallel_loop3A_573 = arith.mulf %parallel_loop3A_570, %parallel_loop3A_570 : vector<16xf32>
      %parallel_loop3A_574 = arith.addf %parallel_loop3A_528, %parallel_loop3A_573 : vector<16xf32>
      %parallel_loop3A_575 = arith.constant 17 : i32
      %parallel_loop3A_576 = vector.broadcast %parallel_loop3A_575 : i32 to vector<16xi32>
      %parallel_loop3A_577 = arith.addi %parallel_loop3A_169, %parallel_loop3A_576 : vector<16xi32>
      %parallel_loop3A_578 = tpu.vector_load_idx %arg13[%parallel_loop3A_577] : memref<66560xf32, #tpu.memory_space<vmem>>[vector<16xi32>], vector<16xf32>,
      %parallel_loop3A_579 = arith.constant 17 : i32
      %parallel_loop3A_580 = vector.broadcast %parallel_loop3A_579 : i32 to vector<16xi32>
      %parallel_loop3A_581 = arith.addi %parallel_loop3A_166, %parallel_loop3A_580 : vector<16xi32>
      %parallel_loop3A_582 = tpu.vector_load_idx %arg14[%parallel_loop3A_581] : memref<6760xf32, #tpu.memory_space<vmem>>[vector<16xi32>], vector<16xf32>,
      %parallel_loop3A_583 = arith.addf %parallel_loop3A_578, %parallel_loop3A_582 : vector<16xf32>
      %parallel_loop3A_584 = arith.constant 17 : i32
      %parallel_loop3A_585 = vector.broadcast %parallel_loop3A_584 : i32 to vector<16xi32>
      %parallel_loop3A_586 = arith.addi %parallel_loop3A_172, %parallel_loop3A_585 : vector<16xi32>
      %parallel_loop3A_587 = tpu.vector_load_idx %arg13[%parallel_loop3A_586] : memref<66560xf32, #tpu.memory_space<vmem>>[vector<16xi32>], vector<16xf32>,
      %parallel_loop3A_588 = arith.subf %parallel_loop3A_583, %parallel_loop3A_587 : vector<16xf32>
      %parallel_loop3A_589 = arith.constant 17 : i32
      %parallel_loop3A_590 = vector.broadcast %parallel_loop3A_589 : i32 to vector<16xi32>
      %parallel_loop3A_591 = arith.addi %parallel_loop3A_175, %parallel_loop3A_590 : vector<16xi32>
      %parallel_loop3A_592 = tpu.vector_load_idx %arg13[%parallel_loop3A_591] : memref<66560xf32, #tpu.memory_space<vmem>>[vector<16xi32>], vector<16xf32>,
      %parallel_loop3A_593 = arith.subf %parallel_loop3A_583, %parallel_loop3A_592 : vector<16xf32>
      %parallel_loop3A_594 = arith.mulf %parallel_loop3A_588, %parallel_loop3A_588 : vector<16xf32>
      %parallel_loop3A_595 = arith.addf %parallel_loop3A_549, %parallel_loop3A_594 : vector<16xf32>
      %parallel_loop3A_596 = arith.mulf %parallel_loop3A_593, %parallel_loop3A_593 : vector<16xf32>
      %parallel_loop3A_597 = arith.addf %parallel_loop3A_551, %parallel_loop3A_596 : vector<16xf32>
      %parallel_loop3A_598 = arith.constant 18 : i32
      %parallel_loop3A_599 = vector.broadcast %parallel_loop3A_598 : i32 to vector<16xi32>
      %parallel_loop3A_600 = arith.addi %parallel_loop3A_169, %parallel_loop3A_599 : vector<16xi32>
      %parallel_loop3A_601 = tpu.vector_load_idx %arg13[%parallel_loop3A_600] : memref<66560xf32, #tpu.memory_space<vmem>>[vector<16xi32>], vector<16xf32>,
      %parallel_loop3A_602 = arith.constant 18 : i32
      %parallel_loop3A_603 = vector.broadcast %parallel_loop3A_602 : i32 to vector<16xi32>
      %parallel_loop3A_604 = arith.addi %parallel_loop3A_166, %parallel_loop3A_603 : vector<16xi32>
      %parallel_loop3A_605 = tpu.vector_load_idx %arg14[%parallel_loop3A_604] : memref<6760xf32, #tpu.memory_space<vmem>>[vector<16xi32>], vector<16xf32>,
      %parallel_loop3A_606 = arith.addf %parallel_loop3A_601, %parallel_loop3A_605 : vector<16xf32>
      %parallel_loop3A_607 = arith.constant 18 : i32
      %parallel_loop3A_608 = vector.broadcast %parallel_loop3A_607 : i32 to vector<16xi32>
      %parallel_loop3A_609 = arith.addi %parallel_loop3A_172, %parallel_loop3A_608 : vector<16xi32>
      %parallel_loop3A_610 = tpu.vector_load_idx %arg13[%parallel_loop3A_609] : memref<66560xf32, #tpu.memory_space<vmem>>[vector<16xi32>], vector<16xf32>,
      %parallel_loop3A_611 = arith.subf %parallel_loop3A_606, %parallel_loop3A_610 : vector<16xf32>
      %parallel_loop3A_612 = arith.constant 18 : i32
      %parallel_loop3A_613 = vector.broadcast %parallel_loop3A_612 : i32 to vector<16xi32>
      %parallel_loop3A_614 = arith.addi %parallel_loop3A_175, %parallel_loop3A_613 : vector<16xi32>
      %parallel_loop3A_615 = tpu.vector_load_idx %arg13[%parallel_loop3A_614] : memref<66560xf32, #tpu.memory_space<vmem>>[vector<16xi32>], vector<16xf32>,
      %parallel_loop3A_616 = arith.subf %parallel_loop3A_606, %parallel_loop3A_615 : vector<16xf32>
      %parallel_loop3A_617 = arith.mulf %parallel_loop3A_611, %parallel_loop3A_611 : vector<16xf32>
      %parallel_loop3A_618 = arith.addf %parallel_loop3A_572, %parallel_loop3A_617 : vector<16xf32>
      %parallel_loop3A_619 = arith.mulf %parallel_loop3A_616, %parallel_loop3A_616 : vector<16xf32>
      %parallel_loop3A_620 = arith.addf %parallel_loop3A_574, %parallel_loop3A_619 : vector<16xf32>
      %parallel_loop3A_621 = arith.constant 19 : i32
      %parallel_loop3A_622 = vector.broadcast %parallel_loop3A_621 : i32 to vector<16xi32>
      %parallel_loop3A_623 = arith.addi %parallel_loop3A_169, %parallel_loop3A_622 : vector<16xi32>
      %parallel_loop3A_624 = tpu.vector_load_idx %arg13[%parallel_loop3A_623] : memref<66560xf32, #tpu.memory_space<vmem>>[vector<16xi32>], vector<16xf32>,
      %parallel_loop3A_625 = arith.constant 19 : i32
      %parallel_loop3A_626 = vector.broadcast %parallel_loop3A_625 : i32 to vector<16xi32>
      %parallel_loop3A_627 = arith.addi %parallel_loop3A_166, %parallel_loop3A_626 : vector<16xi32>
      %parallel_loop3A_628 = tpu.vector_load_idx %arg14[%parallel_loop3A_627] : memref<6760xf32, #tpu.memory_space<vmem>>[vector<16xi32>], vector<16xf32>,
      %parallel_loop3A_629 = arith.addf %parallel_loop3A_624, %parallel_loop3A_628 : vector<16xf32>
      %parallel_loop3A_630 = arith.constant 19 : i32
      %parallel_loop3A_631 = vector.broadcast %parallel_loop3A_630 : i32 to vector<16xi32>
      %parallel_loop3A_632 = arith.addi %parallel_loop3A_172, %parallel_loop3A_631 : vector<16xi32>
      %parallel_loop3A_633 = tpu.vector_load_idx %arg13[%parallel_loop3A_632] : memref<66560xf32, #tpu.memory_space<vmem>>[vector<16xi32>], vector<16xf32>,
      %parallel_loop3A_634 = arith.subf %parallel_loop3A_629, %parallel_loop3A_633 : vector<16xf32>
      %parallel_loop3A_635 = arith.constant 19 : i32
      %parallel_loop3A_636 = vector.broadcast %parallel_loop3A_635 : i32 to vector<16xi32>
      %parallel_loop3A_637 = arith.addi %parallel_loop3A_175, %parallel_loop3A_636 : vector<16xi32>
      %parallel_loop3A_638 = tpu.vector_load_idx %arg13[%parallel_loop3A_637] : memref<66560xf32, #tpu.memory_space<vmem>>[vector<16xi32>], vector<16xf32>,
      %parallel_loop3A_639 = arith.subf %parallel_loop3A_629, %parallel_loop3A_638 : vector<16xf32>
      %parallel_loop3A_640 = arith.mulf %parallel_loop3A_634, %parallel_loop3A_634 : vector<16xf32>
      %parallel_loop3A_641 = arith.addf %parallel_loop3A_595, %parallel_loop3A_640 : vector<16xf32>
      %parallel_loop3A_642 = arith.mulf %parallel_loop3A_639, %parallel_loop3A_639 : vector<16xf32>
      %parallel_loop3A_643 = arith.addf %parallel_loop3A_597, %parallel_loop3A_642 : vector<16xf32>
      %parallel_loop3A_644 = arith.constant 20 : i32
      %parallel_loop3A_645 = vector.broadcast %parallel_loop3A_644 : i32 to vector<16xi32>
      %parallel_loop3A_646 = arith.addi %parallel_loop3A_169, %parallel_loop3A_645 : vector<16xi32>
      %parallel_loop3A_647 = tpu.vector_load_idx %arg13[%parallel_loop3A_646] : memref<66560xf32, #tpu.memory_space<vmem>>[vector<16xi32>], vector<16xf32>,
      %parallel_loop3A_648 = arith.constant 20 : i32
      %parallel_loop3A_649 = vector.broadcast %parallel_loop3A_648 : i32 to vector<16xi32>
      %parallel_loop3A_650 = arith.addi %parallel_loop3A_166, %parallel_loop3A_649 : vector<16xi32>
      %parallel_loop3A_651 = tpu.vector_load_idx %arg14[%parallel_loop3A_650] : memref<6760xf32, #tpu.memory_space<vmem>>[vector<16xi32>], vector<16xf32>,
      %parallel_loop3A_652 = arith.addf %parallel_loop3A_647, %parallel_loop3A_651 : vector<16xf32>
      %parallel_loop3A_653 = arith.constant 20 : i32
      %parallel_loop3A_654 = vector.broadcast %parallel_loop3A_653 : i32 to vector<16xi32>
      %parallel_loop3A_655 = arith.addi %parallel_loop3A_172, %parallel_loop3A_654 : vector<16xi32>
      %parallel_loop3A_656 = tpu.vector_load_idx %arg13[%parallel_loop3A_655] : memref<66560xf32, #tpu.memory_space<vmem>>[vector<16xi32>], vector<16xf32>,
      %parallel_loop3A_657 = arith.subf %parallel_loop3A_652, %parallel_loop3A_656 : vector<16xf32>
      %parallel_loop3A_658 = arith.constant 20 : i32
      %parallel_loop3A_659 = vector.broadcast %parallel_loop3A_658 : i32 to vector<16xi32>
      %parallel_loop3A_660 = arith.addi %parallel_loop3A_175, %parallel_loop3A_659 : vector<16xi32>
      %parallel_loop3A_661 = tpu.vector_load_idx %arg13[%parallel_loop3A_660] : memref<66560xf32, #tpu.memory_space<vmem>>[vector<16xi32>], vector<16xf32>,
      %parallel_loop3A_662 = arith.subf %parallel_loop3A_652, %parallel_loop3A_661 : vector<16xf32>
      %parallel_loop3A_663 = arith.mulf %parallel_loop3A_657, %parallel_loop3A_657 : vector<16xf32>
      %parallel_loop3A_664 = arith.addf %parallel_loop3A_618, %parallel_loop3A_663 : vector<16xf32>
      %parallel_loop3A_665 = arith.mulf %parallel_loop3A_662, %parallel_loop3A_662 : vector<16xf32>
      %parallel_loop3A_666 = arith.addf %parallel_loop3A_620, %parallel_loop3A_665 : vector<16xf32>
      %parallel_loop3A_667 = arith.constant 21 : i32
      %parallel_loop3A_668 = vector.broadcast %parallel_loop3A_667 : i32 to vector<16xi32>
      %parallel_loop3A_669 = arith.addi %parallel_loop3A_169, %parallel_loop3A_668 : vector<16xi32>
      %parallel_loop3A_670 = tpu.vector_load_idx %arg13[%parallel_loop3A_669] : memref<66560xf32, #tpu.memory_space<vmem>>[vector<16xi32>], vector<16xf32>,
      %parallel_loop3A_671 = arith.constant 21 : i32
      %parallel_loop3A_672 = vector.broadcast %parallel_loop3A_671 : i32 to vector<16xi32>
      %parallel_loop3A_673 = arith.addi %parallel_loop3A_166, %parallel_loop3A_672 : vector<16xi32>
      %parallel_loop3A_674 = tpu.vector_load_idx %arg14[%parallel_loop3A_673] : memref<6760xf32, #tpu.memory_space<vmem>>[vector<16xi32>], vector<16xf32>,
      %parallel_loop3A_675 = arith.addf %parallel_loop3A_670, %parallel_loop3A_674 : vector<16xf32>
      %parallel_loop3A_676 = arith.constant 21 : i32
      %parallel_loop3A_677 = vector.broadcast %parallel_loop3A_676 : i32 to vector<16xi32>
      %parallel_loop3A_678 = arith.addi %parallel_loop3A_172, %parallel_loop3A_677 : vector<16xi32>
      %parallel_loop3A_679 = tpu.vector_load_idx %arg13[%parallel_loop3A_678] : memref<66560xf32, #tpu.memory_space<vmem>>[vector<16xi32>], vector<16xf32>,
      %parallel_loop3A_680 = arith.subf %parallel_loop3A_675, %parallel_loop3A_679 : vector<16xf32>
      %parallel_loop3A_681 = arith.constant 21 : i32
      %parallel_loop3A_682 = vector.broadcast %parallel_loop3A_681 : i32 to vector<16xi32>
      %parallel_loop3A_683 = arith.addi %parallel_loop3A_175, %parallel_loop3A_682 : vector<16xi32>
      %parallel_loop3A_684 = tpu.vector_load_idx %arg13[%parallel_loop3A_683] : memref<66560xf32, #tpu.memory_space<vmem>>[vector<16xi32>], vector<16xf32>,
      %parallel_loop3A_685 = arith.subf %parallel_loop3A_675, %parallel_loop3A_684 : vector<16xf32>
      %parallel_loop3A_686 = arith.mulf %parallel_loop3A_680, %parallel_loop3A_680 : vector<16xf32>
      %parallel_loop3A_687 = arith.addf %parallel_loop3A_641, %parallel_loop3A_686 : vector<16xf32>
      %parallel_loop3A_688 = arith.mulf %parallel_loop3A_685, %parallel_loop3A_685 : vector<16xf32>
      %parallel_loop3A_689 = arith.addf %parallel_loop3A_643, %parallel_loop3A_688 : vector<16xf32>
      %parallel_loop3A_690 = arith.constant 22 : i32
      %parallel_loop3A_691 = vector.broadcast %parallel_loop3A_690 : i32 to vector<16xi32>
      %parallel_loop3A_692 = arith.addi %parallel_loop3A_169, %parallel_loop3A_691 : vector<16xi32>
      %parallel_loop3A_693 = tpu.vector_load_idx %arg13[%parallel_loop3A_692] : memref<66560xf32, #tpu.memory_space<vmem>>[vector<16xi32>], vector<16xf32>,
      %parallel_loop3A_694 = arith.constant 22 : i32
      %parallel_loop3A_695 = vector.broadcast %parallel_loop3A_694 : i32 to vector<16xi32>
      %parallel_loop3A_696 = arith.addi %parallel_loop3A_166, %parallel_loop3A_695 : vector<16xi32>
      %parallel_loop3A_697 = tpu.vector_load_idx %arg14[%parallel_loop3A_696] : memref<6760xf32, #tpu.memory_space<vmem>>[vector<16xi32>], vector<16xf32>,
      %parallel_loop3A_698 = arith.addf %parallel_loop3A_693, %parallel_loop3A_697 : vector<16xf32>
      %parallel_loop3A_699 = arith.constant 22 : i32
      %parallel_loop3A_700 = vector.broadcast %parallel_loop3A_699 : i32 to vector<16xi32>
      %parallel_loop3A_701 = arith.addi %parallel_loop3A_172, %parallel_loop3A_700 : vector<16xi32>
      %parallel_loop3A_702 = tpu.vector_load_idx %arg13[%parallel_loop3A_701] : memref<66560xf32, #tpu.memory_space<vmem>>[vector<16xi32>], vector<16xf32>,
      %parallel_loop3A_703 = arith.subf %parallel_loop3A_698, %parallel_loop3A_702 : vector<16xf32>
      %parallel_loop3A_704 = arith.constant 22 : i32
      %parallel_loop3A_705 = vector.broadcast %parallel_loop3A_704 : i32 to vector<16xi32>
      %parallel_loop3A_706 = arith.addi %parallel_loop3A_175, %parallel_loop3A_705 : vector<16xi32>
      %parallel_loop3A_707 = tpu.vector_load_idx %arg13[%parallel_loop3A_706] : memref<66560xf32, #tpu.memory_space<vmem>>[vector<16xi32>], vector<16xf32>,
      %parallel_loop3A_708 = arith.subf %parallel_loop3A_698, %parallel_loop3A_707 : vector<16xf32>
      %parallel_loop3A_709 = arith.mulf %parallel_loop3A_703, %parallel_loop3A_703 : vector<16xf32>
      %parallel_loop3A_710 = arith.addf %parallel_loop3A_664, %parallel_loop3A_709 : vector<16xf32>
      %parallel_loop3A_711 = arith.mulf %parallel_loop3A_708, %parallel_loop3A_708 : vector<16xf32>
      %parallel_loop3A_712 = arith.addf %parallel_loop3A_666, %parallel_loop3A_711 : vector<16xf32>
      %parallel_loop3A_713 = arith.constant 23 : i32
      %parallel_loop3A_714 = vector.broadcast %parallel_loop3A_713 : i32 to vector<16xi32>
      %parallel_loop3A_715 = arith.addi %parallel_loop3A_169, %parallel_loop3A_714 : vector<16xi32>
      %parallel_loop3A_716 = tpu.vector_load_idx %arg13[%parallel_loop3A_715] : memref<66560xf32, #tpu.memory_space<vmem>>[vector<16xi32>], vector<16xf32>,
      %parallel_loop3A_717 = arith.constant 23 : i32
      %parallel_loop3A_718 = vector.broadcast %parallel_loop3A_717 : i32 to vector<16xi32>
      %parallel_loop3A_719 = arith.addi %parallel_loop3A_166, %parallel_loop3A_718 : vector<16xi32>
      %parallel_loop3A_720 = tpu.vector_load_idx %arg14[%parallel_loop3A_719] : memref<6760xf32, #tpu.memory_space<vmem>>[vector<16xi32>], vector<16xf32>,
      %parallel_loop3A_721 = arith.addf %parallel_loop3A_716, %parallel_loop3A_720 : vector<16xf32>
      %parallel_loop3A_722 = arith.constant 23 : i32
      %parallel_loop3A_723 = vector.broadcast %parallel_loop3A_722 : i32 to vector<16xi32>
      %parallel_loop3A_724 = arith.addi %parallel_loop3A_172, %parallel_loop3A_723 : vector<16xi32>
      %parallel_loop3A_725 = tpu.vector_load_idx %arg13[%parallel_loop3A_724] : memref<66560xf32, #tpu.memory_space<vmem>>[vector<16xi32>], vector<16xf32>,
      %parallel_loop3A_726 = arith.subf %parallel_loop3A_721, %parallel_loop3A_725 : vector<16xf32>
      %parallel_loop3A_727 = arith.constant 23 : i32
      %parallel_loop3A_728 = vector.broadcast %parallel_loop3A_727 : i32 to vector<16xi32>
      %parallel_loop3A_729 = arith.addi %parallel_loop3A_175, %parallel_loop3A_728 : vector<16xi32>
      %parallel_loop3A_730 = tpu.vector_load_idx %arg13[%parallel_loop3A_729] : memref<66560xf32, #tpu.memory_space<vmem>>[vector<16xi32>], vector<16xf32>,
      %parallel_loop3A_731 = arith.subf %parallel_loop3A_721, %parallel_loop3A_730 : vector<16xf32>
      %parallel_loop3A_732 = arith.mulf %parallel_loop3A_726, %parallel_loop3A_726 : vector<16xf32>
      %parallel_loop3A_733 = arith.addf %parallel_loop3A_687, %parallel_loop3A_732 : vector<16xf32>
      %parallel_loop3A_734 = arith.mulf %parallel_loop3A_731, %parallel_loop3A_731 : vector<16xf32>
      %parallel_loop3A_735 = arith.addf %parallel_loop3A_689, %parallel_loop3A_734 : vector<16xf32>
      %parallel_loop3A_736 = arith.constant 24 : i32
      %parallel_loop3A_737 = vector.broadcast %parallel_loop3A_736 : i32 to vector<16xi32>
      %parallel_loop3A_738 = arith.addi %parallel_loop3A_169, %parallel_loop3A_737 : vector<16xi32>
      %parallel_loop3A_739 = tpu.vector_load_idx %arg13[%parallel_loop3A_738] : memref<66560xf32, #tpu.memory_space<vmem>>[vector<16xi32>], vector<16xf32>,
      %parallel_loop3A_740 = arith.constant 24 : i32
      %parallel_loop3A_741 = vector.broadcast %parallel_loop3A_740 : i32 to vector<16xi32>
      %parallel_loop3A_742 = arith.addi %parallel_loop3A_166, %parallel_loop3A_741 : vector<16xi32>
      %parallel_loop3A_743 = tpu.vector_load_idx %arg14[%parallel_loop3A_742] : memref<6760xf32, #tpu.memory_space<vmem>>[vector<16xi32>], vector<16xf32>,
      %parallel_loop3A_744 = arith.addf %parallel_loop3A_739, %parallel_loop3A_743 : vector<16xf32>
      %parallel_loop3A_745 = arith.constant 24 : i32
      %parallel_loop3A_746 = vector.broadcast %parallel_loop3A_745 : i32 to vector<16xi32>
      %parallel_loop3A_747 = arith.addi %parallel_loop3A_172, %parallel_loop3A_746 : vector<16xi32>
      %parallel_loop3A_748 = tpu.vector_load_idx %arg13[%parallel_loop3A_747] : memref<66560xf32, #tpu.memory_space<vmem>>[vector<16xi32>], vector<16xf32>,
      %parallel_loop3A_749 = arith.subf %parallel_loop3A_744, %parallel_loop3A_748 : vector<16xf32>
      %parallel_loop3A_750 = arith.constant 24 : i32
      %parallel_loop3A_751 = vector.broadcast %parallel_loop3A_750 : i32 to vector<16xi32>
      %parallel_loop3A_752 = arith.addi %parallel_loop3A_175, %parallel_loop3A_751 : vector<16xi32>
      %parallel_loop3A_753 = tpu.vector_load_idx %arg13[%parallel_loop3A_752] : memref<66560xf32, #tpu.memory_space<vmem>>[vector<16xi32>], vector<16xf32>,
      %parallel_loop3A_754 = arith.subf %parallel_loop3A_744, %parallel_loop3A_753 : vector<16xf32>
      %parallel_loop3A_755 = arith.mulf %parallel_loop3A_749, %parallel_loop3A_749 : vector<16xf32>
      %parallel_loop3A_756 = arith.addf %parallel_loop3A_710, %parallel_loop3A_755 : vector<16xf32>
      %parallel_loop3A_757 = arith.mulf %parallel_loop3A_754, %parallel_loop3A_754 : vector<16xf32>
      %parallel_loop3A_758 = arith.addf %parallel_loop3A_712, %parallel_loop3A_757 : vector<16xf32>
      %parallel_loop3A_759 = arith.constant 25 : i32
      %parallel_loop3A_760 = vector.broadcast %parallel_loop3A_759 : i32 to vector<16xi32>
      %parallel_loop3A_761 = arith.addi %parallel_loop3A_169, %parallel_loop3A_760 : vector<16xi32>
      %parallel_loop3A_762 = tpu.vector_load_idx %arg13[%parallel_loop3A_761] : memref<66560xf32, #tpu.memory_space<vmem>>[vector<16xi32>], vector<16xf32>,
      %parallel_loop3A_763 = arith.constant 25 : i32
      %parallel_loop3A_764 = vector.broadcast %parallel_loop3A_763 : i32 to vector<16xi32>
      %parallel_loop3A_765 = arith.addi %parallel_loop3A_166, %parallel_loop3A_764 : vector<16xi32>
      %parallel_loop3A_766 = tpu.vector_load_idx %arg14[%parallel_loop3A_765] : memref<6760xf32, #tpu.memory_space<vmem>>[vector<16xi32>], vector<16xf32>,
      %parallel_loop3A_767 = arith.addf %parallel_loop3A_762, %parallel_loop3A_766 : vector<16xf32>
      %parallel_loop3A_768 = arith.constant 25 : i32
      %parallel_loop3A_769 = vector.broadcast %parallel_loop3A_768 : i32 to vector<16xi32>
      %parallel_loop3A_770 = arith.addi %parallel_loop3A_172, %parallel_loop3A_769 : vector<16xi32>
      %parallel_loop3A_771 = tpu.vector_load_idx %arg13[%parallel_loop3A_770] : memref<66560xf32, #tpu.memory_space<vmem>>[vector<16xi32>], vector<16xf32>,
      %parallel_loop3A_772 = arith.subf %parallel_loop3A_767, %parallel_loop3A_771 : vector<16xf32>
      %parallel_loop3A_773 = arith.constant 25 : i32
      %parallel_loop3A_774 = vector.broadcast %parallel_loop3A_773 : i32 to vector<16xi32>
      %parallel_loop3A_775 = arith.addi %parallel_loop3A_175, %parallel_loop3A_774 : vector<16xi32>
      %parallel_loop3A_776 = tpu.vector_load_idx %arg13[%parallel_loop3A_775] : memref<66560xf32, #tpu.memory_space<vmem>>[vector<16xi32>], vector<16xf32>,
      %parallel_loop3A_777 = arith.subf %parallel_loop3A_767, %parallel_loop3A_776 : vector<16xf32>
      %parallel_loop3A_778 = arith.mulf %parallel_loop3A_772, %parallel_loop3A_772 : vector<16xf32>
      %parallel_loop3A_779 = arith.addf %parallel_loop3A_733, %parallel_loop3A_778 : vector<16xf32>
      %parallel_loop3A_780 = arith.mulf %parallel_loop3A_777, %parallel_loop3A_777 : vector<16xf32>
      %parallel_loop3A_781 = arith.addf %parallel_loop3A_735, %parallel_loop3A_780 : vector<16xf32>
      %parallel_loop3A_782 = arith.constant 26 : i32
      %parallel_loop3A_783 = vector.broadcast %parallel_loop3A_782 : i32 to vector<16xi32>
      %parallel_loop3A_784 = arith.addi %parallel_loop3A_169, %parallel_loop3A_783 : vector<16xi32>
      %parallel_loop3A_785 = tpu.vector_load_idx %arg13[%parallel_loop3A_784] : memref<66560xf32, #tpu.memory_space<vmem>>[vector<16xi32>], vector<16xf32>,
      %parallel_loop3A_786 = arith.constant 26 : i32
      %parallel_loop3A_787 = vector.broadcast %parallel_loop3A_786 : i32 to vector<16xi32>
      %parallel_loop3A_788 = arith.addi %parallel_loop3A_166, %parallel_loop3A_787 : vector<16xi32>
      %parallel_loop3A_789 = tpu.vector_load_idx %arg14[%parallel_loop3A_788] : memref<6760xf32, #tpu.memory_space<vmem>>[vector<16xi32>], vector<16xf32>,
      %parallel_loop3A_790 = arith.addf %parallel_loop3A_785, %parallel_loop3A_789 : vector<16xf32>
      %parallel_loop3A_791 = arith.constant 26 : i32
      %parallel_loop3A_792 = vector.broadcast %parallel_loop3A_791 : i32 to vector<16xi32>
      %parallel_loop3A_793 = arith.addi %parallel_loop3A_172, %parallel_loop3A_792 : vector<16xi32>
      %parallel_loop3A_794 = tpu.vector_load_idx %arg13[%parallel_loop3A_793] : memref<66560xf32, #tpu.memory_space<vmem>>[vector<16xi32>], vector<16xf32>,
      %parallel_loop3A_795 = arith.subf %parallel_loop3A_790, %parallel_loop3A_794 : vector<16xf32>
      %parallel_loop3A_796 = arith.constant 26 : i32
      %parallel_loop3A_797 = vector.broadcast %parallel_loop3A_796 : i32 to vector<16xi32>
      %parallel_loop3A_798 = arith.addi %parallel_loop3A_175, %parallel_loop3A_797 : vector<16xi32>
      %parallel_loop3A_799 = tpu.vector_load_idx %arg13[%parallel_loop3A_798] : memref<66560xf32, #tpu.memory_space<vmem>>[vector<16xi32>], vector<16xf32>,
      %parallel_loop3A_800 = arith.subf %parallel_loop3A_790, %parallel_loop3A_799 : vector<16xf32>
      %parallel_loop3A_801 = arith.mulf %parallel_loop3A_795, %parallel_loop3A_795 : vector<16xf32>
      %parallel_loop3A_802 = arith.addf %parallel_loop3A_756, %parallel_loop3A_801 : vector<16xf32>
      %parallel_loop3A_803 = arith.mulf %parallel_loop3A_800, %parallel_loop3A_800 : vector<16xf32>
      %parallel_loop3A_804 = arith.addf %parallel_loop3A_758, %parallel_loop3A_803 : vector<16xf32>
      %parallel_loop3A_805 = arith.constant 27 : i32
      %parallel_loop3A_806 = vector.broadcast %parallel_loop3A_805 : i32 to vector<16xi32>
      %parallel_loop3A_807 = arith.addi %parallel_loop3A_169, %parallel_loop3A_806 : vector<16xi32>
      %parallel_loop3A_808 = tpu.vector_load_idx %arg13[%parallel_loop3A_807] : memref<66560xf32, #tpu.memory_space<vmem>>[vector<16xi32>], vector<16xf32>,
      %parallel_loop3A_809 = arith.constant 27 : i32
      %parallel_loop3A_810 = vector.broadcast %parallel_loop3A_809 : i32 to vector<16xi32>
      %parallel_loop3A_811 = arith.addi %parallel_loop3A_166, %parallel_loop3A_810 : vector<16xi32>
      %parallel_loop3A_812 = tpu.vector_load_idx %arg14[%parallel_loop3A_811] : memref<6760xf32, #tpu.memory_space<vmem>>[vector<16xi32>], vector<16xf32>,
      %parallel_loop3A_813 = arith.addf %parallel_loop3A_808, %parallel_loop3A_812 : vector<16xf32>
      %parallel_loop3A_814 = arith.constant 27 : i32
      %parallel_loop3A_815 = vector.broadcast %parallel_loop3A_814 : i32 to vector<16xi32>
      %parallel_loop3A_816 = arith.addi %parallel_loop3A_172, %parallel_loop3A_815 : vector<16xi32>
      %parallel_loop3A_817 = tpu.vector_load_idx %arg13[%parallel_loop3A_816] : memref<66560xf32, #tpu.memory_space<vmem>>[vector<16xi32>], vector<16xf32>,
      %parallel_loop3A_818 = arith.subf %parallel_loop3A_813, %parallel_loop3A_817 : vector<16xf32>
      %parallel_loop3A_819 = arith.constant 27 : i32
      %parallel_loop3A_820 = vector.broadcast %parallel_loop3A_819 : i32 to vector<16xi32>
      %parallel_loop3A_821 = arith.addi %parallel_loop3A_175, %parallel_loop3A_820 : vector<16xi32>
      %parallel_loop3A_822 = tpu.vector_load_idx %arg13[%parallel_loop3A_821] : memref<66560xf32, #tpu.memory_space<vmem>>[vector<16xi32>], vector<16xf32>,
      %parallel_loop3A_823 = arith.subf %parallel_loop3A_813, %parallel_loop3A_822 : vector<16xf32>
      %parallel_loop3A_824 = arith.mulf %parallel_loop3A_818, %parallel_loop3A_818 : vector<16xf32>
      %parallel_loop3A_825 = arith.addf %parallel_loop3A_779, %parallel_loop3A_824 : vector<16xf32>
      %parallel_loop3A_826 = arith.mulf %parallel_loop3A_823, %parallel_loop3A_823 : vector<16xf32>
      %parallel_loop3A_827 = arith.addf %parallel_loop3A_781, %parallel_loop3A_826 : vector<16xf32>
      %parallel_loop3A_828 = arith.constant 28 : i32
      %parallel_loop3A_829 = vector.broadcast %parallel_loop3A_828 : i32 to vector<16xi32>
      %parallel_loop3A_830 = arith.addi %parallel_loop3A_169, %parallel_loop3A_829 : vector<16xi32>
      %parallel_loop3A_831 = tpu.vector_load_idx %arg13[%parallel_loop3A_830] : memref<66560xf32, #tpu.memory_space<vmem>>[vector<16xi32>], vector<16xf32>,
      %parallel_loop3A_832 = arith.constant 28 : i32
      %parallel_loop3A_833 = vector.broadcast %parallel_loop3A_832 : i32 to vector<16xi32>
      %parallel_loop3A_834 = arith.addi %parallel_loop3A_166, %parallel_loop3A_833 : vector<16xi32>
      %parallel_loop3A_835 = tpu.vector_load_idx %arg14[%parallel_loop3A_834] : memref<6760xf32, #tpu.memory_space<vmem>>[vector<16xi32>], vector<16xf32>,
      %parallel_loop3A_836 = arith.addf %parallel_loop3A_831, %parallel_loop3A_835 : vector<16xf32>
      %parallel_loop3A_837 = arith.constant 28 : i32
      %parallel_loop3A_838 = vector.broadcast %parallel_loop3A_837 : i32 to vector<16xi32>
      %parallel_loop3A_839 = arith.addi %parallel_loop3A_172, %parallel_loop3A_838 : vector<16xi32>
      %parallel_loop3A_840 = tpu.vector_load_idx %arg13[%parallel_loop3A_839] : memref<66560xf32, #tpu.memory_space<vmem>>[vector<16xi32>], vector<16xf32>,
      %parallel_loop3A_841 = arith.subf %parallel_loop3A_836, %parallel_loop3A_840 : vector<16xf32>
      %parallel_loop3A_842 = arith.constant 28 : i32
      %parallel_loop3A_843 = vector.broadcast %parallel_loop3A_842 : i32 to vector<16xi32>
      %parallel_loop3A_844 = arith.addi %parallel_loop3A_175, %parallel_loop3A_843 : vector<16xi32>
      %parallel_loop3A_845 = tpu.vector_load_idx %arg13[%parallel_loop3A_844] : memref<66560xf32, #tpu.memory_space<vmem>>[vector<16xi32>], vector<16xf32>,
      %parallel_loop3A_846 = arith.subf %parallel_loop3A_836, %parallel_loop3A_845 : vector<16xf32>
      %parallel_loop3A_847 = arith.mulf %parallel_loop3A_841, %parallel_loop3A_841 : vector<16xf32>
      %parallel_loop3A_848 = arith.addf %parallel_loop3A_802, %parallel_loop3A_847 : vector<16xf32>
      %parallel_loop3A_849 = arith.mulf %parallel_loop3A_846, %parallel_loop3A_846 : vector<16xf32>
      %parallel_loop3A_850 = arith.addf %parallel_loop3A_804, %parallel_loop3A_849 : vector<16xf32>
      %parallel_loop3A_851 = arith.constant 29 : i32
      %parallel_loop3A_852 = vector.broadcast %parallel_loop3A_851 : i32 to vector<16xi32>
      %parallel_loop3A_853 = arith.addi %parallel_loop3A_169, %parallel_loop3A_852 : vector<16xi32>
      %parallel_loop3A_854 = tpu.vector_load_idx %arg13[%parallel_loop3A_853] : memref<66560xf32, #tpu.memory_space<vmem>>[vector<16xi32>], vector<16xf32>,
      %parallel_loop3A_855 = arith.constant 29 : i32
      %parallel_loop3A_856 = vector.broadcast %parallel_loop3A_855 : i32 to vector<16xi32>
      %parallel_loop3A_857 = arith.addi %parallel_loop3A_166, %parallel_loop3A_856 : vector<16xi32>
      %parallel_loop3A_858 = tpu.vector_load_idx %arg14[%parallel_loop3A_857] : memref<6760xf32, #tpu.memory_space<vmem>>[vector<16xi32>], vector<16xf32>,
      %parallel_loop3A_859 = arith.addf %parallel_loop3A_854, %parallel_loop3A_858 : vector<16xf32>
      %parallel_loop3A_860 = arith.constant 29 : i32
      %parallel_loop3A_861 = vector.broadcast %parallel_loop3A_860 : i32 to vector<16xi32>
      %parallel_loop3A_862 = arith.addi %parallel_loop3A_172, %parallel_loop3A_861 : vector<16xi32>
      %parallel_loop3A_863 = tpu.vector_load_idx %arg13[%parallel_loop3A_862] : memref<66560xf32, #tpu.memory_space<vmem>>[vector<16xi32>], vector<16xf32>,
      %parallel_loop3A_864 = arith.subf %parallel_loop3A_859, %parallel_loop3A_863 : vector<16xf32>
      %parallel_loop3A_865 = arith.constant 29 : i32
      %parallel_loop3A_866 = vector.broadcast %parallel_loop3A_865 : i32 to vector<16xi32>
      %parallel_loop3A_867 = arith.addi %parallel_loop3A_175, %parallel_loop3A_866 : vector<16xi32>
      %parallel_loop3A_868 = tpu.vector_load_idx %arg13[%parallel_loop3A_867] : memref<66560xf32, #tpu.memory_space<vmem>>[vector<16xi32>], vector<16xf32>,
      %parallel_loop3A_869 = arith.subf %parallel_loop3A_859, %parallel_loop3A_868 : vector<16xf32>
      %parallel_loop3A_870 = arith.mulf %parallel_loop3A_864, %parallel_loop3A_864 : vector<16xf32>
      %parallel_loop3A_871 = arith.addf %parallel_loop3A_825, %parallel_loop3A_870 : vector<16xf32>
      %parallel_loop3A_872 = arith.mulf %parallel_loop3A_869, %parallel_loop3A_869 : vector<16xf32>
      %parallel_loop3A_873 = arith.addf %parallel_loop3A_827, %parallel_loop3A_872 : vector<16xf32>
      %parallel_loop3A_874 = arith.constant 30 : i32
      %parallel_loop3A_875 = vector.broadcast %parallel_loop3A_874 : i32 to vector<16xi32>
      %parallel_loop3A_876 = arith.addi %parallel_loop3A_169, %parallel_loop3A_875 : vector<16xi32>
      %parallel_loop3A_877 = tpu.vector_load_idx %arg13[%parallel_loop3A_876] : memref<66560xf32, #tpu.memory_space<vmem>>[vector<16xi32>], vector<16xf32>,
      %parallel_loop3A_878 = arith.constant 30 : i32
      %parallel_loop3A_879 = vector.broadcast %parallel_loop3A_878 : i32 to vector<16xi32>
      %parallel_loop3A_880 = arith.addi %parallel_loop3A_166, %parallel_loop3A_879 : vector<16xi32>
      %parallel_loop3A_881 = tpu.vector_load_idx %arg14[%parallel_loop3A_880] : memref<6760xf32, #tpu.memory_space<vmem>>[vector<16xi32>], vector<16xf32>,
      %parallel_loop3A_882 = arith.addf %parallel_loop3A_877, %parallel_loop3A_881 : vector<16xf32>
      %parallel_loop3A_883 = arith.constant 30 : i32
      %parallel_loop3A_884 = vector.broadcast %parallel_loop3A_883 : i32 to vector<16xi32>
      %parallel_loop3A_885 = arith.addi %parallel_loop3A_172, %parallel_loop3A_884 : vector<16xi32>
      %parallel_loop3A_886 = tpu.vector_load_idx %arg13[%parallel_loop3A_885] : memref<66560xf32, #tpu.memory_space<vmem>>[vector<16xi32>], vector<16xf32>,
      %parallel_loop3A_887 = arith.subf %parallel_loop3A_882, %parallel_loop3A_886 : vector<16xf32>
      %parallel_loop3A_888 = arith.constant 30 : i32
      %parallel_loop3A_889 = vector.broadcast %parallel_loop3A_888 : i32 to vector<16xi32>
      %parallel_loop3A_890 = arith.addi %parallel_loop3A_175, %parallel_loop3A_889 : vector<16xi32>
      %parallel_loop3A_891 = tpu.vector_load_idx %arg13[%parallel_loop3A_890] : memref<66560xf32, #tpu.memory_space<vmem>>[vector<16xi32>], vector<16xf32>,
      %parallel_loop3A_892 = arith.subf %parallel_loop3A_882, %parallel_loop3A_891 : vector<16xf32>
      %parallel_loop3A_893 = arith.mulf %parallel_loop3A_887, %parallel_loop3A_887 : vector<16xf32>
      %parallel_loop3A_894 = arith.addf %parallel_loop3A_848, %parallel_loop3A_893 : vector<16xf32>
      %parallel_loop3A_895 = arith.mulf %parallel_loop3A_892, %parallel_loop3A_892 : vector<16xf32>
      %parallel_loop3A_896 = arith.addf %parallel_loop3A_850, %parallel_loop3A_895 : vector<16xf32>
      %parallel_loop3A_897 = arith.constant 31 : i32
      %parallel_loop3A_898 = vector.broadcast %parallel_loop3A_897 : i32 to vector<16xi32>
      %parallel_loop3A_899 = arith.addi %parallel_loop3A_169, %parallel_loop3A_898 : vector<16xi32>
      %parallel_loop3A_900 = tpu.vector_load_idx %arg13[%parallel_loop3A_899] : memref<66560xf32, #tpu.memory_space<vmem>>[vector<16xi32>], vector<16xf32>,
      %parallel_loop3A_901 = arith.constant 31 : i32
      %parallel_loop3A_902 = vector.broadcast %parallel_loop3A_901 : i32 to vector<16xi32>
      %parallel_loop3A_903 = arith.addi %parallel_loop3A_166, %parallel_loop3A_902 : vector<16xi32>
      %parallel_loop3A_904 = tpu.vector_load_idx %arg14[%parallel_loop3A_903] : memref<6760xf32, #tpu.memory_space<vmem>>[vector<16xi32>], vector<16xf32>,
      %parallel_loop3A_905 = arith.addf %parallel_loop3A_900, %parallel_loop3A_904 : vector<16xf32>
      %parallel_loop3A_906 = arith.constant 31 : i32
      %parallel_loop3A_907 = vector.broadcast %parallel_loop3A_906 : i32 to vector<16xi32>
      %parallel_loop3A_908 = arith.addi %parallel_loop3A_172, %parallel_loop3A_907 : vector<16xi32>
      %parallel_loop3A_909 = tpu.vector_load_idx %arg13[%parallel_loop3A_908] : memref<66560xf32, #tpu.memory_space<vmem>>[vector<16xi32>], vector<16xf32>,
      %parallel_loop3A_910 = arith.subf %parallel_loop3A_905, %parallel_loop3A_909 : vector<16xf32>
      %parallel_loop3A_911 = arith.constant 31 : i32
      %parallel_loop3A_912 = vector.broadcast %parallel_loop3A_911 : i32 to vector<16xi32>
      %parallel_loop3A_913 = arith.addi %parallel_loop3A_175, %parallel_loop3A_912 : vector<16xi32>
      %parallel_loop3A_914 = tpu.vector_load_idx %arg13[%parallel_loop3A_913] : memref<66560xf32, #tpu.memory_space<vmem>>[vector<16xi32>], vector<16xf32>,
      %parallel_loop3A_915 = arith.subf %parallel_loop3A_905, %parallel_loop3A_914 : vector<16xf32>
      %parallel_loop3A_916 = arith.mulf %parallel_loop3A_910, %parallel_loop3A_910 : vector<16xf32>
      %parallel_loop3A_917 = arith.addf %parallel_loop3A_871, %parallel_loop3A_916 : vector<16xf32>
      %parallel_loop3A_918 = arith.mulf %parallel_loop3A_915, %parallel_loop3A_915 : vector<16xf32>
      %parallel_loop3A_919 = arith.addf %parallel_loop3A_873, %parallel_loop3A_918 : vector<16xf32>
      %parallel_loop3A_920 = arith.constant 32 : i32
      %parallel_loop3A_921 = vector.broadcast %parallel_loop3A_920 : i32 to vector<16xi32>
      %parallel_loop3A_922 = arith.addi %parallel_loop3A_169, %parallel_loop3A_921 : vector<16xi32>
      %parallel_loop3A_923 = tpu.vector_load_idx %arg13[%parallel_loop3A_922] : memref<66560xf32, #tpu.memory_space<vmem>>[vector<16xi32>], vector<16xf32>,
      %parallel_loop3A_924 = arith.constant 32 : i32
      %parallel_loop3A_925 = vector.broadcast %parallel_loop3A_924 : i32 to vector<16xi32>
      %parallel_loop3A_926 = arith.addi %parallel_loop3A_166, %parallel_loop3A_925 : vector<16xi32>
      %parallel_loop3A_927 = tpu.vector_load_idx %arg14[%parallel_loop3A_926] : memref<6760xf32, #tpu.memory_space<vmem>>[vector<16xi32>], vector<16xf32>,
      %parallel_loop3A_928 = arith.addf %parallel_loop3A_923, %parallel_loop3A_927 : vector<16xf32>
      %parallel_loop3A_929 = arith.constant 32 : i32
      %parallel_loop3A_930 = vector.broadcast %parallel_loop3A_929 : i32 to vector<16xi32>
      %parallel_loop3A_931 = arith.addi %parallel_loop3A_172, %parallel_loop3A_930 : vector<16xi32>
      %parallel_loop3A_932 = tpu.vector_load_idx %arg13[%parallel_loop3A_931] : memref<66560xf32, #tpu.memory_space<vmem>>[vector<16xi32>], vector<16xf32>,
      %parallel_loop3A_933 = arith.subf %parallel_loop3A_928, %parallel_loop3A_932 : vector<16xf32>
      %parallel_loop3A_934 = arith.constant 32 : i32
      %parallel_loop3A_935 = vector.broadcast %parallel_loop3A_934 : i32 to vector<16xi32>
      %parallel_loop3A_936 = arith.addi %parallel_loop3A_175, %parallel_loop3A_935 : vector<16xi32>
      %parallel_loop3A_937 = tpu.vector_load_idx %arg13[%parallel_loop3A_936] : memref<66560xf32, #tpu.memory_space<vmem>>[vector<16xi32>], vector<16xf32>,
      %parallel_loop3A_938 = arith.subf %parallel_loop3A_928, %parallel_loop3A_937 : vector<16xf32>
      %parallel_loop3A_939 = arith.mulf %parallel_loop3A_933, %parallel_loop3A_933 : vector<16xf32>
      %parallel_loop3A_940 = arith.addf %parallel_loop3A_894, %parallel_loop3A_939 : vector<16xf32>
      %parallel_loop3A_941 = arith.mulf %parallel_loop3A_938, %parallel_loop3A_938 : vector<16xf32>
      %parallel_loop3A_942 = arith.addf %parallel_loop3A_896, %parallel_loop3A_941 : vector<16xf32>
      %parallel_loop3A_943 = arith.constant 33 : i32
      %parallel_loop3A_944 = vector.broadcast %parallel_loop3A_943 : i32 to vector<16xi32>
      %parallel_loop3A_945 = arith.addi %parallel_loop3A_169, %parallel_loop3A_944 : vector<16xi32>
      %parallel_loop3A_946 = tpu.vector_load_idx %arg13[%parallel_loop3A_945] : memref<66560xf32, #tpu.memory_space<vmem>>[vector<16xi32>], vector<16xf32>,
      %parallel_loop3A_947 = arith.constant 33 : i32
      %parallel_loop3A_948 = vector.broadcast %parallel_loop3A_947 : i32 to vector<16xi32>
      %parallel_loop3A_949 = arith.addi %parallel_loop3A_166, %parallel_loop3A_948 : vector<16xi32>
      %parallel_loop3A_950 = tpu.vector_load_idx %arg14[%parallel_loop3A_949] : memref<6760xf32, #tpu.memory_space<vmem>>[vector<16xi32>], vector<16xf32>,
      %parallel_loop3A_951 = arith.addf %parallel_loop3A_946, %parallel_loop3A_950 : vector<16xf32>
      %parallel_loop3A_952 = arith.constant 33 : i32
      %parallel_loop3A_953 = vector.broadcast %parallel_loop3A_952 : i32 to vector<16xi32>
      %parallel_loop3A_954 = arith.addi %parallel_loop3A_172, %parallel_loop3A_953 : vector<16xi32>
      %parallel_loop3A_955 = tpu.vector_load_idx %arg13[%parallel_loop3A_954] : memref<66560xf32, #tpu.memory_space<vmem>>[vector<16xi32>], vector<16xf32>,
      %parallel_loop3A_956 = arith.subf %parallel_loop3A_951, %parallel_loop3A_955 : vector<16xf32>
      %parallel_loop3A_957 = arith.constant 33 : i32
      %parallel_loop3A_958 = vector.broadcast %parallel_loop3A_957 : i32 to vector<16xi32>
      %parallel_loop3A_959 = arith.addi %parallel_loop3A_175, %parallel_loop3A_958 : vector<16xi32>
      %parallel_loop3A_960 = tpu.vector_load_idx %arg13[%parallel_loop3A_959] : memref<66560xf32, #tpu.memory_space<vmem>>[vector<16xi32>], vector<16xf32>,
      %parallel_loop3A_961 = arith.subf %parallel_loop3A_951, %parallel_loop3A_960 : vector<16xf32>
      %parallel_loop3A_962 = arith.mulf %parallel_loop3A_956, %parallel_loop3A_956 : vector<16xf32>
      %parallel_loop3A_963 = arith.addf %parallel_loop3A_917, %parallel_loop3A_962 : vector<16xf32>
      %parallel_loop3A_964 = arith.mulf %parallel_loop3A_961, %parallel_loop3A_961 : vector<16xf32>
      %parallel_loop3A_965 = arith.addf %parallel_loop3A_919, %parallel_loop3A_964 : vector<16xf32>
      %parallel_loop3A_966 = arith.constant 34 : i32
      %parallel_loop3A_967 = vector.broadcast %parallel_loop3A_966 : i32 to vector<16xi32>
      %parallel_loop3A_968 = arith.addi %parallel_loop3A_169, %parallel_loop3A_967 : vector<16xi32>
      %parallel_loop3A_969 = tpu.vector_load_idx %arg13[%parallel_loop3A_968] : memref<66560xf32, #tpu.memory_space<vmem>>[vector<16xi32>], vector<16xf32>,
      %parallel_loop3A_970 = arith.constant 34 : i32
      %parallel_loop3A_971 = vector.broadcast %parallel_loop3A_970 : i32 to vector<16xi32>
      %parallel_loop3A_972 = arith.addi %parallel_loop3A_166, %parallel_loop3A_971 : vector<16xi32>
      %parallel_loop3A_973 = tpu.vector_load_idx %arg14[%parallel_loop3A_972] : memref<6760xf32, #tpu.memory_space<vmem>>[vector<16xi32>], vector<16xf32>,
      %parallel_loop3A_974 = arith.addf %parallel_loop3A_969, %parallel_loop3A_973 : vector<16xf32>
      %parallel_loop3A_975 = arith.constant 34 : i32
      %parallel_loop3A_976 = vector.broadcast %parallel_loop3A_975 : i32 to vector<16xi32>
      %parallel_loop3A_977 = arith.addi %parallel_loop3A_172, %parallel_loop3A_976 : vector<16xi32>
      %parallel_loop3A_978 = tpu.vector_load_idx %arg13[%parallel_loop3A_977] : memref<66560xf32, #tpu.memory_space<vmem>>[vector<16xi32>], vector<16xf32>,
      %parallel_loop3A_979 = arith.subf %parallel_loop3A_974, %parallel_loop3A_978 : vector<16xf32>
      %parallel_loop3A_980 = arith.constant 34 : i32
      %parallel_loop3A_981 = vector.broadcast %parallel_loop3A_980 : i32 to vector<16xi32>
      %parallel_loop3A_982 = arith.addi %parallel_loop3A_175, %parallel_loop3A_981 : vector<16xi32>
      %parallel_loop3A_983 = tpu.vector_load_idx %arg13[%parallel_loop3A_982] : memref<66560xf32, #tpu.memory_space<vmem>>[vector<16xi32>], vector<16xf32>,
      %parallel_loop3A_984 = arith.subf %parallel_loop3A_974, %parallel_loop3A_983 : vector<16xf32>
      %parallel_loop3A_985 = arith.mulf %parallel_loop3A_979, %parallel_loop3A_979 : vector<16xf32>
      %parallel_loop3A_986 = arith.addf %parallel_loop3A_940, %parallel_loop3A_985 : vector<16xf32>
      %parallel_loop3A_987 = arith.mulf %parallel_loop3A_984, %parallel_loop3A_984 : vector<16xf32>
      %parallel_loop3A_988 = arith.addf %parallel_loop3A_942, %parallel_loop3A_987 : vector<16xf32>
      %parallel_loop3A_989 = arith.constant 35 : i32
      %parallel_loop3A_990 = vector.broadcast %parallel_loop3A_989 : i32 to vector<16xi32>
      %parallel_loop3A_991 = arith.addi %parallel_loop3A_169, %parallel_loop3A_990 : vector<16xi32>
      %parallel_loop3A_992 = tpu.vector_load_idx %arg13[%parallel_loop3A_991] : memref<66560xf32, #tpu.memory_space<vmem>>[vector<16xi32>], vector<16xf32>,
      %parallel_loop3A_993 = arith.constant 35 : i32
      %parallel_loop3A_994 = vector.broadcast %parallel_loop3A_993 : i32 to vector<16xi32>
      %parallel_loop3A_995 = arith.addi %parallel_loop3A_166, %parallel_loop3A_994 : vector<16xi32>
      %parallel_loop3A_996 = tpu.vector_load_idx %arg14[%parallel_loop3A_995] : memref<6760xf32, #tpu.memory_space<vmem>>[vector<16xi32>], vector<16xf32>,
      %parallel_loop3A_997 = arith.addf %parallel_loop3A_992, %parallel_loop3A_996 : vector<16xf32>
      %parallel_loop3A_998 = arith.constant 35 : i32
      %parallel_loop3A_999 = vector.broadcast %parallel_loop3A_998 : i32 to vector<16xi32>
      %parallel_loop3A_1000 = arith.addi %parallel_loop3A_172, %parallel_loop3A_999 : vector<16xi32>
      %parallel_loop3A_1001 = tpu.vector_load_idx %arg13[%parallel_loop3A_1000] : memref<66560xf32, #tpu.memory_space<vmem>>[vector<16xi32>], vector<16xf32>,
      %parallel_loop3A_1002 = arith.subf %parallel_loop3A_997, %parallel_loop3A_1001 : vector<16xf32>
      %parallel_loop3A_1003 = arith.constant 35 : i32
      %parallel_loop3A_1004 = vector.broadcast %parallel_loop3A_1003 : i32 to vector<16xi32>
      %parallel_loop3A_1005 = arith.addi %parallel_loop3A_175, %parallel_loop3A_1004 : vector<16xi32>
      %parallel_loop3A_1006 = tpu.vector_load_idx %arg13[%parallel_loop3A_1005] : memref<66560xf32, #tpu.memory_space<vmem>>[vector<16xi32>], vector<16xf32>,
      %parallel_loop3A_1007 = arith.subf %parallel_loop3A_997, %parallel_loop3A_1006 : vector<16xf32>
      %parallel_loop3A_1008 = arith.mulf %parallel_loop3A_1002, %parallel_loop3A_1002 : vector<16xf32>
      %parallel_loop3A_1009 = arith.addf %parallel_loop3A_963, %parallel_loop3A_1008 : vector<16xf32>
      %parallel_loop3A_1010 = arith.mulf %parallel_loop3A_1007, %parallel_loop3A_1007 : vector<16xf32>
      %parallel_loop3A_1011 = arith.addf %parallel_loop3A_965, %parallel_loop3A_1010 : vector<16xf32>
      %parallel_loop3A_1012 = arith.constant 36 : i32
      %parallel_loop3A_1013 = vector.broadcast %parallel_loop3A_1012 : i32 to vector<16xi32>
      %parallel_loop3A_1014 = arith.addi %parallel_loop3A_169, %parallel_loop3A_1013 : vector<16xi32>
      %parallel_loop3A_1015 = tpu.vector_load_idx %arg13[%parallel_loop3A_1014] : memref<66560xf32, #tpu.memory_space<vmem>>[vector<16xi32>], vector<16xf32>,
      %parallel_loop3A_1016 = arith.constant 36 : i32
      %parallel_loop3A_1017 = vector.broadcast %parallel_loop3A_1016 : i32 to vector<16xi32>
      %parallel_loop3A_1018 = arith.addi %parallel_loop3A_166, %parallel_loop3A_1017 : vector<16xi32>
      %parallel_loop3A_1019 = tpu.vector_load_idx %arg14[%parallel_loop3A_1018] : memref<6760xf32, #tpu.memory_space<vmem>>[vector<16xi32>], vector<16xf32>,
      %parallel_loop3A_1020 = arith.addf %parallel_loop3A_1015, %parallel_loop3A_1019 : vector<16xf32>
      %parallel_loop3A_1021 = arith.constant 36 : i32
      %parallel_loop3A_1022 = vector.broadcast %parallel_loop3A_1021 : i32 to vector<16xi32>
      %parallel_loop3A_1023 = arith.addi %parallel_loop3A_172, %parallel_loop3A_1022 : vector<16xi32>
      %parallel_loop3A_1024 = tpu.vector_load_idx %arg13[%parallel_loop3A_1023] : memref<66560xf32, #tpu.memory_space<vmem>>[vector<16xi32>], vector<16xf32>,
      %parallel_loop3A_1025 = arith.subf %parallel_loop3A_1020, %parallel_loop3A_1024 : vector<16xf32>
      %parallel_loop3A_1026 = arith.constant 36 : i32
      %parallel_loop3A_1027 = vector.broadcast %parallel_loop3A_1026 : i32 to vector<16xi32>
      %parallel_loop3A_1028 = arith.addi %parallel_loop3A_175, %parallel_loop3A_1027 : vector<16xi32>
      %parallel_loop3A_1029 = tpu.vector_load_idx %arg13[%parallel_loop3A_1028] : memref<66560xf32, #tpu.memory_space<vmem>>[vector<16xi32>], vector<16xf32>,
      %parallel_loop3A_1030 = arith.subf %parallel_loop3A_1020, %parallel_loop3A_1029 : vector<16xf32>
      %parallel_loop3A_1031 = arith.mulf %parallel_loop3A_1025, %parallel_loop3A_1025 : vector<16xf32>
      %parallel_loop3A_1032 = arith.addf %parallel_loop3A_986, %parallel_loop3A_1031 : vector<16xf32>
      %parallel_loop3A_1033 = arith.mulf %parallel_loop3A_1030, %parallel_loop3A_1030 : vector<16xf32>
      %parallel_loop3A_1034 = arith.addf %parallel_loop3A_988, %parallel_loop3A_1033 : vector<16xf32>
      %parallel_loop3A_1035 = arith.constant 37 : i32
      %parallel_loop3A_1036 = vector.broadcast %parallel_loop3A_1035 : i32 to vector<16xi32>
      %parallel_loop3A_1037 = arith.addi %parallel_loop3A_169, %parallel_loop3A_1036 : vector<16xi32>
      %parallel_loop3A_1038 = tpu.vector_load_idx %arg13[%parallel_loop3A_1037] : memref<66560xf32, #tpu.memory_space<vmem>>[vector<16xi32>], vector<16xf32>,
      %parallel_loop3A_1039 = arith.constant 37 : i32
      %parallel_loop3A_1040 = vector.broadcast %parallel_loop3A_1039 : i32 to vector<16xi32>
      %parallel_loop3A_1041 = arith.addi %parallel_loop3A_166, %parallel_loop3A_1040 : vector<16xi32>
      %parallel_loop3A_1042 = tpu.vector_load_idx %arg14[%parallel_loop3A_1041] : memref<6760xf32, #tpu.memory_space<vmem>>[vector<16xi32>], vector<16xf32>,
      %parallel_loop3A_1043 = arith.addf %parallel_loop3A_1038, %parallel_loop3A_1042 : vector<16xf32>
      %parallel_loop3A_1044 = arith.constant 37 : i32
      %parallel_loop3A_1045 = vector.broadcast %parallel_loop3A_1044 : i32 to vector<16xi32>
      %parallel_loop3A_1046 = arith.addi %parallel_loop3A_172, %parallel_loop3A_1045 : vector<16xi32>
      %parallel_loop3A_1047 = tpu.vector_load_idx %arg13[%parallel_loop3A_1046] : memref<66560xf32, #tpu.memory_space<vmem>>[vector<16xi32>], vector<16xf32>,
      %parallel_loop3A_1048 = arith.subf %parallel_loop3A_1043, %parallel_loop3A_1047 : vector<16xf32>
      %parallel_loop3A_1049 = arith.constant 37 : i32
      %parallel_loop3A_1050 = vector.broadcast %parallel_loop3A_1049 : i32 to vector<16xi32>
      %parallel_loop3A_1051 = arith.addi %parallel_loop3A_175, %parallel_loop3A_1050 : vector<16xi32>
      %parallel_loop3A_1052 = tpu.vector_load_idx %arg13[%parallel_loop3A_1051] : memref<66560xf32, #tpu.memory_space<vmem>>[vector<16xi32>], vector<16xf32>,
      %parallel_loop3A_1053 = arith.subf %parallel_loop3A_1043, %parallel_loop3A_1052 : vector<16xf32>
      %parallel_loop3A_1054 = arith.mulf %parallel_loop3A_1048, %parallel_loop3A_1048 : vector<16xf32>
      %parallel_loop3A_1055 = arith.addf %parallel_loop3A_1009, %parallel_loop3A_1054 : vector<16xf32>
      %parallel_loop3A_1056 = arith.mulf %parallel_loop3A_1053, %parallel_loop3A_1053 : vector<16xf32>
      %parallel_loop3A_1057 = arith.addf %parallel_loop3A_1011, %parallel_loop3A_1056 : vector<16xf32>
      %parallel_loop3A_1058 = arith.constant 38 : i32
      %parallel_loop3A_1059 = vector.broadcast %parallel_loop3A_1058 : i32 to vector<16xi32>
      %parallel_loop3A_1060 = arith.addi %parallel_loop3A_169, %parallel_loop3A_1059 : vector<16xi32>
      %parallel_loop3A_1061 = tpu.vector_load_idx %arg13[%parallel_loop3A_1060] : memref<66560xf32, #tpu.memory_space<vmem>>[vector<16xi32>], vector<16xf32>,
      %parallel_loop3A_1062 = arith.constant 38 : i32
      %parallel_loop3A_1063 = vector.broadcast %parallel_loop3A_1062 : i32 to vector<16xi32>
      %parallel_loop3A_1064 = arith.addi %parallel_loop3A_166, %parallel_loop3A_1063 : vector<16xi32>
      %parallel_loop3A_1065 = tpu.vector_load_idx %arg14[%parallel_loop3A_1064] : memref<6760xf32, #tpu.memory_space<vmem>>[vector<16xi32>], vector<16xf32>,
      %parallel_loop3A_1066 = arith.addf %parallel_loop3A_1061, %parallel_loop3A_1065 : vector<16xf32>
      %parallel_loop3A_1067 = arith.constant 38 : i32
      %parallel_loop3A_1068 = vector.broadcast %parallel_loop3A_1067 : i32 to vector<16xi32>
      %parallel_loop3A_1069 = arith.addi %parallel_loop3A_172, %parallel_loop3A_1068 : vector<16xi32>
      %parallel_loop3A_1070 = tpu.vector_load_idx %arg13[%parallel_loop3A_1069] : memref<66560xf32, #tpu.memory_space<vmem>>[vector<16xi32>], vector<16xf32>,
      %parallel_loop3A_1071 = arith.subf %parallel_loop3A_1066, %parallel_loop3A_1070 : vector<16xf32>
      %parallel_loop3A_1072 = arith.constant 38 : i32
      %parallel_loop3A_1073 = vector.broadcast %parallel_loop3A_1072 : i32 to vector<16xi32>
      %parallel_loop3A_1074 = arith.addi %parallel_loop3A_175, %parallel_loop3A_1073 : vector<16xi32>
      %parallel_loop3A_1075 = tpu.vector_load_idx %arg13[%parallel_loop3A_1074] : memref<66560xf32, #tpu.memory_space<vmem>>[vector<16xi32>], vector<16xf32>,
      %parallel_loop3A_1076 = arith.subf %parallel_loop3A_1066, %parallel_loop3A_1075 : vector<16xf32>
      %parallel_loop3A_1077 = arith.mulf %parallel_loop3A_1071, %parallel_loop3A_1071 : vector<16xf32>
      %parallel_loop3A_1078 = arith.addf %parallel_loop3A_1032, %parallel_loop3A_1077 : vector<16xf32>
      %parallel_loop3A_1079 = arith.mulf %parallel_loop3A_1076, %parallel_loop3A_1076 : vector<16xf32>
      %parallel_loop3A_1080 = arith.addf %parallel_loop3A_1034, %parallel_loop3A_1079 : vector<16xf32>
      %parallel_loop3A_1081 = arith.constant 39 : i32
      %parallel_loop3A_1082 = vector.broadcast %parallel_loop3A_1081 : i32 to vector<16xi32>
      %parallel_loop3A_1083 = arith.addi %parallel_loop3A_169, %parallel_loop3A_1082 : vector<16xi32>
      %parallel_loop3A_1084 = tpu.vector_load_idx %arg13[%parallel_loop3A_1083] : memref<66560xf32, #tpu.memory_space<vmem>>[vector<16xi32>], vector<16xf32>,
      %parallel_loop3A_1085 = arith.constant 39 : i32
      %parallel_loop3A_1086 = vector.broadcast %parallel_loop3A_1085 : i32 to vector<16xi32>
      %parallel_loop3A_1087 = arith.addi %parallel_loop3A_166, %parallel_loop3A_1086 : vector<16xi32>
      %parallel_loop3A_1088 = tpu.vector_load_idx %arg14[%parallel_loop3A_1087] : memref<6760xf32, #tpu.memory_space<vmem>>[vector<16xi32>], vector<16xf32>,
      %parallel_loop3A_1089 = arith.addf %parallel_loop3A_1084, %parallel_loop3A_1088 : vector<16xf32>
      %parallel_loop3A_1090 = arith.constant 39 : i32
      %parallel_loop3A_1091 = vector.broadcast %parallel_loop3A_1090 : i32 to vector<16xi32>
      %parallel_loop3A_1092 = arith.addi %parallel_loop3A_172, %parallel_loop3A_1091 : vector<16xi32>
      %parallel_loop3A_1093 = tpu.vector_load_idx %arg13[%parallel_loop3A_1092] : memref<66560xf32, #tpu.memory_space<vmem>>[vector<16xi32>], vector<16xf32>,
      %parallel_loop3A_1094 = arith.subf %parallel_loop3A_1089, %parallel_loop3A_1093 : vector<16xf32>
      %parallel_loop3A_1095 = arith.constant 39 : i32
      %parallel_loop3A_1096 = vector.broadcast %parallel_loop3A_1095 : i32 to vector<16xi32>
      %parallel_loop3A_1097 = arith.addi %parallel_loop3A_175, %parallel_loop3A_1096 : vector<16xi32>
      %parallel_loop3A_1098 = tpu.vector_load_idx %arg13[%parallel_loop3A_1097] : memref<66560xf32, #tpu.memory_space<vmem>>[vector<16xi32>], vector<16xf32>,
      %parallel_loop3A_1099 = arith.subf %parallel_loop3A_1089, %parallel_loop3A_1098 : vector<16xf32>
      %parallel_loop3A_1100 = arith.mulf %parallel_loop3A_1094, %parallel_loop3A_1094 : vector<16xf32>
      %parallel_loop3A_1101 = arith.addf %parallel_loop3A_1055, %parallel_loop3A_1100 : vector<16xf32>
      %parallel_loop3A_1102 = arith.mulf %parallel_loop3A_1099, %parallel_loop3A_1099 : vector<16xf32>
      %parallel_loop3A_1103 = arith.addf %parallel_loop3A_1057, %parallel_loop3A_1102 : vector<16xf32>
      %parallel_loop3A_1104 = arith.constant 40 : i32
      %parallel_loop3A_1105 = vector.broadcast %parallel_loop3A_1104 : i32 to vector<16xi32>
      %parallel_loop3A_1106 = arith.addi %parallel_loop3A_169, %parallel_loop3A_1105 : vector<16xi32>
      %parallel_loop3A_1107 = tpu.vector_load_idx %arg13[%parallel_loop3A_1106] : memref<66560xf32, #tpu.memory_space<vmem>>[vector<16xi32>], vector<16xf32>,
      %parallel_loop3A_1108 = arith.constant 40 : i32
      %parallel_loop3A_1109 = vector.broadcast %parallel_loop3A_1108 : i32 to vector<16xi32>
      %parallel_loop3A_1110 = arith.addi %parallel_loop3A_166, %parallel_loop3A_1109 : vector<16xi32>
      %parallel_loop3A_1111 = tpu.vector_load_idx %arg14[%parallel_loop3A_1110] : memref<6760xf32, #tpu.memory_space<vmem>>[vector<16xi32>], vector<16xf32>,
      %parallel_loop3A_1112 = arith.addf %parallel_loop3A_1107, %parallel_loop3A_1111 : vector<16xf32>
      %parallel_loop3A_1113 = arith.constant 40 : i32
      %parallel_loop3A_1114 = vector.broadcast %parallel_loop3A_1113 : i32 to vector<16xi32>
      %parallel_loop3A_1115 = arith.addi %parallel_loop3A_172, %parallel_loop3A_1114 : vector<16xi32>
      %parallel_loop3A_1116 = tpu.vector_load_idx %arg13[%parallel_loop3A_1115] : memref<66560xf32, #tpu.memory_space<vmem>>[vector<16xi32>], vector<16xf32>,
      %parallel_loop3A_1117 = arith.subf %parallel_loop3A_1112, %parallel_loop3A_1116 : vector<16xf32>
      %parallel_loop3A_1118 = arith.constant 40 : i32
      %parallel_loop3A_1119 = vector.broadcast %parallel_loop3A_1118 : i32 to vector<16xi32>
      %parallel_loop3A_1120 = arith.addi %parallel_loop3A_175, %parallel_loop3A_1119 : vector<16xi32>
      %parallel_loop3A_1121 = tpu.vector_load_idx %arg13[%parallel_loop3A_1120] : memref<66560xf32, #tpu.memory_space<vmem>>[vector<16xi32>], vector<16xf32>,
      %parallel_loop3A_1122 = arith.subf %parallel_loop3A_1112, %parallel_loop3A_1121 : vector<16xf32>
      %parallel_loop3A_1123 = arith.mulf %parallel_loop3A_1117, %parallel_loop3A_1117 : vector<16xf32>
      %parallel_loop3A_1124 = arith.addf %parallel_loop3A_1078, %parallel_loop3A_1123 : vector<16xf32>
      %parallel_loop3A_1125 = arith.mulf %parallel_loop3A_1122, %parallel_loop3A_1122 : vector<16xf32>
      %parallel_loop3A_1126 = arith.addf %parallel_loop3A_1080, %parallel_loop3A_1125 : vector<16xf32>
      %parallel_loop3A_1127 = arith.constant 41 : i32
      %parallel_loop3A_1128 = vector.broadcast %parallel_loop3A_1127 : i32 to vector<16xi32>
      %parallel_loop3A_1129 = arith.addi %parallel_loop3A_169, %parallel_loop3A_1128 : vector<16xi32>
      %parallel_loop3A_1130 = tpu.vector_load_idx %arg13[%parallel_loop3A_1129] : memref<66560xf32, #tpu.memory_space<vmem>>[vector<16xi32>], vector<16xf32>,
      %parallel_loop3A_1131 = arith.constant 41 : i32
      %parallel_loop3A_1132 = vector.broadcast %parallel_loop3A_1131 : i32 to vector<16xi32>
      %parallel_loop3A_1133 = arith.addi %parallel_loop3A_166, %parallel_loop3A_1132 : vector<16xi32>
      %parallel_loop3A_1134 = tpu.vector_load_idx %arg14[%parallel_loop3A_1133] : memref<6760xf32, #tpu.memory_space<vmem>>[vector<16xi32>], vector<16xf32>,
      %parallel_loop3A_1135 = arith.addf %parallel_loop3A_1130, %parallel_loop3A_1134 : vector<16xf32>
      %parallel_loop3A_1136 = arith.constant 41 : i32
      %parallel_loop3A_1137 = vector.broadcast %parallel_loop3A_1136 : i32 to vector<16xi32>
      %parallel_loop3A_1138 = arith.addi %parallel_loop3A_172, %parallel_loop3A_1137 : vector<16xi32>
      %parallel_loop3A_1139 = tpu.vector_load_idx %arg13[%parallel_loop3A_1138] : memref<66560xf32, #tpu.memory_space<vmem>>[vector<16xi32>], vector<16xf32>,
      %parallel_loop3A_1140 = arith.subf %parallel_loop3A_1135, %parallel_loop3A_1139 : vector<16xf32>
      %parallel_loop3A_1141 = arith.constant 41 : i32
      %parallel_loop3A_1142 = vector.broadcast %parallel_loop3A_1141 : i32 to vector<16xi32>
      %parallel_loop3A_1143 = arith.addi %parallel_loop3A_175, %parallel_loop3A_1142 : vector<16xi32>
      %parallel_loop3A_1144 = tpu.vector_load_idx %arg13[%parallel_loop3A_1143] : memref<66560xf32, #tpu.memory_space<vmem>>[vector<16xi32>], vector<16xf32>,
      %parallel_loop3A_1145 = arith.subf %parallel_loop3A_1135, %parallel_loop3A_1144 : vector<16xf32>
      %parallel_loop3A_1146 = arith.mulf %parallel_loop3A_1140, %parallel_loop3A_1140 : vector<16xf32>
      %parallel_loop3A_1147 = arith.addf %parallel_loop3A_1101, %parallel_loop3A_1146 : vector<16xf32>
      %parallel_loop3A_1148 = arith.mulf %parallel_loop3A_1145, %parallel_loop3A_1145 : vector<16xf32>
      %parallel_loop3A_1149 = arith.addf %parallel_loop3A_1103, %parallel_loop3A_1148 : vector<16xf32>
      %parallel_loop3A_1150 = arith.constant 42 : i32
      %parallel_loop3A_1151 = vector.broadcast %parallel_loop3A_1150 : i32 to vector<16xi32>
      %parallel_loop3A_1152 = arith.addi %parallel_loop3A_169, %parallel_loop3A_1151 : vector<16xi32>
      %parallel_loop3A_1153 = tpu.vector_load_idx %arg13[%parallel_loop3A_1152] : memref<66560xf32, #tpu.memory_space<vmem>>[vector<16xi32>], vector<16xf32>,
      %parallel_loop3A_1154 = arith.constant 42 : i32
      %parallel_loop3A_1155 = vector.broadcast %parallel_loop3A_1154 : i32 to vector<16xi32>
      %parallel_loop3A_1156 = arith.addi %parallel_loop3A_166, %parallel_loop3A_1155 : vector<16xi32>
      %parallel_loop3A_1157 = tpu.vector_load_idx %arg14[%parallel_loop3A_1156] : memref<6760xf32, #tpu.memory_space<vmem>>[vector<16xi32>], vector<16xf32>,
      %parallel_loop3A_1158 = arith.addf %parallel_loop3A_1153, %parallel_loop3A_1157 : vector<16xf32>
      %parallel_loop3A_1159 = arith.constant 42 : i32
      %parallel_loop3A_1160 = vector.broadcast %parallel_loop3A_1159 : i32 to vector<16xi32>
      %parallel_loop3A_1161 = arith.addi %parallel_loop3A_172, %parallel_loop3A_1160 : vector<16xi32>
      %parallel_loop3A_1162 = tpu.vector_load_idx %arg13[%parallel_loop3A_1161] : memref<66560xf32, #tpu.memory_space<vmem>>[vector<16xi32>], vector<16xf32>,
      %parallel_loop3A_1163 = arith.subf %parallel_loop3A_1158, %parallel_loop3A_1162 : vector<16xf32>
      %parallel_loop3A_1164 = arith.constant 42 : i32
      %parallel_loop3A_1165 = vector.broadcast %parallel_loop3A_1164 : i32 to vector<16xi32>
      %parallel_loop3A_1166 = arith.addi %parallel_loop3A_175, %parallel_loop3A_1165 : vector<16xi32>
      %parallel_loop3A_1167 = tpu.vector_load_idx %arg13[%parallel_loop3A_1166] : memref<66560xf32, #tpu.memory_space<vmem>>[vector<16xi32>], vector<16xf32>,
      %parallel_loop3A_1168 = arith.subf %parallel_loop3A_1158, %parallel_loop3A_1167 : vector<16xf32>
      %parallel_loop3A_1169 = arith.mulf %parallel_loop3A_1163, %parallel_loop3A_1163 : vector<16xf32>
      %parallel_loop3A_1170 = arith.addf %parallel_loop3A_1124, %parallel_loop3A_1169 : vector<16xf32>
      %parallel_loop3A_1171 = arith.mulf %parallel_loop3A_1168, %parallel_loop3A_1168 : vector<16xf32>
      %parallel_loop3A_1172 = arith.addf %parallel_loop3A_1126, %parallel_loop3A_1171 : vector<16xf32>
      %parallel_loop3A_1173 = arith.constant 43 : i32
      %parallel_loop3A_1174 = vector.broadcast %parallel_loop3A_1173 : i32 to vector<16xi32>
      %parallel_loop3A_1175 = arith.addi %parallel_loop3A_169, %parallel_loop3A_1174 : vector<16xi32>
      %parallel_loop3A_1176 = tpu.vector_load_idx %arg13[%parallel_loop3A_1175] : memref<66560xf32, #tpu.memory_space<vmem>>[vector<16xi32>], vector<16xf32>,
      %parallel_loop3A_1177 = arith.constant 43 : i32
      %parallel_loop3A_1178 = vector.broadcast %parallel_loop3A_1177 : i32 to vector<16xi32>
      %parallel_loop3A_1179 = arith.addi %parallel_loop3A_166, %parallel_loop3A_1178 : vector<16xi32>
      %parallel_loop3A_1180 = tpu.vector_load_idx %arg14[%parallel_loop3A_1179] : memref<6760xf32, #tpu.memory_space<vmem>>[vector<16xi32>], vector<16xf32>,
      %parallel_loop3A_1181 = arith.addf %parallel_loop3A_1176, %parallel_loop3A_1180 : vector<16xf32>
      %parallel_loop3A_1182 = arith.constant 43 : i32
      %parallel_loop3A_1183 = vector.broadcast %parallel_loop3A_1182 : i32 to vector<16xi32>
      %parallel_loop3A_1184 = arith.addi %parallel_loop3A_172, %parallel_loop3A_1183 : vector<16xi32>
      %parallel_loop3A_1185 = tpu.vector_load_idx %arg13[%parallel_loop3A_1184] : memref<66560xf32, #tpu.memory_space<vmem>>[vector<16xi32>], vector<16xf32>,
      %parallel_loop3A_1186 = arith.subf %parallel_loop3A_1181, %parallel_loop3A_1185 : vector<16xf32>
      %parallel_loop3A_1187 = arith.constant 43 : i32
      %parallel_loop3A_1188 = vector.broadcast %parallel_loop3A_1187 : i32 to vector<16xi32>
      %parallel_loop3A_1189 = arith.addi %parallel_loop3A_175, %parallel_loop3A_1188 : vector<16xi32>
      %parallel_loop3A_1190 = tpu.vector_load_idx %arg13[%parallel_loop3A_1189] : memref<66560xf32, #tpu.memory_space<vmem>>[vector<16xi32>], vector<16xf32>,
      %parallel_loop3A_1191 = arith.subf %parallel_loop3A_1181, %parallel_loop3A_1190 : vector<16xf32>
      %parallel_loop3A_1192 = arith.mulf %parallel_loop3A_1186, %parallel_loop3A_1186 : vector<16xf32>
      %parallel_loop3A_1193 = arith.addf %parallel_loop3A_1147, %parallel_loop3A_1192 : vector<16xf32>
      %parallel_loop3A_1194 = arith.mulf %parallel_loop3A_1191, %parallel_loop3A_1191 : vector<16xf32>
      %parallel_loop3A_1195 = arith.addf %parallel_loop3A_1149, %parallel_loop3A_1194 : vector<16xf32>
      %parallel_loop3A_1196 = arith.constant 44 : i32
      %parallel_loop3A_1197 = vector.broadcast %parallel_loop3A_1196 : i32 to vector<16xi32>
      %parallel_loop3A_1198 = arith.addi %parallel_loop3A_169, %parallel_loop3A_1197 : vector<16xi32>
      %parallel_loop3A_1199 = tpu.vector_load_idx %arg13[%parallel_loop3A_1198] : memref<66560xf32, #tpu.memory_space<vmem>>[vector<16xi32>], vector<16xf32>,
      %parallel_loop3A_1200 = arith.constant 44 : i32
      %parallel_loop3A_1201 = vector.broadcast %parallel_loop3A_1200 : i32 to vector<16xi32>
      %parallel_loop3A_1202 = arith.addi %parallel_loop3A_166, %parallel_loop3A_1201 : vector<16xi32>
      %parallel_loop3A_1203 = tpu.vector_load_idx %arg14[%parallel_loop3A_1202] : memref<6760xf32, #tpu.memory_space<vmem>>[vector<16xi32>], vector<16xf32>,
      %parallel_loop3A_1204 = arith.addf %parallel_loop3A_1199, %parallel_loop3A_1203 : vector<16xf32>
      %parallel_loop3A_1205 = arith.constant 44 : i32
      %parallel_loop3A_1206 = vector.broadcast %parallel_loop3A_1205 : i32 to vector<16xi32>
      %parallel_loop3A_1207 = arith.addi %parallel_loop3A_172, %parallel_loop3A_1206 : vector<16xi32>
      %parallel_loop3A_1208 = tpu.vector_load_idx %arg13[%parallel_loop3A_1207] : memref<66560xf32, #tpu.memory_space<vmem>>[vector<16xi32>], vector<16xf32>,
      %parallel_loop3A_1209 = arith.subf %parallel_loop3A_1204, %parallel_loop3A_1208 : vector<16xf32>
      %parallel_loop3A_1210 = arith.constant 44 : i32
      %parallel_loop3A_1211 = vector.broadcast %parallel_loop3A_1210 : i32 to vector<16xi32>
      %parallel_loop3A_1212 = arith.addi %parallel_loop3A_175, %parallel_loop3A_1211 : vector<16xi32>
      %parallel_loop3A_1213 = tpu.vector_load_idx %arg13[%parallel_loop3A_1212] : memref<66560xf32, #tpu.memory_space<vmem>>[vector<16xi32>], vector<16xf32>,
      %parallel_loop3A_1214 = arith.subf %parallel_loop3A_1204, %parallel_loop3A_1213 : vector<16xf32>
      %parallel_loop3A_1215 = arith.mulf %parallel_loop3A_1209, %parallel_loop3A_1209 : vector<16xf32>
      %parallel_loop3A_1216 = arith.addf %parallel_loop3A_1170, %parallel_loop3A_1215 : vector<16xf32>
      %parallel_loop3A_1217 = arith.mulf %parallel_loop3A_1214, %parallel_loop3A_1214 : vector<16xf32>
      %parallel_loop3A_1218 = arith.addf %parallel_loop3A_1172, %parallel_loop3A_1217 : vector<16xf32>
      %parallel_loop3A_1219 = arith.constant 45 : i32
      %parallel_loop3A_1220 = vector.broadcast %parallel_loop3A_1219 : i32 to vector<16xi32>
      %parallel_loop3A_1221 = arith.addi %parallel_loop3A_169, %parallel_loop3A_1220 : vector<16xi32>
      %parallel_loop3A_1222 = tpu.vector_load_idx %arg13[%parallel_loop3A_1221] : memref<66560xf32, #tpu.memory_space<vmem>>[vector<16xi32>], vector<16xf32>,
      %parallel_loop3A_1223 = arith.constant 45 : i32
      %parallel_loop3A_1224 = vector.broadcast %parallel_loop3A_1223 : i32 to vector<16xi32>
      %parallel_loop3A_1225 = arith.addi %parallel_loop3A_166, %parallel_loop3A_1224 : vector<16xi32>
      %parallel_loop3A_1226 = tpu.vector_load_idx %arg14[%parallel_loop3A_1225] : memref<6760xf32, #tpu.memory_space<vmem>>[vector<16xi32>], vector<16xf32>,
      %parallel_loop3A_1227 = arith.addf %parallel_loop3A_1222, %parallel_loop3A_1226 : vector<16xf32>
      %parallel_loop3A_1228 = arith.constant 45 : i32
      %parallel_loop3A_1229 = vector.broadcast %parallel_loop3A_1228 : i32 to vector<16xi32>
      %parallel_loop3A_1230 = arith.addi %parallel_loop3A_172, %parallel_loop3A_1229 : vector<16xi32>
      %parallel_loop3A_1231 = tpu.vector_load_idx %arg13[%parallel_loop3A_1230] : memref<66560xf32, #tpu.memory_space<vmem>>[vector<16xi32>], vector<16xf32>,
      %parallel_loop3A_1232 = arith.subf %parallel_loop3A_1227, %parallel_loop3A_1231 : vector<16xf32>
      %parallel_loop3A_1233 = arith.constant 45 : i32
      %parallel_loop3A_1234 = vector.broadcast %parallel_loop3A_1233 : i32 to vector<16xi32>
      %parallel_loop3A_1235 = arith.addi %parallel_loop3A_175, %parallel_loop3A_1234 : vector<16xi32>
      %parallel_loop3A_1236 = tpu.vector_load_idx %arg13[%parallel_loop3A_1235] : memref<66560xf32, #tpu.memory_space<vmem>>[vector<16xi32>], vector<16xf32>,
      %parallel_loop3A_1237 = arith.subf %parallel_loop3A_1227, %parallel_loop3A_1236 : vector<16xf32>
      %parallel_loop3A_1238 = arith.mulf %parallel_loop3A_1232, %parallel_loop3A_1232 : vector<16xf32>
      %parallel_loop3A_1239 = arith.addf %parallel_loop3A_1193, %parallel_loop3A_1238 : vector<16xf32>
      %parallel_loop3A_1240 = arith.mulf %parallel_loop3A_1237, %parallel_loop3A_1237 : vector<16xf32>
      %parallel_loop3A_1241 = arith.addf %parallel_loop3A_1195, %parallel_loop3A_1240 : vector<16xf32>
      %parallel_loop3A_1242 = arith.constant 46 : i32
      %parallel_loop3A_1243 = vector.broadcast %parallel_loop3A_1242 : i32 to vector<16xi32>
      %parallel_loop3A_1244 = arith.addi %parallel_loop3A_169, %parallel_loop3A_1243 : vector<16xi32>
      %parallel_loop3A_1245 = tpu.vector_load_idx %arg13[%parallel_loop3A_1244] : memref<66560xf32, #tpu.memory_space<vmem>>[vector<16xi32>], vector<16xf32>,
      %parallel_loop3A_1246 = arith.constant 46 : i32
      %parallel_loop3A_1247 = vector.broadcast %parallel_loop3A_1246 : i32 to vector<16xi32>
      %parallel_loop3A_1248 = arith.addi %parallel_loop3A_166, %parallel_loop3A_1247 : vector<16xi32>
      %parallel_loop3A_1249 = tpu.vector_load_idx %arg14[%parallel_loop3A_1248] : memref<6760xf32, #tpu.memory_space<vmem>>[vector<16xi32>], vector<16xf32>,
      %parallel_loop3A_1250 = arith.addf %parallel_loop3A_1245, %parallel_loop3A_1249 : vector<16xf32>
      %parallel_loop3A_1251 = arith.constant 46 : i32
      %parallel_loop3A_1252 = vector.broadcast %parallel_loop3A_1251 : i32 to vector<16xi32>
      %parallel_loop3A_1253 = arith.addi %parallel_loop3A_172, %parallel_loop3A_1252 : vector<16xi32>
      %parallel_loop3A_1254 = tpu.vector_load_idx %arg13[%parallel_loop3A_1253] : memref<66560xf32, #tpu.memory_space<vmem>>[vector<16xi32>], vector<16xf32>,
      %parallel_loop3A_1255 = arith.subf %parallel_loop3A_1250, %parallel_loop3A_1254 : vector<16xf32>
      %parallel_loop3A_1256 = arith.constant 46 : i32
      %parallel_loop3A_1257 = vector.broadcast %parallel_loop3A_1256 : i32 to vector<16xi32>
      %parallel_loop3A_1258 = arith.addi %parallel_loop3A_175, %parallel_loop3A_1257 : vector<16xi32>
      %parallel_loop3A_1259 = tpu.vector_load_idx %arg13[%parallel_loop3A_1258] : memref<66560xf32, #tpu.memory_space<vmem>>[vector<16xi32>], vector<16xf32>,
      %parallel_loop3A_1260 = arith.subf %parallel_loop3A_1250, %parallel_loop3A_1259 : vector<16xf32>
      %parallel_loop3A_1261 = arith.mulf %parallel_loop3A_1255, %parallel_loop3A_1255 : vector<16xf32>
      %parallel_loop3A_1262 = arith.addf %parallel_loop3A_1216, %parallel_loop3A_1261 : vector<16xf32>
      %parallel_loop3A_1263 = arith.mulf %parallel_loop3A_1260, %parallel_loop3A_1260 : vector<16xf32>
      %parallel_loop3A_1264 = arith.addf %parallel_loop3A_1218, %parallel_loop3A_1263 : vector<16xf32>
      %parallel_loop3A_1265 = arith.constant 47 : i32
      %parallel_loop3A_1266 = vector.broadcast %parallel_loop3A_1265 : i32 to vector<16xi32>
      %parallel_loop3A_1267 = arith.addi %parallel_loop3A_169, %parallel_loop3A_1266 : vector<16xi32>
      %parallel_loop3A_1268 = tpu.vector_load_idx %arg13[%parallel_loop3A_1267] : memref<66560xf32, #tpu.memory_space<vmem>>[vector<16xi32>], vector<16xf32>,
      %parallel_loop3A_1269 = arith.constant 47 : i32
      %parallel_loop3A_1270 = vector.broadcast %parallel_loop3A_1269 : i32 to vector<16xi32>
      %parallel_loop3A_1271 = arith.addi %parallel_loop3A_166, %parallel_loop3A_1270 : vector<16xi32>
      %parallel_loop3A_1272 = tpu.vector_load_idx %arg14[%parallel_loop3A_1271] : memref<6760xf32, #tpu.memory_space<vmem>>[vector<16xi32>], vector<16xf32>,
      %parallel_loop3A_1273 = arith.addf %parallel_loop3A_1268, %parallel_loop3A_1272 : vector<16xf32>
      %parallel_loop3A_1274 = arith.constant 47 : i32
      %parallel_loop3A_1275 = vector.broadcast %parallel_loop3A_1274 : i32 to vector<16xi32>
      %parallel_loop3A_1276 = arith.addi %parallel_loop3A_172, %parallel_loop3A_1275 : vector<16xi32>
      %parallel_loop3A_1277 = tpu.vector_load_idx %arg13[%parallel_loop3A_1276] : memref<66560xf32, #tpu.memory_space<vmem>>[vector<16xi32>], vector<16xf32>,
      %parallel_loop3A_1278 = arith.subf %parallel_loop3A_1273, %parallel_loop3A_1277 : vector<16xf32>
      %parallel_loop3A_1279 = arith.constant 47 : i32
      %parallel_loop3A_1280 = vector.broadcast %parallel_loop3A_1279 : i32 to vector<16xi32>
      %parallel_loop3A_1281 = arith.addi %parallel_loop3A_175, %parallel_loop3A_1280 : vector<16xi32>
      %parallel_loop3A_1282 = tpu.vector_load_idx %arg13[%parallel_loop3A_1281] : memref<66560xf32, #tpu.memory_space<vmem>>[vector<16xi32>], vector<16xf32>,
      %parallel_loop3A_1283 = arith.subf %parallel_loop3A_1273, %parallel_loop3A_1282 : vector<16xf32>
      %parallel_loop3A_1284 = arith.mulf %parallel_loop3A_1278, %parallel_loop3A_1278 : vector<16xf32>
      %parallel_loop3A_1285 = arith.addf %parallel_loop3A_1239, %parallel_loop3A_1284 : vector<16xf32>
      %parallel_loop3A_1286 = arith.mulf %parallel_loop3A_1283, %parallel_loop3A_1283 : vector<16xf32>
      %parallel_loop3A_1287 = arith.addf %parallel_loop3A_1241, %parallel_loop3A_1286 : vector<16xf32>
      %parallel_loop3A_1288 = arith.constant 48 : i32
      %parallel_loop3A_1289 = vector.broadcast %parallel_loop3A_1288 : i32 to vector<16xi32>
      %parallel_loop3A_1290 = arith.addi %parallel_loop3A_169, %parallel_loop3A_1289 : vector<16xi32>
      %parallel_loop3A_1291 = tpu.vector_load_idx %arg13[%parallel_loop3A_1290] : memref<66560xf32, #tpu.memory_space<vmem>>[vector<16xi32>], vector<16xf32>,
      %parallel_loop3A_1292 = arith.constant 48 : i32
      %parallel_loop3A_1293 = vector.broadcast %parallel_loop3A_1292 : i32 to vector<16xi32>
      %parallel_loop3A_1294 = arith.addi %parallel_loop3A_166, %parallel_loop3A_1293 : vector<16xi32>
      %parallel_loop3A_1295 = tpu.vector_load_idx %arg14[%parallel_loop3A_1294] : memref<6760xf32, #tpu.memory_space<vmem>>[vector<16xi32>], vector<16xf32>,
      %parallel_loop3A_1296 = arith.addf %parallel_loop3A_1291, %parallel_loop3A_1295 : vector<16xf32>
      %parallel_loop3A_1297 = arith.constant 48 : i32
      %parallel_loop3A_1298 = vector.broadcast %parallel_loop3A_1297 : i32 to vector<16xi32>
      %parallel_loop3A_1299 = arith.addi %parallel_loop3A_172, %parallel_loop3A_1298 : vector<16xi32>
      %parallel_loop3A_1300 = tpu.vector_load_idx %arg13[%parallel_loop3A_1299] : memref<66560xf32, #tpu.memory_space<vmem>>[vector<16xi32>], vector<16xf32>,
      %parallel_loop3A_1301 = arith.subf %parallel_loop3A_1296, %parallel_loop3A_1300 : vector<16xf32>
      %parallel_loop3A_1302 = arith.constant 48 : i32
      %parallel_loop3A_1303 = vector.broadcast %parallel_loop3A_1302 : i32 to vector<16xi32>
      %parallel_loop3A_1304 = arith.addi %parallel_loop3A_175, %parallel_loop3A_1303 : vector<16xi32>
      %parallel_loop3A_1305 = tpu.vector_load_idx %arg13[%parallel_loop3A_1304] : memref<66560xf32, #tpu.memory_space<vmem>>[vector<16xi32>], vector<16xf32>,
      %parallel_loop3A_1306 = arith.subf %parallel_loop3A_1296, %parallel_loop3A_1305 : vector<16xf32>
      %parallel_loop3A_1307 = arith.mulf %parallel_loop3A_1301, %parallel_loop3A_1301 : vector<16xf32>
      %parallel_loop3A_1308 = arith.addf %parallel_loop3A_1262, %parallel_loop3A_1307 : vector<16xf32>
      %parallel_loop3A_1309 = arith.mulf %parallel_loop3A_1306, %parallel_loop3A_1306 : vector<16xf32>
      %parallel_loop3A_1310 = arith.addf %parallel_loop3A_1264, %parallel_loop3A_1309 : vector<16xf32>
      %parallel_loop3A_1311 = arith.constant 49 : i32
      %parallel_loop3A_1312 = vector.broadcast %parallel_loop3A_1311 : i32 to vector<16xi32>
      %parallel_loop3A_1313 = arith.addi %parallel_loop3A_169, %parallel_loop3A_1312 : vector<16xi32>
      %parallel_loop3A_1314 = tpu.vector_load_idx %arg13[%parallel_loop3A_1313] : memref<66560xf32, #tpu.memory_space<vmem>>[vector<16xi32>], vector<16xf32>,
      %parallel_loop3A_1315 = arith.constant 49 : i32
      %parallel_loop3A_1316 = vector.broadcast %parallel_loop3A_1315 : i32 to vector<16xi32>
      %parallel_loop3A_1317 = arith.addi %parallel_loop3A_166, %parallel_loop3A_1316 : vector<16xi32>
      %parallel_loop3A_1318 = tpu.vector_load_idx %arg14[%parallel_loop3A_1317] : memref<6760xf32, #tpu.memory_space<vmem>>[vector<16xi32>], vector<16xf32>,
      %parallel_loop3A_1319 = arith.addf %parallel_loop3A_1314, %parallel_loop3A_1318 : vector<16xf32>
      %parallel_loop3A_1320 = arith.constant 49 : i32
      %parallel_loop3A_1321 = vector.broadcast %parallel_loop3A_1320 : i32 to vector<16xi32>
      %parallel_loop3A_1322 = arith.addi %parallel_loop3A_172, %parallel_loop3A_1321 : vector<16xi32>
      %parallel_loop3A_1323 = tpu.vector_load_idx %arg13[%parallel_loop3A_1322] : memref<66560xf32, #tpu.memory_space<vmem>>[vector<16xi32>], vector<16xf32>,
      %parallel_loop3A_1324 = arith.subf %parallel_loop3A_1319, %parallel_loop3A_1323 : vector<16xf32>
      %parallel_loop3A_1325 = arith.constant 49 : i32
      %parallel_loop3A_1326 = vector.broadcast %parallel_loop3A_1325 : i32 to vector<16xi32>
      %parallel_loop3A_1327 = arith.addi %parallel_loop3A_175, %parallel_loop3A_1326 : vector<16xi32>
      %parallel_loop3A_1328 = tpu.vector_load_idx %arg13[%parallel_loop3A_1327] : memref<66560xf32, #tpu.memory_space<vmem>>[vector<16xi32>], vector<16xf32>,
      %parallel_loop3A_1329 = arith.subf %parallel_loop3A_1319, %parallel_loop3A_1328 : vector<16xf32>
      %parallel_loop3A_1330 = arith.mulf %parallel_loop3A_1324, %parallel_loop3A_1324 : vector<16xf32>
      %parallel_loop3A_1331 = arith.addf %parallel_loop3A_1285, %parallel_loop3A_1330 : vector<16xf32>
      %parallel_loop3A_1332 = arith.mulf %parallel_loop3A_1329, %parallel_loop3A_1329 : vector<16xf32>
      %parallel_loop3A_1333 = arith.addf %parallel_loop3A_1287, %parallel_loop3A_1332 : vector<16xf32>
      %parallel_loop3A_1334 = arith.constant 50 : i32
      %parallel_loop3A_1335 = vector.broadcast %parallel_loop3A_1334 : i32 to vector<16xi32>
      %parallel_loop3A_1336 = arith.addi %parallel_loop3A_169, %parallel_loop3A_1335 : vector<16xi32>
      %parallel_loop3A_1337 = tpu.vector_load_idx %arg13[%parallel_loop3A_1336] : memref<66560xf32, #tpu.memory_space<vmem>>[vector<16xi32>], vector<16xf32>,
      %parallel_loop3A_1338 = arith.constant 50 : i32
      %parallel_loop3A_1339 = vector.broadcast %parallel_loop3A_1338 : i32 to vector<16xi32>
      %parallel_loop3A_1340 = arith.addi %parallel_loop3A_166, %parallel_loop3A_1339 : vector<16xi32>
      %parallel_loop3A_1341 = tpu.vector_load_idx %arg14[%parallel_loop3A_1340] : memref<6760xf32, #tpu.memory_space<vmem>>[vector<16xi32>], vector<16xf32>,
      %parallel_loop3A_1342 = arith.addf %parallel_loop3A_1337, %parallel_loop3A_1341 : vector<16xf32>
      %parallel_loop3A_1343 = arith.constant 50 : i32
      %parallel_loop3A_1344 = vector.broadcast %parallel_loop3A_1343 : i32 to vector<16xi32>
      %parallel_loop3A_1345 = arith.addi %parallel_loop3A_172, %parallel_loop3A_1344 : vector<16xi32>
      %parallel_loop3A_1346 = tpu.vector_load_idx %arg13[%parallel_loop3A_1345] : memref<66560xf32, #tpu.memory_space<vmem>>[vector<16xi32>], vector<16xf32>,
      %parallel_loop3A_1347 = arith.subf %parallel_loop3A_1342, %parallel_loop3A_1346 : vector<16xf32>
      %parallel_loop3A_1348 = arith.constant 50 : i32
      %parallel_loop3A_1349 = vector.broadcast %parallel_loop3A_1348 : i32 to vector<16xi32>
      %parallel_loop3A_1350 = arith.addi %parallel_loop3A_175, %parallel_loop3A_1349 : vector<16xi32>
      %parallel_loop3A_1351 = tpu.vector_load_idx %arg13[%parallel_loop3A_1350] : memref<66560xf32, #tpu.memory_space<vmem>>[vector<16xi32>], vector<16xf32>,
      %parallel_loop3A_1352 = arith.subf %parallel_loop3A_1342, %parallel_loop3A_1351 : vector<16xf32>
      %parallel_loop3A_1353 = arith.mulf %parallel_loop3A_1347, %parallel_loop3A_1347 : vector<16xf32>
      %parallel_loop3A_1354 = arith.addf %parallel_loop3A_1308, %parallel_loop3A_1353 : vector<16xf32>
      %parallel_loop3A_1355 = arith.mulf %parallel_loop3A_1352, %parallel_loop3A_1352 : vector<16xf32>
      %parallel_loop3A_1356 = arith.addf %parallel_loop3A_1310, %parallel_loop3A_1355 : vector<16xf32>
      %parallel_loop3A_1357 = arith.constant 51 : i32
      %parallel_loop3A_1358 = vector.broadcast %parallel_loop3A_1357 : i32 to vector<16xi32>
      %parallel_loop3A_1359 = arith.addi %parallel_loop3A_169, %parallel_loop3A_1358 : vector<16xi32>
      %parallel_loop3A_1360 = tpu.vector_load_idx %arg13[%parallel_loop3A_1359] : memref<66560xf32, #tpu.memory_space<vmem>>[vector<16xi32>], vector<16xf32>,
      %parallel_loop3A_1361 = arith.constant 51 : i32
      %parallel_loop3A_1362 = vector.broadcast %parallel_loop3A_1361 : i32 to vector<16xi32>
      %parallel_loop3A_1363 = arith.addi %parallel_loop3A_166, %parallel_loop3A_1362 : vector<16xi32>
      %parallel_loop3A_1364 = tpu.vector_load_idx %arg14[%parallel_loop3A_1363] : memref<6760xf32, #tpu.memory_space<vmem>>[vector<16xi32>], vector<16xf32>,
      %parallel_loop3A_1365 = arith.addf %parallel_loop3A_1360, %parallel_loop3A_1364 : vector<16xf32>
      %parallel_loop3A_1366 = arith.constant 51 : i32
      %parallel_loop3A_1367 = vector.broadcast %parallel_loop3A_1366 : i32 to vector<16xi32>
      %parallel_loop3A_1368 = arith.addi %parallel_loop3A_172, %parallel_loop3A_1367 : vector<16xi32>
      %parallel_loop3A_1369 = tpu.vector_load_idx %arg13[%parallel_loop3A_1368] : memref<66560xf32, #tpu.memory_space<vmem>>[vector<16xi32>], vector<16xf32>,
      %parallel_loop3A_1370 = arith.subf %parallel_loop3A_1365, %parallel_loop3A_1369 : vector<16xf32>
      %parallel_loop3A_1371 = arith.constant 51 : i32
      %parallel_loop3A_1372 = vector.broadcast %parallel_loop3A_1371 : i32 to vector<16xi32>
      %parallel_loop3A_1373 = arith.addi %parallel_loop3A_175, %parallel_loop3A_1372 : vector<16xi32>
      %parallel_loop3A_1374 = tpu.vector_load_idx %arg13[%parallel_loop3A_1373] : memref<66560xf32, #tpu.memory_space<vmem>>[vector<16xi32>], vector<16xf32>,
      %parallel_loop3A_1375 = arith.subf %parallel_loop3A_1365, %parallel_loop3A_1374 : vector<16xf32>
      %parallel_loop3A_1376 = arith.mulf %parallel_loop3A_1370, %parallel_loop3A_1370 : vector<16xf32>
      %parallel_loop3A_1377 = arith.addf %parallel_loop3A_1331, %parallel_loop3A_1376 : vector<16xf32>
      %parallel_loop3A_1378 = arith.mulf %parallel_loop3A_1375, %parallel_loop3A_1375 : vector<16xf32>
      %parallel_loop3A_1379 = arith.addf %parallel_loop3A_1333, %parallel_loop3A_1378 : vector<16xf32>
      %parallel_loop3A_1380 = arith.constant 52 : i32
      %parallel_loop3A_1381 = vector.broadcast %parallel_loop3A_1380 : i32 to vector<16xi32>
      %parallel_loop3A_1382 = arith.addi %parallel_loop3A_169, %parallel_loop3A_1381 : vector<16xi32>
      %parallel_loop3A_1383 = tpu.vector_load_idx %arg13[%parallel_loop3A_1382] : memref<66560xf32, #tpu.memory_space<vmem>>[vector<16xi32>], vector<16xf32>,
      %parallel_loop3A_1384 = arith.constant 52 : i32
      %parallel_loop3A_1385 = vector.broadcast %parallel_loop3A_1384 : i32 to vector<16xi32>
      %parallel_loop3A_1386 = arith.addi %parallel_loop3A_166, %parallel_loop3A_1385 : vector<16xi32>
      %parallel_loop3A_1387 = tpu.vector_load_idx %arg14[%parallel_loop3A_1386] : memref<6760xf32, #tpu.memory_space<vmem>>[vector<16xi32>], vector<16xf32>,
      %parallel_loop3A_1388 = arith.addf %parallel_loop3A_1383, %parallel_loop3A_1387 : vector<16xf32>
      %parallel_loop3A_1389 = arith.constant 52 : i32
      %parallel_loop3A_1390 = vector.broadcast %parallel_loop3A_1389 : i32 to vector<16xi32>
      %parallel_loop3A_1391 = arith.addi %parallel_loop3A_172, %parallel_loop3A_1390 : vector<16xi32>
      %parallel_loop3A_1392 = tpu.vector_load_idx %arg13[%parallel_loop3A_1391] : memref<66560xf32, #tpu.memory_space<vmem>>[vector<16xi32>], vector<16xf32>,
      %parallel_loop3A_1393 = arith.subf %parallel_loop3A_1388, %parallel_loop3A_1392 : vector<16xf32>
      %parallel_loop3A_1394 = arith.constant 52 : i32
      %parallel_loop3A_1395 = vector.broadcast %parallel_loop3A_1394 : i32 to vector<16xi32>
      %parallel_loop3A_1396 = arith.addi %parallel_loop3A_175, %parallel_loop3A_1395 : vector<16xi32>
      %parallel_loop3A_1397 = tpu.vector_load_idx %arg13[%parallel_loop3A_1396] : memref<66560xf32, #tpu.memory_space<vmem>>[vector<16xi32>], vector<16xf32>,
      %parallel_loop3A_1398 = arith.subf %parallel_loop3A_1388, %parallel_loop3A_1397 : vector<16xf32>
      %parallel_loop3A_1399 = arith.mulf %parallel_loop3A_1393, %parallel_loop3A_1393 : vector<16xf32>
      %parallel_loop3A_1400 = arith.addf %parallel_loop3A_1354, %parallel_loop3A_1399 : vector<16xf32>
      %parallel_loop3A_1401 = arith.mulf %parallel_loop3A_1398, %parallel_loop3A_1398 : vector<16xf32>
      %parallel_loop3A_1402 = arith.addf %parallel_loop3A_1356, %parallel_loop3A_1401 : vector<16xf32>
      %parallel_loop3A_1403 = arith.constant 53 : i32
      %parallel_loop3A_1404 = vector.broadcast %parallel_loop3A_1403 : i32 to vector<16xi32>
      %parallel_loop3A_1405 = arith.addi %parallel_loop3A_169, %parallel_loop3A_1404 : vector<16xi32>
      %parallel_loop3A_1406 = tpu.vector_load_idx %arg13[%parallel_loop3A_1405] : memref<66560xf32, #tpu.memory_space<vmem>>[vector<16xi32>], vector<16xf32>,
      %parallel_loop3A_1407 = arith.constant 53 : i32
      %parallel_loop3A_1408 = vector.broadcast %parallel_loop3A_1407 : i32 to vector<16xi32>
      %parallel_loop3A_1409 = arith.addi %parallel_loop3A_166, %parallel_loop3A_1408 : vector<16xi32>
      %parallel_loop3A_1410 = tpu.vector_load_idx %arg14[%parallel_loop3A_1409] : memref<6760xf32, #tpu.memory_space<vmem>>[vector<16xi32>], vector<16xf32>,
      %parallel_loop3A_1411 = arith.addf %parallel_loop3A_1406, %parallel_loop3A_1410 : vector<16xf32>
      %parallel_loop3A_1412 = arith.constant 53 : i32
      %parallel_loop3A_1413 = vector.broadcast %parallel_loop3A_1412 : i32 to vector<16xi32>
      %parallel_loop3A_1414 = arith.addi %parallel_loop3A_172, %parallel_loop3A_1413 : vector<16xi32>
      %parallel_loop3A_1415 = tpu.vector_load_idx %arg13[%parallel_loop3A_1414] : memref<66560xf32, #tpu.memory_space<vmem>>[vector<16xi32>], vector<16xf32>,
      %parallel_loop3A_1416 = arith.subf %parallel_loop3A_1411, %parallel_loop3A_1415 : vector<16xf32>
      %parallel_loop3A_1417 = arith.constant 53 : i32
      %parallel_loop3A_1418 = vector.broadcast %parallel_loop3A_1417 : i32 to vector<16xi32>
      %parallel_loop3A_1419 = arith.addi %parallel_loop3A_175, %parallel_loop3A_1418 : vector<16xi32>
      %parallel_loop3A_1420 = tpu.vector_load_idx %arg13[%parallel_loop3A_1419] : memref<66560xf32, #tpu.memory_space<vmem>>[vector<16xi32>], vector<16xf32>,
      %parallel_loop3A_1421 = arith.subf %parallel_loop3A_1411, %parallel_loop3A_1420 : vector<16xf32>
      %parallel_loop3A_1422 = arith.mulf %parallel_loop3A_1416, %parallel_loop3A_1416 : vector<16xf32>
      %parallel_loop3A_1423 = arith.addf %parallel_loop3A_1377, %parallel_loop3A_1422 : vector<16xf32>
      %parallel_loop3A_1424 = arith.mulf %parallel_loop3A_1421, %parallel_loop3A_1421 : vector<16xf32>
      %parallel_loop3A_1425 = arith.addf %parallel_loop3A_1379, %parallel_loop3A_1424 : vector<16xf32>
      %parallel_loop3A_1426 = arith.constant 54 : i32
      %parallel_loop3A_1427 = vector.broadcast %parallel_loop3A_1426 : i32 to vector<16xi32>
      %parallel_loop3A_1428 = arith.addi %parallel_loop3A_169, %parallel_loop3A_1427 : vector<16xi32>
      %parallel_loop3A_1429 = tpu.vector_load_idx %arg13[%parallel_loop3A_1428] : memref<66560xf32, #tpu.memory_space<vmem>>[vector<16xi32>], vector<16xf32>,
      %parallel_loop3A_1430 = arith.constant 54 : i32
      %parallel_loop3A_1431 = vector.broadcast %parallel_loop3A_1430 : i32 to vector<16xi32>
      %parallel_loop3A_1432 = arith.addi %parallel_loop3A_166, %parallel_loop3A_1431 : vector<16xi32>
      %parallel_loop3A_1433 = tpu.vector_load_idx %arg14[%parallel_loop3A_1432] : memref<6760xf32, #tpu.memory_space<vmem>>[vector<16xi32>], vector<16xf32>,
      %parallel_loop3A_1434 = arith.addf %parallel_loop3A_1429, %parallel_loop3A_1433 : vector<16xf32>
      %parallel_loop3A_1435 = arith.constant 54 : i32
      %parallel_loop3A_1436 = vector.broadcast %parallel_loop3A_1435 : i32 to vector<16xi32>
      %parallel_loop3A_1437 = arith.addi %parallel_loop3A_172, %parallel_loop3A_1436 : vector<16xi32>
      %parallel_loop3A_1438 = tpu.vector_load_idx %arg13[%parallel_loop3A_1437] : memref<66560xf32, #tpu.memory_space<vmem>>[vector<16xi32>], vector<16xf32>,
      %parallel_loop3A_1439 = arith.subf %parallel_loop3A_1434, %parallel_loop3A_1438 : vector<16xf32>
      %parallel_loop3A_1440 = arith.constant 54 : i32
      %parallel_loop3A_1441 = vector.broadcast %parallel_loop3A_1440 : i32 to vector<16xi32>
      %parallel_loop3A_1442 = arith.addi %parallel_loop3A_175, %parallel_loop3A_1441 : vector<16xi32>
      %parallel_loop3A_1443 = tpu.vector_load_idx %arg13[%parallel_loop3A_1442] : memref<66560xf32, #tpu.memory_space<vmem>>[vector<16xi32>], vector<16xf32>,
      %parallel_loop3A_1444 = arith.subf %parallel_loop3A_1434, %parallel_loop3A_1443 : vector<16xf32>
      %parallel_loop3A_1445 = arith.mulf %parallel_loop3A_1439, %parallel_loop3A_1439 : vector<16xf32>
      %parallel_loop3A_1446 = arith.addf %parallel_loop3A_1400, %parallel_loop3A_1445 : vector<16xf32>
      %parallel_loop3A_1447 = arith.mulf %parallel_loop3A_1444, %parallel_loop3A_1444 : vector<16xf32>
      %parallel_loop3A_1448 = arith.addf %parallel_loop3A_1402, %parallel_loop3A_1447 : vector<16xf32>
      %parallel_loop3A_1449 = arith.constant 55 : i32
      %parallel_loop3A_1450 = vector.broadcast %parallel_loop3A_1449 : i32 to vector<16xi32>
      %parallel_loop3A_1451 = arith.addi %parallel_loop3A_169, %parallel_loop3A_1450 : vector<16xi32>
      %parallel_loop3A_1452 = tpu.vector_load_idx %arg13[%parallel_loop3A_1451] : memref<66560xf32, #tpu.memory_space<vmem>>[vector<16xi32>], vector<16xf32>,
      %parallel_loop3A_1453 = arith.constant 55 : i32
      %parallel_loop3A_1454 = vector.broadcast %parallel_loop3A_1453 : i32 to vector<16xi32>
      %parallel_loop3A_1455 = arith.addi %parallel_loop3A_166, %parallel_loop3A_1454 : vector<16xi32>
      %parallel_loop3A_1456 = tpu.vector_load_idx %arg14[%parallel_loop3A_1455] : memref<6760xf32, #tpu.memory_space<vmem>>[vector<16xi32>], vector<16xf32>,
      %parallel_loop3A_1457 = arith.addf %parallel_loop3A_1452, %parallel_loop3A_1456 : vector<16xf32>
      %parallel_loop3A_1458 = arith.constant 55 : i32
      %parallel_loop3A_1459 = vector.broadcast %parallel_loop3A_1458 : i32 to vector<16xi32>
      %parallel_loop3A_1460 = arith.addi %parallel_loop3A_172, %parallel_loop3A_1459 : vector<16xi32>
      %parallel_loop3A_1461 = tpu.vector_load_idx %arg13[%parallel_loop3A_1460] : memref<66560xf32, #tpu.memory_space<vmem>>[vector<16xi32>], vector<16xf32>,
      %parallel_loop3A_1462 = arith.subf %parallel_loop3A_1457, %parallel_loop3A_1461 : vector<16xf32>
      %parallel_loop3A_1463 = arith.constant 55 : i32
      %parallel_loop3A_1464 = vector.broadcast %parallel_loop3A_1463 : i32 to vector<16xi32>
      %parallel_loop3A_1465 = arith.addi %parallel_loop3A_175, %parallel_loop3A_1464 : vector<16xi32>
      %parallel_loop3A_1466 = tpu.vector_load_idx %arg13[%parallel_loop3A_1465] : memref<66560xf32, #tpu.memory_space<vmem>>[vector<16xi32>], vector<16xf32>,
      %parallel_loop3A_1467 = arith.subf %parallel_loop3A_1457, %parallel_loop3A_1466 : vector<16xf32>
      %parallel_loop3A_1468 = arith.mulf %parallel_loop3A_1462, %parallel_loop3A_1462 : vector<16xf32>
      %parallel_loop3A_1469 = arith.addf %parallel_loop3A_1423, %parallel_loop3A_1468 : vector<16xf32>
      %parallel_loop3A_1470 = arith.mulf %parallel_loop3A_1467, %parallel_loop3A_1467 : vector<16xf32>
      %parallel_loop3A_1471 = arith.addf %parallel_loop3A_1425, %parallel_loop3A_1470 : vector<16xf32>
      %parallel_loop3A_1472 = arith.constant 56 : i32
      %parallel_loop3A_1473 = vector.broadcast %parallel_loop3A_1472 : i32 to vector<16xi32>
      %parallel_loop3A_1474 = arith.addi %parallel_loop3A_169, %parallel_loop3A_1473 : vector<16xi32>
      %parallel_loop3A_1475 = tpu.vector_load_idx %arg13[%parallel_loop3A_1474] : memref<66560xf32, #tpu.memory_space<vmem>>[vector<16xi32>], vector<16xf32>,
      %parallel_loop3A_1476 = arith.constant 56 : i32
      %parallel_loop3A_1477 = vector.broadcast %parallel_loop3A_1476 : i32 to vector<16xi32>
      %parallel_loop3A_1478 = arith.addi %parallel_loop3A_166, %parallel_loop3A_1477 : vector<16xi32>
      %parallel_loop3A_1479 = tpu.vector_load_idx %arg14[%parallel_loop3A_1478] : memref<6760xf32, #tpu.memory_space<vmem>>[vector<16xi32>], vector<16xf32>,
      %parallel_loop3A_1480 = arith.addf %parallel_loop3A_1475, %parallel_loop3A_1479 : vector<16xf32>
      %parallel_loop3A_1481 = arith.constant 56 : i32
      %parallel_loop3A_1482 = vector.broadcast %parallel_loop3A_1481 : i32 to vector<16xi32>
      %parallel_loop3A_1483 = arith.addi %parallel_loop3A_172, %parallel_loop3A_1482 : vector<16xi32>
      %parallel_loop3A_1484 = tpu.vector_load_idx %arg13[%parallel_loop3A_1483] : memref<66560xf32, #tpu.memory_space<vmem>>[vector<16xi32>], vector<16xf32>,
      %parallel_loop3A_1485 = arith.subf %parallel_loop3A_1480, %parallel_loop3A_1484 : vector<16xf32>
      %parallel_loop3A_1486 = arith.constant 56 : i32
      %parallel_loop3A_1487 = vector.broadcast %parallel_loop3A_1486 : i32 to vector<16xi32>
      %parallel_loop3A_1488 = arith.addi %parallel_loop3A_175, %parallel_loop3A_1487 : vector<16xi32>
      %parallel_loop3A_1489 = tpu.vector_load_idx %arg13[%parallel_loop3A_1488] : memref<66560xf32, #tpu.memory_space<vmem>>[vector<16xi32>], vector<16xf32>,
      %parallel_loop3A_1490 = arith.subf %parallel_loop3A_1480, %parallel_loop3A_1489 : vector<16xf32>
      %parallel_loop3A_1491 = arith.mulf %parallel_loop3A_1485, %parallel_loop3A_1485 : vector<16xf32>
      %parallel_loop3A_1492 = arith.addf %parallel_loop3A_1446, %parallel_loop3A_1491 : vector<16xf32>
      %parallel_loop3A_1493 = arith.mulf %parallel_loop3A_1490, %parallel_loop3A_1490 : vector<16xf32>
      %parallel_loop3A_1494 = arith.addf %parallel_loop3A_1448, %parallel_loop3A_1493 : vector<16xf32>
      %parallel_loop3A_1495 = arith.constant 57 : i32
      %parallel_loop3A_1496 = vector.broadcast %parallel_loop3A_1495 : i32 to vector<16xi32>
      %parallel_loop3A_1497 = arith.addi %parallel_loop3A_169, %parallel_loop3A_1496 : vector<16xi32>
      %parallel_loop3A_1498 = tpu.vector_load_idx %arg13[%parallel_loop3A_1497] : memref<66560xf32, #tpu.memory_space<vmem>>[vector<16xi32>], vector<16xf32>,
      %parallel_loop3A_1499 = arith.constant 57 : i32
      %parallel_loop3A_1500 = vector.broadcast %parallel_loop3A_1499 : i32 to vector<16xi32>
      %parallel_loop3A_1501 = arith.addi %parallel_loop3A_166, %parallel_loop3A_1500 : vector<16xi32>
      %parallel_loop3A_1502 = tpu.vector_load_idx %arg14[%parallel_loop3A_1501] : memref<6760xf32, #tpu.memory_space<vmem>>[vector<16xi32>], vector<16xf32>,
      %parallel_loop3A_1503 = arith.addf %parallel_loop3A_1498, %parallel_loop3A_1502 : vector<16xf32>
      %parallel_loop3A_1504 = arith.constant 57 : i32
      %parallel_loop3A_1505 = vector.broadcast %parallel_loop3A_1504 : i32 to vector<16xi32>
      %parallel_loop3A_1506 = arith.addi %parallel_loop3A_172, %parallel_loop3A_1505 : vector<16xi32>
      %parallel_loop3A_1507 = tpu.vector_load_idx %arg13[%parallel_loop3A_1506] : memref<66560xf32, #tpu.memory_space<vmem>>[vector<16xi32>], vector<16xf32>,
      %parallel_loop3A_1508 = arith.subf %parallel_loop3A_1503, %parallel_loop3A_1507 : vector<16xf32>
      %parallel_loop3A_1509 = arith.constant 57 : i32
      %parallel_loop3A_1510 = vector.broadcast %parallel_loop3A_1509 : i32 to vector<16xi32>
      %parallel_loop3A_1511 = arith.addi %parallel_loop3A_175, %parallel_loop3A_1510 : vector<16xi32>
      %parallel_loop3A_1512 = tpu.vector_load_idx %arg13[%parallel_loop3A_1511] : memref<66560xf32, #tpu.memory_space<vmem>>[vector<16xi32>], vector<16xf32>,
      %parallel_loop3A_1513 = arith.subf %parallel_loop3A_1503, %parallel_loop3A_1512 : vector<16xf32>
      %parallel_loop3A_1514 = arith.mulf %parallel_loop3A_1508, %parallel_loop3A_1508 : vector<16xf32>
      %parallel_loop3A_1515 = arith.addf %parallel_loop3A_1469, %parallel_loop3A_1514 : vector<16xf32>
      %parallel_loop3A_1516 = arith.mulf %parallel_loop3A_1513, %parallel_loop3A_1513 : vector<16xf32>
      %parallel_loop3A_1517 = arith.addf %parallel_loop3A_1471, %parallel_loop3A_1516 : vector<16xf32>
      %parallel_loop3A_1518 = arith.constant 58 : i32
      %parallel_loop3A_1519 = vector.broadcast %parallel_loop3A_1518 : i32 to vector<16xi32>
      %parallel_loop3A_1520 = arith.addi %parallel_loop3A_169, %parallel_loop3A_1519 : vector<16xi32>
      %parallel_loop3A_1521 = tpu.vector_load_idx %arg13[%parallel_loop3A_1520] : memref<66560xf32, #tpu.memory_space<vmem>>[vector<16xi32>], vector<16xf32>,
      %parallel_loop3A_1522 = arith.constant 58 : i32
      %parallel_loop3A_1523 = vector.broadcast %parallel_loop3A_1522 : i32 to vector<16xi32>
      %parallel_loop3A_1524 = arith.addi %parallel_loop3A_166, %parallel_loop3A_1523 : vector<16xi32>
      %parallel_loop3A_1525 = tpu.vector_load_idx %arg14[%parallel_loop3A_1524] : memref<6760xf32, #tpu.memory_space<vmem>>[vector<16xi32>], vector<16xf32>,
      %parallel_loop3A_1526 = arith.addf %parallel_loop3A_1521, %parallel_loop3A_1525 : vector<16xf32>
      %parallel_loop3A_1527 = arith.constant 58 : i32
      %parallel_loop3A_1528 = vector.broadcast %parallel_loop3A_1527 : i32 to vector<16xi32>
      %parallel_loop3A_1529 = arith.addi %parallel_loop3A_172, %parallel_loop3A_1528 : vector<16xi32>
      %parallel_loop3A_1530 = tpu.vector_load_idx %arg13[%parallel_loop3A_1529] : memref<66560xf32, #tpu.memory_space<vmem>>[vector<16xi32>], vector<16xf32>,
      %parallel_loop3A_1531 = arith.subf %parallel_loop3A_1526, %parallel_loop3A_1530 : vector<16xf32>
      %parallel_loop3A_1532 = arith.constant 58 : i32
      %parallel_loop3A_1533 = vector.broadcast %parallel_loop3A_1532 : i32 to vector<16xi32>
      %parallel_loop3A_1534 = arith.addi %parallel_loop3A_175, %parallel_loop3A_1533 : vector<16xi32>
      %parallel_loop3A_1535 = tpu.vector_load_idx %arg13[%parallel_loop3A_1534] : memref<66560xf32, #tpu.memory_space<vmem>>[vector<16xi32>], vector<16xf32>,
      %parallel_loop3A_1536 = arith.subf %parallel_loop3A_1526, %parallel_loop3A_1535 : vector<16xf32>
      %parallel_loop3A_1537 = arith.mulf %parallel_loop3A_1531, %parallel_loop3A_1531 : vector<16xf32>
      %parallel_loop3A_1538 = arith.addf %parallel_loop3A_1492, %parallel_loop3A_1537 : vector<16xf32>
      %parallel_loop3A_1539 = arith.mulf %parallel_loop3A_1536, %parallel_loop3A_1536 : vector<16xf32>
      %parallel_loop3A_1540 = arith.addf %parallel_loop3A_1494, %parallel_loop3A_1539 : vector<16xf32>
      %parallel_loop3A_1541 = arith.constant 59 : i32
      %parallel_loop3A_1542 = vector.broadcast %parallel_loop3A_1541 : i32 to vector<16xi32>
      %parallel_loop3A_1543 = arith.addi %parallel_loop3A_169, %parallel_loop3A_1542 : vector<16xi32>
      %parallel_loop3A_1544 = tpu.vector_load_idx %arg13[%parallel_loop3A_1543] : memref<66560xf32, #tpu.memory_space<vmem>>[vector<16xi32>], vector<16xf32>,
      %parallel_loop3A_1545 = arith.constant 59 : i32
      %parallel_loop3A_1546 = vector.broadcast %parallel_loop3A_1545 : i32 to vector<16xi32>
      %parallel_loop3A_1547 = arith.addi %parallel_loop3A_166, %parallel_loop3A_1546 : vector<16xi32>
      %parallel_loop3A_1548 = tpu.vector_load_idx %arg14[%parallel_loop3A_1547] : memref<6760xf32, #tpu.memory_space<vmem>>[vector<16xi32>], vector<16xf32>,
      %parallel_loop3A_1549 = arith.addf %parallel_loop3A_1544, %parallel_loop3A_1548 : vector<16xf32>
      %parallel_loop3A_1550 = arith.constant 59 : i32
      %parallel_loop3A_1551 = vector.broadcast %parallel_loop3A_1550 : i32 to vector<16xi32>
      %parallel_loop3A_1552 = arith.addi %parallel_loop3A_172, %parallel_loop3A_1551 : vector<16xi32>
      %parallel_loop3A_1553 = tpu.vector_load_idx %arg13[%parallel_loop3A_1552] : memref<66560xf32, #tpu.memory_space<vmem>>[vector<16xi32>], vector<16xf32>,
      %parallel_loop3A_1554 = arith.subf %parallel_loop3A_1549, %parallel_loop3A_1553 : vector<16xf32>
      %parallel_loop3A_1555 = arith.constant 59 : i32
      %parallel_loop3A_1556 = vector.broadcast %parallel_loop3A_1555 : i32 to vector<16xi32>
      %parallel_loop3A_1557 = arith.addi %parallel_loop3A_175, %parallel_loop3A_1556 : vector<16xi32>
      %parallel_loop3A_1558 = tpu.vector_load_idx %arg13[%parallel_loop3A_1557] : memref<66560xf32, #tpu.memory_space<vmem>>[vector<16xi32>], vector<16xf32>,
      %parallel_loop3A_1559 = arith.subf %parallel_loop3A_1549, %parallel_loop3A_1558 : vector<16xf32>
      %parallel_loop3A_1560 = arith.mulf %parallel_loop3A_1554, %parallel_loop3A_1554 : vector<16xf32>
      %parallel_loop3A_1561 = arith.addf %parallel_loop3A_1515, %parallel_loop3A_1560 : vector<16xf32>
      %parallel_loop3A_1562 = arith.mulf %parallel_loop3A_1559, %parallel_loop3A_1559 : vector<16xf32>
      %parallel_loop3A_1563 = arith.addf %parallel_loop3A_1517, %parallel_loop3A_1562 : vector<16xf32>
      %parallel_loop3A_1564 = arith.constant 60 : i32
      %parallel_loop3A_1565 = vector.broadcast %parallel_loop3A_1564 : i32 to vector<16xi32>
      %parallel_loop3A_1566 = arith.addi %parallel_loop3A_169, %parallel_loop3A_1565 : vector<16xi32>
      %parallel_loop3A_1567 = tpu.vector_load_idx %arg13[%parallel_loop3A_1566] : memref<66560xf32, #tpu.memory_space<vmem>>[vector<16xi32>], vector<16xf32>,
      %parallel_loop3A_1568 = arith.constant 60 : i32
      %parallel_loop3A_1569 = vector.broadcast %parallel_loop3A_1568 : i32 to vector<16xi32>
      %parallel_loop3A_1570 = arith.addi %parallel_loop3A_166, %parallel_loop3A_1569 : vector<16xi32>
      %parallel_loop3A_1571 = tpu.vector_load_idx %arg14[%parallel_loop3A_1570] : memref<6760xf32, #tpu.memory_space<vmem>>[vector<16xi32>], vector<16xf32>,
      %parallel_loop3A_1572 = arith.addf %parallel_loop3A_1567, %parallel_loop3A_1571 : vector<16xf32>
      %parallel_loop3A_1573 = arith.constant 60 : i32
      %parallel_loop3A_1574 = vector.broadcast %parallel_loop3A_1573 : i32 to vector<16xi32>
      %parallel_loop3A_1575 = arith.addi %parallel_loop3A_172, %parallel_loop3A_1574 : vector<16xi32>
      %parallel_loop3A_1576 = tpu.vector_load_idx %arg13[%parallel_loop3A_1575] : memref<66560xf32, #tpu.memory_space<vmem>>[vector<16xi32>], vector<16xf32>,
      %parallel_loop3A_1577 = arith.subf %parallel_loop3A_1572, %parallel_loop3A_1576 : vector<16xf32>
      %parallel_loop3A_1578 = arith.constant 60 : i32
      %parallel_loop3A_1579 = vector.broadcast %parallel_loop3A_1578 : i32 to vector<16xi32>
      %parallel_loop3A_1580 = arith.addi %parallel_loop3A_175, %parallel_loop3A_1579 : vector<16xi32>
      %parallel_loop3A_1581 = tpu.vector_load_idx %arg13[%parallel_loop3A_1580] : memref<66560xf32, #tpu.memory_space<vmem>>[vector<16xi32>], vector<16xf32>,
      %parallel_loop3A_1582 = arith.subf %parallel_loop3A_1572, %parallel_loop3A_1581 : vector<16xf32>
      %parallel_loop3A_1583 = arith.mulf %parallel_loop3A_1577, %parallel_loop3A_1577 : vector<16xf32>
      %parallel_loop3A_1584 = arith.addf %parallel_loop3A_1538, %parallel_loop3A_1583 : vector<16xf32>
      %parallel_loop3A_1585 = arith.mulf %parallel_loop3A_1582, %parallel_loop3A_1582 : vector<16xf32>
      %parallel_loop3A_1586 = arith.addf %parallel_loop3A_1540, %parallel_loop3A_1585 : vector<16xf32>
      %parallel_loop3A_1587 = arith.constant 61 : i32
      %parallel_loop3A_1588 = vector.broadcast %parallel_loop3A_1587 : i32 to vector<16xi32>
      %parallel_loop3A_1589 = arith.addi %parallel_loop3A_169, %parallel_loop3A_1588 : vector<16xi32>
      %parallel_loop3A_1590 = tpu.vector_load_idx %arg13[%parallel_loop3A_1589] : memref<66560xf32, #tpu.memory_space<vmem>>[vector<16xi32>], vector<16xf32>,
      %parallel_loop3A_1591 = arith.constant 61 : i32
      %parallel_loop3A_1592 = vector.broadcast %parallel_loop3A_1591 : i32 to vector<16xi32>
      %parallel_loop3A_1593 = arith.addi %parallel_loop3A_166, %parallel_loop3A_1592 : vector<16xi32>
      %parallel_loop3A_1594 = tpu.vector_load_idx %arg14[%parallel_loop3A_1593] : memref<6760xf32, #tpu.memory_space<vmem>>[vector<16xi32>], vector<16xf32>,
      %parallel_loop3A_1595 = arith.addf %parallel_loop3A_1590, %parallel_loop3A_1594 : vector<16xf32>
      %parallel_loop3A_1596 = arith.constant 61 : i32
      %parallel_loop3A_1597 = vector.broadcast %parallel_loop3A_1596 : i32 to vector<16xi32>
      %parallel_loop3A_1598 = arith.addi %parallel_loop3A_172, %parallel_loop3A_1597 : vector<16xi32>
      %parallel_loop3A_1599 = tpu.vector_load_idx %arg13[%parallel_loop3A_1598] : memref<66560xf32, #tpu.memory_space<vmem>>[vector<16xi32>], vector<16xf32>,
      %parallel_loop3A_1600 = arith.subf %parallel_loop3A_1595, %parallel_loop3A_1599 : vector<16xf32>
      %parallel_loop3A_1601 = arith.constant 61 : i32
      %parallel_loop3A_1602 = vector.broadcast %parallel_loop3A_1601 : i32 to vector<16xi32>
      %parallel_loop3A_1603 = arith.addi %parallel_loop3A_175, %parallel_loop3A_1602 : vector<16xi32>
      %parallel_loop3A_1604 = tpu.vector_load_idx %arg13[%parallel_loop3A_1603] : memref<66560xf32, #tpu.memory_space<vmem>>[vector<16xi32>], vector<16xf32>,
      %parallel_loop3A_1605 = arith.subf %parallel_loop3A_1595, %parallel_loop3A_1604 : vector<16xf32>
      %parallel_loop3A_1606 = arith.mulf %parallel_loop3A_1600, %parallel_loop3A_1600 : vector<16xf32>
      %parallel_loop3A_1607 = arith.addf %parallel_loop3A_1561, %parallel_loop3A_1606 : vector<16xf32>
      %parallel_loop3A_1608 = arith.mulf %parallel_loop3A_1605, %parallel_loop3A_1605 : vector<16xf32>
      %parallel_loop3A_1609 = arith.addf %parallel_loop3A_1563, %parallel_loop3A_1608 : vector<16xf32>
      %parallel_loop3A_1610 = arith.constant 62 : i32
      %parallel_loop3A_1611 = vector.broadcast %parallel_loop3A_1610 : i32 to vector<16xi32>
      %parallel_loop3A_1612 = arith.addi %parallel_loop3A_169, %parallel_loop3A_1611 : vector<16xi32>
      %parallel_loop3A_1613 = tpu.vector_load_idx %arg13[%parallel_loop3A_1612] : memref<66560xf32, #tpu.memory_space<vmem>>[vector<16xi32>], vector<16xf32>,
      %parallel_loop3A_1614 = arith.constant 62 : i32
      %parallel_loop3A_1615 = vector.broadcast %parallel_loop3A_1614 : i32 to vector<16xi32>
      %parallel_loop3A_1616 = arith.addi %parallel_loop3A_166, %parallel_loop3A_1615 : vector<16xi32>
      %parallel_loop3A_1617 = tpu.vector_load_idx %arg14[%parallel_loop3A_1616] : memref<6760xf32, #tpu.memory_space<vmem>>[vector<16xi32>], vector<16xf32>,
      %parallel_loop3A_1618 = arith.addf %parallel_loop3A_1613, %parallel_loop3A_1617 : vector<16xf32>
      %parallel_loop3A_1619 = arith.constant 62 : i32
      %parallel_loop3A_1620 = vector.broadcast %parallel_loop3A_1619 : i32 to vector<16xi32>
      %parallel_loop3A_1621 = arith.addi %parallel_loop3A_172, %parallel_loop3A_1620 : vector<16xi32>
      %parallel_loop3A_1622 = tpu.vector_load_idx %arg13[%parallel_loop3A_1621] : memref<66560xf32, #tpu.memory_space<vmem>>[vector<16xi32>], vector<16xf32>,
      %parallel_loop3A_1623 = arith.subf %parallel_loop3A_1618, %parallel_loop3A_1622 : vector<16xf32>
      %parallel_loop3A_1624 = arith.constant 62 : i32
      %parallel_loop3A_1625 = vector.broadcast %parallel_loop3A_1624 : i32 to vector<16xi32>
      %parallel_loop3A_1626 = arith.addi %parallel_loop3A_175, %parallel_loop3A_1625 : vector<16xi32>
      %parallel_loop3A_1627 = tpu.vector_load_idx %arg13[%parallel_loop3A_1626] : memref<66560xf32, #tpu.memory_space<vmem>>[vector<16xi32>], vector<16xf32>,
      %parallel_loop3A_1628 = arith.subf %parallel_loop3A_1618, %parallel_loop3A_1627 : vector<16xf32>
      %parallel_loop3A_1629 = arith.mulf %parallel_loop3A_1623, %parallel_loop3A_1623 : vector<16xf32>
      %parallel_loop3A_1630 = arith.addf %parallel_loop3A_1584, %parallel_loop3A_1629 : vector<16xf32>
      %parallel_loop3A_1631 = arith.mulf %parallel_loop3A_1628, %parallel_loop3A_1628 : vector<16xf32>
      %parallel_loop3A_1632 = arith.addf %parallel_loop3A_1586, %parallel_loop3A_1631 : vector<16xf32>
      %parallel_loop3A_1633 = arith.constant 63 : i32
      %parallel_loop3A_1634 = vector.broadcast %parallel_loop3A_1633 : i32 to vector<16xi32>
      %parallel_loop3A_1635 = arith.addi %parallel_loop3A_169, %parallel_loop3A_1634 : vector<16xi32>
      %parallel_loop3A_1636 = tpu.vector_load_idx %arg13[%parallel_loop3A_1635] : memref<66560xf32, #tpu.memory_space<vmem>>[vector<16xi32>], vector<16xf32>,
      %parallel_loop3A_1637 = arith.constant 63 : i32
      %parallel_loop3A_1638 = vector.broadcast %parallel_loop3A_1637 : i32 to vector<16xi32>
      %parallel_loop3A_1639 = arith.addi %parallel_loop3A_166, %parallel_loop3A_1638 : vector<16xi32>
      %parallel_loop3A_1640 = tpu.vector_load_idx %arg14[%parallel_loop3A_1639] : memref<6760xf32, #tpu.memory_space<vmem>>[vector<16xi32>], vector<16xf32>,
      %parallel_loop3A_1641 = arith.addf %parallel_loop3A_1636, %parallel_loop3A_1640 : vector<16xf32>
      %parallel_loop3A_1642 = arith.constant 63 : i32
      %parallel_loop3A_1643 = vector.broadcast %parallel_loop3A_1642 : i32 to vector<16xi32>
      %parallel_loop3A_1644 = arith.addi %parallel_loop3A_172, %parallel_loop3A_1643 : vector<16xi32>
      %parallel_loop3A_1645 = tpu.vector_load_idx %arg13[%parallel_loop3A_1644] : memref<66560xf32, #tpu.memory_space<vmem>>[vector<16xi32>], vector<16xf32>,
      %parallel_loop3A_1646 = arith.subf %parallel_loop3A_1641, %parallel_loop3A_1645 : vector<16xf32>
      %parallel_loop3A_1647 = arith.constant 63 : i32
      %parallel_loop3A_1648 = vector.broadcast %parallel_loop3A_1647 : i32 to vector<16xi32>
      %parallel_loop3A_1649 = arith.addi %parallel_loop3A_175, %parallel_loop3A_1648 : vector<16xi32>
      %parallel_loop3A_1650 = tpu.vector_load_idx %arg13[%parallel_loop3A_1649] : memref<66560xf32, #tpu.memory_space<vmem>>[vector<16xi32>], vector<16xf32>,
      %parallel_loop3A_1651 = arith.subf %parallel_loop3A_1641, %parallel_loop3A_1650 : vector<16xf32>
      %parallel_loop3A_1652 = arith.mulf %parallel_loop3A_1646, %parallel_loop3A_1646 : vector<16xf32>
      %parallel_loop3A_1653 = arith.addf %parallel_loop3A_1607, %parallel_loop3A_1652 : vector<16xf32>
      %parallel_loop3A_1654 = arith.mulf %parallel_loop3A_1651, %parallel_loop3A_1651 : vector<16xf32>
      %parallel_loop3A_1655 = arith.addf %parallel_loop3A_1609, %parallel_loop3A_1654 : vector<16xf32>
      %parallel_loop3A_1656 = arith.addf %parallel_loop3A_1630, %parallel_loop3A_1653 : vector<16xf32>
      %parallel_loop3A_1657 = arith.index_cast %parallel_loop3A_153 : i32 to index
      %parallel_loop3A_1658 = tpu.vector_load %arg20[%parallel_loop3A_1657] {strides = array<i32>} : memref<512xf32, #tpu.memory_space<vmem>>, vector<16xf32>,
      tpu.vector_store %arg20[%parallel_loop3A_1657], %parallel_loop3A_1656 {strides = array<i32>} : memref<512xf32, #tpu.memory_space<vmem>>, vector<16xf32>,
      %parallel_loop3A_1659 = arith.addf %parallel_loop3A_1632, %parallel_loop3A_1655 : vector<16xf32>
      %parallel_loop3A_1660 = arith.index_cast %parallel_loop3A_153 : i32 to index
      %parallel_loop3A_1661 = tpu.vector_load %arg21[%parallel_loop3A_1660] {strides = array<i32>} : memref<512xf32, #tpu.memory_space<vmem>>, vector<16xf32>,
      tpu.vector_store %arg21[%parallel_loop3A_1660], %parallel_loop3A_1659 {strides = array<i32>} : memref<512xf32, #tpu.memory_space<vmem>>, vector<16xf32>,
      %parallel_loop3A_1662 = arith.subf %parallel_loop3A_162, %parallel_loop3A_163 : vector<16xf32>
      %parallel_loop3A_1663 = arith.index_cast %parallel_loop3A_153 : i32 to index
      %parallel_loop3A_1664 = tpu.vector_load %arg22[%parallel_loop3A_1663] {strides = array<i32>} : memref<512xf32, #tpu.memory_space<vmem>>, vector<16xf32>,
      tpu.vector_store %arg22[%parallel_loop3A_1663], %parallel_loop3A_1662 {strides = array<i32>} : memref<512xf32, #tpu.memory_space<vmem>>, vector<16xf32>,
      tpu.vector_store_idx %arg23[%parallel_loop3A_157], %broadcast_in_dim3A_148 : memref<1024xf32, #tpu.memory_space<vmem>>[vector<16xi32>], vector<16xf32>,
      tpu.vector_store_idx %arg23[%parallel_loop3A_159], %broadcast_in_dim3A_148 : memref<1024xf32, #tpu.memory_space<vmem>>[vector<16xi32>], vector<16xf32>,
      tpu.vector_store_idx %arg23[%parallel_loop3A_161], %broadcast_in_dim3A_148 : memref<1024xf32, #tpu.memory_space<vmem>>[vector<16xi32>], vector<16xf32>,
    } {sc.loop_unroll_factor = 2 : i64, sc.parallel_access}
    "tpu.trace_stop"() : () -> ()
    "tpu.region"() ({
      %run_scoped3A = tpu.sem_alloc : memref<!tpu.dma_semaphore, #tpu.memory_space<semaphore_mem>>
      %dma_start3A_151 = tpu.memref_slice %arg9[%mul3A_2] : memref<16384xf32, #tpu.memory_space<hbm>> -> memref<512xf32, #tpu.memory_space<hbm>>
      %dma_start3A_152 = tpu.memref_slice %arg9[%mul3A_2] : memref<16384xf32, #tpu.memory_space<hbm>> -> memref<512xf32, #tpu.memory_space<hbm>>
      tpu.enqueue_dma source(%arg20 : memref<512xf32, #tpu.memory_space<vmem>>) target(%dma_start3A_152 : memref<512xf32, #tpu.memory_space<hbm>>) target_semaphore(%run_scoped3A : memref<!tpu.dma_semaphore, #tpu.memory_space<semaphore_mem>>)
      %dma_wait3A_153 = tpu.memref_slice %arg9[%mul3A_2] : memref<16384xf32, #tpu.memory_space<hbm>> -> memref<512xf32, #tpu.memory_space<hbm>>
      %dma_wait3A_154 = tpu.memref_slice %arg9[%mul3A_2] : memref<16384xf32, #tpu.memory_space<hbm>> -> memref<512xf32, #tpu.memory_space<hbm>>
      tpu.wait_dma2 semaphore(%run_scoped3A : memref<!tpu.dma_semaphore, #tpu.memory_space<semaphore_mem>>) src(%arg20 : memref<512xf32, #tpu.memory_space<vmem>>) dst(%dma_wait3A_154 : memref<512xf32, #tpu.memory_space<hbm>>)
      tpu.yield
    }) : () -> ()
    "tpu.region"() ({
      %run_scoped3A = tpu.sem_alloc : memref<!tpu.dma_semaphore, #tpu.memory_space<semaphore_mem>>
      %dma_start3A_151 = tpu.memref_slice %arg10[%mul3A_2] : memref<16384xf32, #tpu.memory_space<hbm>> -> memref<512xf32, #tpu.memory_space<hbm>>
      %dma_start3A_152 = tpu.memref_slice %arg10[%mul3A_2] : memref<16384xf32, #tpu.memory_space<hbm>> -> memref<512xf32, #tpu.memory_space<hbm>>
      tpu.enqueue_dma source(%arg21 : memref<512xf32, #tpu.memory_space<vmem>>) target(%dma_start3A_152 : memref<512xf32, #tpu.memory_space<hbm>>) target_semaphore(%run_scoped3A : memref<!tpu.dma_semaphore, #tpu.memory_space<semaphore_mem>>)
      %dma_wait3A_153 = tpu.memref_slice %arg10[%mul3A_2] : memref<16384xf32, #tpu.memory_space<hbm>> -> memref<512xf32, #tpu.memory_space<hbm>>
      %dma_wait3A_154 = tpu.memref_slice %arg10[%mul3A_2] : memref<16384xf32, #tpu.memory_space<hbm>> -> memref<512xf32, #tpu.memory_space<hbm>>
      tpu.wait_dma2 semaphore(%run_scoped3A : memref<!tpu.dma_semaphore, #tpu.memory_space<semaphore_mem>>) src(%arg21 : memref<512xf32, #tpu.memory_space<vmem>>) dst(%dma_wait3A_154 : memref<512xf32, #tpu.memory_space<hbm>>)
      tpu.yield
    }) : () -> ()
    "tpu.region"() ({
      %run_scoped3A = tpu.sem_alloc : memref<!tpu.dma_semaphore, #tpu.memory_space<semaphore_mem>>
      %dma_start3A_151 = tpu.memref_slice %arg11[%mul3A_2] : memref<16384xf32, #tpu.memory_space<hbm>> -> memref<512xf32, #tpu.memory_space<hbm>>
      %dma_start3A_152 = tpu.memref_slice %arg11[%mul3A_2] : memref<16384xf32, #tpu.memory_space<hbm>> -> memref<512xf32, #tpu.memory_space<hbm>>
      tpu.enqueue_dma source(%arg22 : memref<512xf32, #tpu.memory_space<vmem>>) target(%dma_start3A_152 : memref<512xf32, #tpu.memory_space<hbm>>) target_semaphore(%run_scoped3A : memref<!tpu.dma_semaphore, #tpu.memory_space<semaphore_mem>>)
      %dma_wait3A_153 = tpu.memref_slice %arg11[%mul3A_2] : memref<16384xf32, #tpu.memory_space<hbm>> -> memref<512xf32, #tpu.memory_space<hbm>>
      %dma_wait3A_154 = tpu.memref_slice %arg11[%mul3A_2] : memref<16384xf32, #tpu.memory_space<hbm>> -> memref<512xf32, #tpu.memory_space<hbm>>
      tpu.wait_dma2 semaphore(%run_scoped3A : memref<!tpu.dma_semaphore, #tpu.memory_space<semaphore_mem>>) src(%arg22 : memref<512xf32, #tpu.memory_space<vmem>>) dst(%dma_wait3A_154 : memref<512xf32, #tpu.memory_space<hbm>>)
      tpu.yield
    }) : () -> ()
    "tpu.region"() ({
      %run_scoped3A = tpu.sem_alloc : memref<!tpu.dma_semaphore, #tpu.memory_space<semaphore_mem>>
      %dma_start3A_151 = arith.constant 0 : i32
      %dma_start3A_152 = tpu.memref_slice %arg12[%add3A, %dma_start3A_151] : memref<32x1024xf32, #tpu.memory_space<hbm>> -> memref<1x1024xf32, #tpu.memory_space<hbm>>
      %dma_start3A_153 = tpu.memref_squeeze %dma_start3A_152 : memref<1x1024xf32, #tpu.memory_space<hbm>> -> memref<1024xf32, #tpu.memory_space<hbm>>
      %dma_start3A_154 = arith.constant 0 : i32
      %dma_start3A_155 = tpu.memref_slice %arg12[%add3A, %dma_start3A_154] : memref<32x1024xf32, #tpu.memory_space<hbm>> -> memref<1x1024xf32, #tpu.memory_space<hbm>>
      %dma_start3A_156 = tpu.memref_squeeze %dma_start3A_155 : memref<1x1024xf32, #tpu.memory_space<hbm>> -> memref<1024xf32, #tpu.memory_space<hbm>>
      tpu.enqueue_dma source(%arg23 : memref<1024xf32, #tpu.memory_space<vmem>>) target(%dma_start3A_156 : memref<1024xf32, #tpu.memory_space<hbm>>) target_semaphore(%run_scoped3A : memref<!tpu.dma_semaphore, #tpu.memory_space<semaphore_mem>>)
      %dma_wait3A_157 = arith.constant 0 : i32
      %dma_wait3A_158 = tpu.memref_slice %arg12[%add3A, %dma_wait3A_157] : memref<32x1024xf32, #tpu.memory_space<hbm>> -> memref<1x1024xf32, #tpu.memory_space<hbm>>
      %dma_wait3A_159 = tpu.memref_squeeze %dma_wait3A_158 : memref<1x1024xf32, #tpu.memory_space<hbm>> -> memref<1024xf32, #tpu.memory_space<hbm>>
      %dma_wait3A_160 = arith.constant 0 : i32
      %dma_wait3A_161 = tpu.memref_slice %arg12[%add3A, %dma_wait3A_160] : memref<32x1024xf32, #tpu.memory_space<hbm>> -> memref<1x1024xf32, #tpu.memory_space<hbm>>
      %dma_wait3A_162 = tpu.memref_squeeze %dma_wait3A_161 : memref<1x1024xf32, #tpu.memory_space<hbm>> -> memref<1024xf32, #tpu.memory_space<hbm>>
      tpu.wait_dma2 semaphore(%run_scoped3A : memref<!tpu.dma_semaphore, #tpu.memory_space<semaphore_mem>>) src(%arg23 : memref<1024xf32, #tpu.memory_space<vmem>>) dst(%dma_wait3A_162 : memref<1024xf32, #tpu.memory_space<hbm>>)
      tpu.yield
    }) : () -> ()
    return
  }
}

module attributes {stable_mosaic.version = 14 : i64} {
  func.func @_tc_body(%arg0: memref<1000x64xf32, #tpu.memory_space<vmem>>, %arg1: memref<32x1024xf32, #tpu.memory_space<vmem>>, %arg2: memref<16384xf32, #tpu.memory_space<vmem>>, %arg3: memref<16384xf32, #tpu.memory_space<vmem>>, %arg4: memref<16384xf32, #tpu.memory_space<vmem>>, %arg5: memref<1000x64xf32, #tpu.memory_space<vmem>>, %arg6: memref<16384xf32, #tpu.memory_space<vmem>>) attributes {dimension_semantics = [], scalar_prefetch = 0 : i64, scratch_operands = 0 : i64, tpu.core_type = #tpu.core_type<tc>} {
    %get3A = arith.constant 0 : index
    %get3A_0 = arith.constant 0 : index
    %get3A_1 = vector.load %arg1[%get3A, %get3A_0] : memref<32x1024xf32, #tpu.memory_space<vmem>>, vector<32x1024xf32>
    %reduce_max3A = arith.constant dense<0xFF800000> : vector<1024xf32>
    %reduce_max3A_2 = vector.multi_reduction <maximumf>, %get3A_1, %reduce_max3A [0] : vector<32x1024xf32> to vector<1024xf32>
    %slice3A = vector.extract_strided_slice %reduce_max3A_2 {offsets = [0], sizes = [1000], strides = [1]} : vector<1024xf32> to vector<1000xf32>
    %get3A_3 = arith.constant 0 : index
    %get3A_4 = arith.constant 0 : index
    %get3A_5 = vector.load %arg0[%get3A_3, %get3A_4] : memref<1000x64xf32, #tpu.memory_space<vmem>>, vector<1000x64xf32>
    %mul3A = arith.mulf %get3A_5, %get3A_5 : vector<1000x64xf32>
    %reduce_sum3A = arith.constant dense<0.000000e+00> : vector<1000xf32>
    %reduce_sum3A_6 = vector.multi_reduction <add>, %mul3A, %reduce_sum3A [1] : vector<1000x64xf32> to vector<1000xf32>
    %sqrt3A = math.sqrt %reduce_sum3A_6 : vector<1000xf32>
    %max3A = arith.constant 1.000000e+00 : f32
    %max3A_7 = vector.broadcast %max3A : f32 to vector<1000xf32>
    %max3A_8 = arith.maximumf %max3A_7, %sqrt3A : vector<1000xf32>
    %gt3A = arith.constant 0.000000e+00 : f32
    %gt3A_9 = vector.broadcast %gt3A : f32 to vector<1000xf32>
    %gt3A_10 = arith.cmpf ogt, %slice3A, %gt3A_9 : vector<1000xf32>
    %div3A = arith.constant 1.000000e+00 : f32
    %div3A_11 = vector.broadcast %div3A : f32 to vector<1000xf32>
    %div3A_12 = arith.divf %div3A_11, %max3A_8 : vector<1000xf32>
    %jit3A = arith.constant 1.000000e+00 : f32
    %broadcast_in_dim3A = vector.broadcast %jit3A : f32 to vector<1000xf32>
    %select_n3A = arith.select %gt3A_10, %div3A_12, %broadcast_in_dim3A : vector<1000xi1>, vector<1000xf32>
    %broadcast_in_dim3A_13 = vector.shape_cast %select_n3A : vector<1000xf32> to vector<1000x1xf32>
    %mul3A_14 = vector.broadcast %broadcast_in_dim3A_13 : vector<1000x1xf32> to vector<1000x64xf32>
    %mul3A_15 = arith.mulf %get3A_5, %mul3A_14 : vector<1000x64xf32>
    %swap3A = arith.constant 0 : index
    %swap3A_16 = arith.constant 0 : index
    %swap3A_17 = vector.load %arg5[%swap3A, %swap3A_16] : memref<1000x64xf32, #tpu.memory_space<vmem>>, vector<1000x64xf32>
    tpu.vector_store %arg5[%swap3A, %swap3A_16], %mul3A_15 {strides = array<i32>} : memref<1000x64xf32, #tpu.memory_space<vmem>>, vector<1000x64xf32>,
    %get3A_18 = arith.constant 0 : index
    %get3A_19 = vector.load %arg4[%get3A_18] : memref<16384xf32, #tpu.memory_space<vmem>>, vector<16384xf32>
    %get3A_20 = arith.constant 0 : index
    %get3A_21 = vector.load %arg2[%get3A_20] : memref<16384xf32, #tpu.memory_space<vmem>>, vector<16384xf32>
    %sqrt3A_22 = math.sqrt %get3A_21 : vector<16384xf32>
    %sub3A = arith.subf %get3A_19, %sqrt3A_22 : vector<16384xf32>
    %get3A_23 = arith.constant 0 : index
    %get3A_24 = vector.load %arg3[%get3A_23] : memref<16384xf32, #tpu.memory_space<vmem>>, vector<16384xf32>
    %sqrt3A_25 = math.sqrt %get3A_24 : vector<16384xf32>
    %add3A = arith.addf %sub3A, %sqrt3A_25 : vector<16384xf32>
    %swap3A_26 = arith.constant 0 : index
    %swap3A_27 = vector.load %arg6[%swap3A_26] : memref<16384xf32, #tpu.memory_space<vmem>>, vector<16384xf32>
    tpu.vector_store %arg6[%swap3A_26], %add3A {strides = array<i32>} : memref<16384xf32, #tpu.memory_space<vmem>>, vector<16384xf32>,
    return
  }
}

</mosaic_0001>

<sc_bundles>
// kernel: kernel.4.cloned.1.call-start
scs
__scs_entry_jumppad:
0x0: {  	(pc) =	sbr.rel $0x88, $3  }
0x1: {  	(tag) =	ssettag $0x0;
	lr =	simm.s32 $0x1  }
0x2: {  	[smem:$0x3F99] =	sst lr;
	_ =	strace $0xD0000000  }
0x3: {  	_ = 	snop  }
0x4: {  	_ = 	snop  }
0x5: {  	_ = 	snop  }
0x6: {  	_ = 	snop  }
0x7: {  	_ = 	snop  }
__scs_overlays_trampoline_lowered:
0x8: {  	[smem:$0x3FA8] =	sst s0  }
0x9: {  	[smem:$0x3FA9] =	sst s1  }
0xa: {  	[smem:$0x3FAA] =	sst s2  }
0xb: {  	[smem:$0x3FAB] =	sst s3  }
0xc: {  	[smem:$0x3FAC] =	sst s4  }
0xd: {  	[smem:$0x3FAD] =	sst s5  }
0xe: {  	[smem:$0x3FAE] =	sst s6  }
0xf: {  	[smem:$0x3FAF] =	sst s7  }
0x10: {  	[smem:$0x3FB0] =	sst s8  }
0x11: {  	[smem:$0x3FB1] =	sst s9;
	s0 =	simm.s32 @!p0 $0x0  }
0x12: {  	s1 =	sld [smem:$0x3F97];
	s0 =	simm.s32 @p0 $0x1  }
0x13: {  	[smem:$0x3FB2] =	sst s0;
	s0 =	simm.s32 @!p1 $0x0  }
0x14: {  	s2 =	sld [smem:$0x3F96];
	s0 =	simm.s32 @p1 $0x1  }
0x15: {  	[smem:$0x3FB3] =	sst s0;
	s0 =	simm.s32 @!p2 $0x0  }
0x16: {  	s3 =	sld [smem:$0x3FDB];
	s0 =	simm.s32 @p2 $0x1  }
0x17: {  	s4 =	simm.s32 $0x1BF5;
	[smem:$0x3FB5] =	sst s0  }
0x18: {  	s0 =	sld [smem:$0x3F98];
	_ =	swait.ge [sflag:s4], $0x0  }
0x19: {  	s7 =	sld [smem:$0x3F99]  }
0x1a: {  	s8 =	sadd.s32 $0xFFFFE003, lr  }
0x1b: {  	s9 =	sadd.s32 $0xFFFFFEF7, lr;
	s5 =	simm.s32 $0xFFFFFFFF;
	p2 =	slt.u32 s8, $0xFFFFF086  }
0x1c: {  	p1 =	slt.u32 s9, $0xF7A;
	s5 =	simm.s32 @!p2 $0x0  }
0x1d: {  	s5 =	simm.s32 @p1 $0x1;
	p0 =	seq.s32 s7, s2  }
0x1e: {  	s7 =	smul.u32 @!p0 $0xF7A, s2;
	p2 =	seq.s32 @!p0 s5, $0x0  }
0x1f: {  	s9 =	smul.u32 $0xF7A, s1;
	s8 =	simm.s32 @!p0 $0x1BF5;
	p2 =	por !p2, p0  }
0x20: {  	[sflag:s8] =	ssyncset.s32 @!p0 $0xFFFFF086;
	s6 =	sadd.s32 @!p0 s3, s7;
	s7 =	simm.s32 @!p0 $0x108  }
0x21: {  	s3 =	sadd.s32 s3, s9;
	s6 =	sadd.s32 @!p0 $0x88, s6;
	s7 =	simm.s32 @p2 $0x1082  }
0x22: {  	[simem:s7], [sflag:s8] =	dma.local @!p0 [hbm:s6], $0xF7A  }
0x23: {  	s9 =	sor.u32 $0xD0000000, s2;
	s6 =	simm.s32 $0x108;
	_ =	swait.ge @!p0 [sflag:s8], $0x0  }
0x24: {  	s3 =	sadd.s32 $0x88, s3;
	s6 =	simm.s32 @!p1 $0x1082;
	[sflag:s4] =	ssyncset.s32 $0xFFFFF086  }
0x25: {  	[simem:s6], [sflag:s4] =	dma.local [hbm:s3], $0xF7A  }
0x26: {  	[smem:$0x3F99] =	sst s1;
	(tag) =	ssettag s2;
	_ =	strace s9  }
0x27: {  	s1 =	sld [smem:$0x3FA9]  }
0x28: {  	s2 =	sld [smem:$0x3FAA]  }
0x29: {  	s4 =	sld [smem:$0x3FAC]  }
0x2a: {  	p0 =	seq.s32 s5, $0x0;
	s5 =	sld [smem:$0x3FAD]  }
0x2b: {  	s6 =	sld [smem:$0x3FAE]  }
0x2c: {  	s7 =	sld [smem:$0x3FAF]  }
0x2d: {  	s3 =	simm.s32 $0x108;
	s8 =	sld [smem:$0x3FB0]  }
0x2e: {  	s3 =	simm.s32 @!p0 $0x1082;
	s9 =	sld [smem:$0x3FB1]  }
0x2f: {  	lr =	sadd.s32 s0, s3;
	s0 =	sld [smem:$0x3FA8]  }
0x30: {  	s3 =	sld [smem:$0x3FAB]  }
0x31: {  	[smem:$0x3FB4] =	sst s10  }
0x32: {  	s10 =	sld [smem:$0x3FB2];
	_ =	sdelay $0x3  }
0x33: {  	p0 =	seq.s32 s10, $0x1;
	s10 =	sld [smem:$0x3FB4];
	_ =	sdelay $0x3  }
0x34: {  	[smem:$0x3FB4] =	sst s10  }
0x35: {  	s10 =	sld [smem:$0x3FB3];
	_ =	sdelay $0x3  }
0x36: {  	p1 =	seq.s32 s10, $0x1;
	s10 =	sld [smem:$0x3FB4];
	_ =	sdelay $0x3  }
0x37: {  	[smem:$0x3FB4] =	sst s10  }
0x38: {  	s10 =	sld [smem:$0x3FB5]  }
0x39: {  	_ = 	snop;
	(pc) =	sbr.ind lr, $3  }
0x3a: {  	_ = 	snop  }
0x3b: {  	_ = 	snop  }
0x3c: {  	p2 =	seq.s32 s10, $0x1;
	s10 =	sld [smem:$0x3FB4]  }
0x3d: {  	_ =	shalt  }
0x3e: {  	_ =	shalt  }
0x3f: {  	_ =	shalt  }
0x40: {  	_ =	shalt  }
0x41: {  	_ =	shalt  }
0x42: {  	_ =	shalt  }
0x43: {  	_ =	shalt  }
0x44: {  	_ =	shalt  }
0x45: {  	_ =	shalt  }
0x46: {  	_ =	shalt  }
0x47: {  	_ =	shalt  }
0x48: {  	_ =	shalt  }
0x49: {  	_ =	shalt  }
0x4a: {  	_ =	shalt  }
0x4b: {  	_ =	shalt  }
0x4c: {  	_ =	shalt  }
0x4d: {  	_ =	shalt  }
0x4e: {  	_ =	shalt  }
0x4f: {  	_ =	shalt  }
0x50: {  	_ =	shalt  }
0x51: {  	_ =	shalt  }
0x52: {  	_ =	shalt  }
0x53: {  	_ =	shalt  }
0x54: {  	_ =	shalt  }
0x55: {  	_ =	shalt  }
0x56: {  	_ =	shalt  }
0x57: {  	_ =	shalt  }
0x58: {  	_ =	shalt  }
0x59: {  	_ =	shalt  }
0x5a: {  	_ =	shalt  }
0x5b: {  	_ =	shalt  }
0x5c: {  	_ =	shalt  }
0x5d: {  	_ =	shalt  }
0x5e: {  	_ =	shalt  }
0x5f: {  	_ =	shalt  }
0x60: {  	_ =	shalt  }
0x61: {  	_ =	shalt  }
0x62: {  	_ =	shalt  }
0x63: {  	_ =	shalt  }
0x64: {  	_ =	shalt  }
0x65: {  	_ =	shalt  }
0x66: {  	_ =	shalt  }
0x67: {  	_ =	shalt  }
0x68: {  	_ =	shalt  }
0x69: {  	_ =	shalt  }
0x6a: {  	_ =	shalt  }
0x6b: {  	_ =	shalt  }
0x6c: {  	_ =	shalt  }
0x6d: {  	_ =	shalt  }
0x6e: {  	_ =	shalt  }
0x6f: {  	_ =	shalt  }
0x70: {  	_ =	shalt  }
0x71: {  	_ =	shalt  }
0x72: {  	_ =	shalt  }
0x73: {  	_ =	shalt  }
0x74: {  	_ =	shalt  }
0x75: {  	_ =	shalt  }
0x76: {  	_ =	shalt  }
0x77: {  	_ =	shalt  }
0x78: {  	_ =	shalt  }
0x79: {  	_ =	shalt  }
0x7a: {  	_ =	shalt  }
0x7b: {  	_ =	shalt  }
0x7c: {  	_ =	shalt  }
0x7d: {  	_ =	shalt  }
0x7e: {  	_ =	shalt  }
0x7f: {  	_ =	shalt  }
0x80: {  	_ =	shalt  }
0x81: {  	_ =	shalt  }
0x82: {  	_ =	shalt  }
0x83: {  	_ =	shalt  }
0x84: {  	_ =	shalt  }
0x85: {  	_ =	shalt  }
0x86: {  	_ =	shalt  }
0x87: {  	_ =	shalt  }
.Lfunc_end0:
.L_simem_size_0:
called_computation_lowered:
.L_overlay_start_0:
0x88: {  	s2 =	sld [smem:$0x3FD9]  }
0x89: {  	s3 =	sld [smem:$0x3FFE];
	_ =	sdelay $0x1  }
0x8a: {  	s1 =	srdreg.scid  }
0x8b: {  	s0 =	sand.u32 $0x1, s1  }
0x8c: {  	s14 =	sshll.u32 s0, $0xA;
	s2 =	sadd.s32 s3, s2  }
0x8d: {  	s2 =	sadd.s32 s2, s14  }
0x8e: {  	[smem:$0x3FC0] =	sst s2  }
0x8f: {  	_ = 	snop  }
0x90: {  	s2 =	sld [smem:$0x3FC9]  }
0x91: {  	s15 =	sld [smem:$0x3FD0]  }
0x92: {  	s4 =	sld [smem:$0x3FC8]  }
0x93: {  	s5 =	sld [smem:$0x3FC7]  }
0x94: {  	s7 =	simm.s32 $0xA;
	s8 =	simm.s32 $0x10;
	s6 =	sld [smem:$0x3FC6]  }
0x95: {  	[smem:s8], [sflag:s7] =	dma.local [hbm:s15], $0x1  }
0x96: {  	_ =	swait.eq [sflag:s7], $0x1  }
0x97: {  	[sflag:s7] =	ssyncset.done $0x0  }
0x98: {  	s16 =	sld [smem:$0x10];
	[sflag:s7] =	ssyncadd.s32 $0xFFFFFFFF  }
0x99: {  	s17 =	sld [smem:$0x11];
	(tm) =	ssettm $0x1  }
0x9a: {  	s18 =	sld [smem:$0x3FFB];
	_ =	sdelay $0x3  }
0x9b: {  	_ =	strace s18  }
0x9c: {  	s8 =	sld [smem:$0x3FFC];
	_ =	sdelay $0x3  }
0x9d: {  	_ =	strace s8  }
0x9e: {  	s8 =	sld [smem:$0x3FFD];
	_ =	sdelay $0x3  }
0x9f: {  	_ =	strace s8  }
0xa0: {  	_ =	strace $0x8FFFFFFF  }
0xa1: {  	s19 =	sld [smem:$0x3FDB];
	_ =	sdelay $0x1  }
0xa2: {  	s9 =	simm.s32 $_scs_section_size  }
0xa3: {  	s10 =	simm.s32 $_size__tile_overlayer_lowered;
	s11 =	simm.s32 $_tile_overlayer_lowered  }
0xa4: {  	s22 =	simm.s32 $0x1BFF;
	s21 =	sshll.u32 s11, $0x1;
	s8 =	sadd.s32 s9, s19  }
0xa5: {  	s12 =	simm.s32 $0x0;
	s20 =	sshll.u32 s10, $0x1;
	s10 =	sadd.s32 s21, s8  }
0xa6: {  	[timem:s12], [sflag:s22] =	dma.local [hbm:s10], s20  }
0xa7: {  	_ =	swait.ge [sflag:s22], s20  }
0xa8: {  	s9 =	ssub.s32 $0x0, s20;
	[sflag:s22] =	ssyncset.done $0x0  }
0xa9: {  	[sflag:s22] =	ssyncadd.s32 s9;
	_ =	sdelay $0x1  }
0xaa: {  	s23 =	simm.s32 $0x1B8B  }
0xab: {  	_ =	swait.ge [sflag:s23], $0x1  }
0xac: {  	[sflag:s23] =	ssyncset.done $0x0  }
0xad: {  	s25 =	simm.s32 $0x1B8E;
	s24 =	sld [smem:$0x3FFE];
	[sflag:s23] =	ssyncadd.s32 $0xFFFFFFFF  }
0xae: {  	s26 =	simm.s32 $execute0_lowered;
	[smem:$0x3FD2] =	sst s25  }
0xaf: {  	s10 =	sshll.u32 s26, $0x1;
	_ =	strace $0x80000046;
	[dreg:$0x1] =	wrdreg $0xFFFFFFFF  }
0xb0: {  	s28 =	simm.s32 $_size_execute0_lowered;
	s8 =	sadd.s32 s8, s10;
	[dreg:$0x0] =	wrdreg $0x0  }
0xb1: {  	s10 =	sshll.u32 s28, $0x1;
	[dreg:$0x2] =	wrdreg s8  }
0xb2: {  	[dreg:$0x3] =	wrdreg s10  }
0xb3: {  	[dreg:$0x4] =	wrdreg $0xC0  }
0xb4: {  	_ =	task [dreg:s12], $0x5FFFF  }
0xb5: {  	[dreg:$0x1] =	wrdreg $0xFFFFFFFF  }
0xb6: {  	[dreg:$0x0] =	wrdreg $0x60  }
0xb7: {  	[dreg:$0x2] =	wrdreg s24  }
0xb8: {  	[dreg:$0x3] =	wrdreg s2  }
0xb9: {  	[dreg:$0x4] =	wrdreg s4  }
0xba: {  	[dreg:$0x5] =	wrdreg s5  }
0xbb: {  	[dreg:$0x6] =	wrdreg s6  }
0xbc: {  	[dreg:$0x7] =	wrdreg s16  }
0xbd: {  	[dreg:$0x8] =	wrdreg s17  }
0xbe: {  	[dreg:$0x9] =	wrdreg $0x134800  }
0xbf: {  	[dreg:$0xa] =	wrdreg $0x144C00  }
0xc0: {  	[dreg:$0xb] =	wrdreg $0x146680  }
0xc1: {  	[dreg:$0xc] =	wrdreg $0x9  }
0xc2: {  	_ =	task.clear_ibuf [dreg:s12], $0xDFFFF;
	_ =	strace $0x90000046  }
0xc3: {  	s29 =	simm.s32 $0x9;
	_ =	strace $0x8000004A  }
0xc4: {  	_ =	swait.ge [sflag:s29], $0x1  }
0xc5: {  	[sflag:s29] =	ssyncadd.s32 $0xFFFFFFFF  }
0xc6: {  	_ =	strace $0x9000004A  }
0xc7: {  	_ =	sfence  }
0xc8: {  	s30 =	sld [smem:$0x0];
	_ =	sdelay $0x2  }
0xc9: {  	s31 =	sshll.u32 s1, $0xD;
	s1 =	sshrl.u32 s1, $0x2  }
0xca: {  	s3 =	sand.u32 $0x4000, s31;
	s1 =	sadd.s32 s1, s30  }
0xcb: {  	s0 =	sor.u32 s3, s0;
	s1 =	sshll.u32 s1, $0x11  }
0xcc: {  	s0 =	sor.u32 s1, s0  }
0xcd: {  	s0 =	sadd.s32 $0x8F2B, s0  }
0xce: {  	[sflag:s0] =	ssyncadd.remote.s32 $0x1  }
0xcf: {  	_ =	sfence.sel $0xFFFF  }
0xd0: {  	[dreg:$0x0] =	wrdreg $0xFFFFFFFF;
	(pc) =	sbr.abs _section_cstart, $3  }
0xd1: {  	[dreg:$0x1] =	wrdreg $0xFFFFFFFF  }
0xd2: {  	_ =	task.clear_ibuf [dreg:s12], $0x2FFFF;
	_ =	strace $0x9FFFFFFF  }
0xd3: {  	(tm) =	ssettm $0x7FFFFFFF  }
tec
execute0_lowered:
.L_overlay_start_1:
0x0: {  	(tag) =	ssettag $0x1  }
0x1: {  	s0 =	rddreg [dreg:$0x0]  }
0x2: {  	s1 =	rddreg [dreg:$0x1]  }
0x3: {  	s2 =	rddreg [dreg:$0x2]  }
0x4: {  	s10 =	rddreg [dreg:$0x3]  }
0x5: {  	s11 =	rddreg [dreg:$0x4]  }
0x6: {  	s12 =	rddreg [dreg:$0x5]  }
0x7: {  	s15 =	rddreg [dreg:$0x6]  }
0x8: {  	s18 =	rddreg [dreg:$0x7]  }
0x9: {  	s19 =	rddreg [dreg:$0x8]  }
0xa: {  	s3 =	rddreg [dreg:$0x9];
	s4 =	simm.s32 $0x0  }
0xb: {  	s5 =	srdreg.scid;
	s17 =	stileid.u32;
	s24 =	simm.s32 $0x10400  }
0xc: {  	s25 =	simm.s32 $0x11E80;
	s28 =	simm.s32 $0x13080;
	s30 =	simm.s32 $0x2  }
0xd: {  	[smem:$0x7FF] =	sst s4;
	s6 =	sand.u32 $0x1, s5;
	s7 =	sshll.u32 s17, $0x1  }
0xe: {  	s5 =	sadd.s32 $0x1A00, s0;
	s26 =	sshll.u32 s17, $0x8;
	p0 =	sne.s32 s17, $0x0  }
0xf: {  	_ =	strace $0x80000047;
	s14 =	sor.u32 s6, s7;
	s8 =	ssub.s32 $0x2, s6  }
0x10: {  	s6 =	sadd.s32 $0x3C00, s0;
	s7 =	sadd.s32 $0x4000, s0;
	s21 =	sshrl.u32 @!p0 s18, $0x3  }
0x11: {  	s22 =	sshrl.u32 @!p0 s19, $0x3;
	s23 =	sshrl.u32 @!p0 s3, $0x3;
	s19 =	simm.s32 $0x0  }
0x12: {  	s13 =	sshll.u32 s14, $0x6;
	s9 =	sshrl.u32 s8, $0x1;
	s29 =	sshll.u32 s14, $0x4  }
0x13: {  	s0 =	sadd.s32 s13, s0;
	s16 =	ssub.s32 s8, s9;
	s8 =	sadd.s32 s1, s13  }
0x14: {  	s9 =	sadd.s32 s2, s13;
	s10 =	sadd.s32 s10, s13;
	s11 =	sadd.s32 s11, s13  }
0x15: {  	s12 =	sadd.s32 s12, s13;
	s1 =	sand.u32 $0xC00, s26;
	s31 =	sand.u32 $0x70, s29  }
0x16: {  	s26 =	simm.s32 $0x1;
	s13 =	sadd.s32 $0x4200, s0;
	s1 =	sadd.s32 s15, s1  }
0x17: {  	s14 =	sadd.s32 $0x4A00, s0;
	s16 =	smax.u32 s16, $0x1;
	s15 =	sadd.s32 s31, s1  }
.LBB2_1:
0x18: {  	_ =	strace $0x80000048;
	s0 =	simm.s32 $0x12280  }
0x19: {  	[tilespmem:s0], [sflag:$0x1] =	stream.linear.gather [hbm4b:s8+s4], $0x200, $0x200038;
	[tilespmem:$0x146A8] =	vst v63  }
0x1a: {  	s1 =	simm.s32 $0x12480  }
0x1b: {  	[tilespmem:s1], [sflag:$0x1] =	stream.linear.gather [hbm4b:s9+s4], $0x200, $0x200038;
	[tilespmem:$0x146A8] =	vst v63  }
0x1c: {  	s2 =	simm.s32 $0x12680  }
0x1d: {  	[tilespmem:s2], [sflag:$0x1] =	stream.linear.gather [hbm4b:s10+s4], $0x200, $0x200038;
	[tilespmem:$0x146A8] =	vst v63  }
0x1e: {  	s17 =	simm.s32 $0x12880;
	s0 =	simm.s32 @!p0 $0x1C02;
	s1 =	simm.s32 @!p0 $0x2  }
0x1f: {  	[tilespmem:s17], [sflag:$0x1] =	stream.linear.gather [hbm4b:s11+s4], $0x200, $0x200038;
	[tilespmem:$0x146A8] =	vst v63  }
0x20: {  	[spmem:s21], [sflag:s0] =	dma.local @!p0 [hbm:s5], $0x2080  }
0x21: {  	_ =	swait.ge @!p0 [sflag:s1], $0x2080  }
0x22: {  	[sflag:s1] =	ssyncset.done @!p0 $0x0  }
0x23: {  	[sflag:s1] =	ssyncadd.s32 @!p0 $0xFFFFDF80  }
0x24: {  	[spmem:s22], [sflag:s0] =	dma.local @!p0 [hbm:s6], $0x350  }
0x25: {  	_ =	swait.ge @!p0 [sflag:s1], $0x350  }
0x26: {  	[sflag:s1] =	ssyncset.done @!p0 $0x0  }
0x27: {  	[sflag:s1] =	ssyncadd.s32 @!p0 $0xFFFFFCB0  }
0x28: {  	[spmem:s23], [sflag:s0] =	dma.local @!p0 [hbm:s7], $0x80  }
0x29: {  	_ =	swait.ge @!p0 [sflag:s1], $0x80  }
0x2a: {  	[sflag:s1] =	ssyncset.done @!p0 $0x0  }
0x2b: {  	v0 =	vimm.f32 $0.0e+00;
	[sflag:s1] =	ssyncadd.s32 @!p0 $0xFFFFFF80  }
0x2c: {  	[tilespmem:$0x13080] =	vst v0  }
0x2d: {  	[tilespmem:$0x13090] =	vst v0  }
0x2e: {  	[tilespmem:$0x130A0] =	vst v0  }
0x2f: {  	[tilespmem:$0x130B0] =	vst v0  }
0x30: {  	[tilespmem:$0x130C0] =	vst v0  }
0x31: {  	[tilespmem:$0x130D0] =	vst v0  }
0x32: {  	[tilespmem:$0x130E0] =	vst v0  }
0x33: {  	[tilespmem:$0x130F0] =	vst v0  }
0x34: {  	[tilespmem:$0x13100] =	vst v0  }
0x35: {  	[tilespmem:$0x13110] =	vst v0  }
0x36: {  	[tilespmem:$0x13120] =	vst v0  }
0x37: {  	[tilespmem:$0x13130] =	vst v0  }
0x38: {  	[tilespmem:$0x13140] =	vst v0  }
0x39: {  	[tilespmem:$0x13150] =	vst v0  }
0x3a: {  	[tilespmem:$0x13160] =	vst v0  }
0x3b: {  	[tilespmem:$0x13170] =	vst v0  }
0x3c: {  	[tilespmem:$0x13180] =	vst v0  }
0x3d: {  	[tilespmem:$0x13190] =	vst v0  }
0x3e: {  	[tilespmem:$0x131A0] =	vst v0  }
0x3f: {  	[tilespmem:$0x131B0] =	vst v0  }
0x40: {  	[tilespmem:$0x131C0] =	vst v0  }
0x41: {  	[tilespmem:$0x131D0] =	vst v0  }
0x42: {  	[tilespmem:$0x131E0] =	vst v0  }
0x43: {  	[tilespmem:$0x131F0] =	vst v0  }
0x44: {  	[tilespmem:$0x13200] =	vst v0  }
0x45: {  	[tilespmem:$0x13210] =	vst v0  }
0x46: {  	[tilespmem:$0x13220] =	vst v0  }
0x47: {  	[tilespmem:$0x13230] =	vst v0  }
0x48: {  	[tilespmem:$0x13240] =	vst v0  }
0x49: {  	[tilespmem:$0x13250] =	vst v0  }
0x4a: {  	[tilespmem:$0x13260] =	vst v0  }
0x4b: {  	[tilespmem:$0x13270] =	vst v0  }
0x4c: {  	[tilespmem:$0x13280] =	vst v0  }
0x4d: {  	[tilespmem:$0x13290] =	vst v0  }
0x4e: {  	[tilespmem:$0x132A0] =	vst v0  }
0x4f: {  	[tilespmem:$0x132B0] =	vst v0  }
0x50: {  	[tilespmem:$0x132C0] =	vst v0  }
0x51: {  	[tilespmem:$0x132D0] =	vst v0  }
0x52: {  	[tilespmem:$0x132E0] =	vst v0  }
0x53: {  	[tilespmem:$0x132F0] =	vst v0  }
0x54: {  	[tilespmem:$0x13300] =	vst v0  }
0x55: {  	[tilespmem:$0x13310] =	vst v0  }
0x56: {  	[tilespmem:$0x13320] =	vst v0  }
0x57: {  	[tilespmem:$0x13330] =	vst v0  }
0x58: {  	[tilespmem:$0x13340] =	vst v0  }
0x59: {  	[tilespmem:$0x13350] =	vst v0  }
0x5a: {  	[tilespmem:$0x13360] =	vst v0  }
0x5b: {  	[tilespmem:$0x13370] =	vst v0  }
0x5c: {  	[tilespmem:$0x13380] =	vst v0  }
0x5d: {  	[tilespmem:$0x13390] =	vst v0  }
0x5e: {  	[tilespmem:$0x133A0] =	vst v0  }
0x5f: {  	[tilespmem:$0x133B0] =	vst v0  }
0x60: {  	[tilespmem:$0x133C0] =	vst v0  }
0x61: {  	[tilespmem:$0x133D0] =	vst v0  }
0x62: {  	[tilespmem:$0x133E0] =	vst v0  }
0x63: {  	[tilespmem:$0x133F0] =	vst v0  }
0x64: {  	[tilespmem:$0x13400] =	vst v0  }
0x65: {  	[tilespmem:$0x13410] =	vst v0  }
0x66: {  	[tilespmem:$0x13420] =	vst v0  }
0x67: {  	[tilespmem:$0x13430] =	vst v0  }
0x68: {  	[tilespmem:$0x13440] =	vst v0  }
0x69: {  	[tilespmem:$0x13450] =	vst v0  }
0x6a: {  	[tilespmem:$0x13460] =	vst v0  }
0x6b: {  	[tilespmem:$0x13470] =	vst v0  }
0x6c: {  	[bflag:$0x0] =	sbarrier.arrive $0xFFFF  }
0x6d: {  	s18 =	rddreg [dreg:$0x7]  }
0x6e: {  	[tilespmem:s4], [sflag:$0x1] =	stream.linear.gather [spmem:s18], $0x10400, $0x200038;
	[tilespmem:$0x146A8] =	vst v63  }
0x6f: {  	s20 =	rddreg [dreg:$0x8]  }
0x70: {  	[tilespmem:s24], [sflag:$0x1] =	stream.linear.gather [spmem:s20], $0x1A80, $0x200038;
	[tilespmem:$0x146A8] =	vst v63  }
0x71: {  	_ = 	snop  }
0x72: {  	[tilespmem:s25], [sflag:$0x1] =	stream.linear.gather [spmem:s3], $0x400, $0x200038;
	[tilespmem:$0x146A8] =	vst v63  }
0x73: {  	_ =	swait.ge [sflag:s26], $0x200  }
0x74: {  	[sflag:s26] =	ssyncset.done $0x0  }
0x75: {  	[sflag:s26] =	ssyncadd.s32 $0xFFFFFE00  }
0x76: {  	_ =	swait.ge [sflag:s26], $0x200  }
0x77: {  	[sflag:s26] =	ssyncset.done $0x0  }
0x78: {  	[sflag:s26] =	ssyncadd.s32 $0xFFFFFE00  }
0x79: {  	_ =	swait.ge [sflag:s26], $0x200  }
0x7a: {  	[sflag:s26] =	ssyncset.done $0x0  }
0x7b: {  	[sflag:s26] =	ssyncadd.s32 $0xFFFFFE00  }
0x7c: {  	_ =	swait.ge [sflag:s26], $0x200  }
0x7d: {  	[sflag:s26] =	ssyncset.done $0x0  }
0x7e: {  	[sflag:s26] =	ssyncadd.s32 $0xFFFFFE00  }
0x7f: {  	_ =	swait.ge [sflag:s26], $0x10400  }
0x80: {  	[sflag:s26] =	ssyncset.done $0x0  }
0x81: {  	[sflag:s26] =	ssyncadd.s32 $0xFFFEFC00  }
0x82: {  	_ =	swait.ge [sflag:s26], $0x1A80  }
0x83: {  	[sflag:s26] =	ssyncset.done $0x0  }
0x84: {  	[sflag:s26] =	ssyncadd.s32 $0xFFFFE580  }
0x85: {  	_ =	swait.ge [sflag:s26], $0x400  }
0x86: {  	s29 =	simm.s32 $0x12E90;
	s31 =	simm.s32 $0x12C90;
	[sflag:s26] =	ssyncset.done $0x0  }
0x87: {  	s2 =	simm.s32 $0x12290;
	s17 =	simm.s32 $0x12890;
	[sflag:s26] =	ssyncadd.s32 $0xFFFFFC00  }
0x88: {  	s0 =	simm.s32 $0x12A90;
	s1 =	simm.s32 $0x12490;
	_ =	strace $0x90000048  }
0x89: {  	s18 =	simm.s32 $0x12690;
	s20 =	simm.s32 $0xFFFFFFFE;
	_ =	strace $0x80000049  }
.LBB2_2:
0x8a: {  	v0 =	vld [tilespmem:s2+$0xFFFFFFF0]  }
0x8b: {  	v3 =	vld [tilespmem:s1+$0xFFFFFFF0]  }
0x8c: {  	v2 =	vld [tilespmem:s18+$0xFFFFFFF0]  }
0x8d: {  	v1 =	vld [tilespmem:s17+$0xFFFFFFF0];
	_ =	sdelay $0x2  }
0x8e: {  	v7 =	vmul.u32 $0x41, v3  }
0x8f: {  	v12 =	vmul.u32 $0x41, v0  }
0x90: {  	v10 =	vmul.u32 $0x41, v1;
	v50 =	vadd.s32 $0x1, v7  }
0x91: {  	v51 =	vadd.s32 $0x1, v12  }
0x92: {  	v53 =	vadd.s32 $0x1, v10  }
0x93: {  	v11 =	vmul.u32 $0x41, v2;
	v4 =	vadd.s32 $0x2, v7;
	v48 =	vld.idx.msk [tilespmem:v2+s25+$0x0], $0xffff  }
0x94: {  	v54 =	vadd.s32 $0x2, v12;
	v49 =	vld.idx.msk [tilespmem:v1+s25+$0x0], $0xffff  }
0x95: {  	v5 =	vadd.s32 $0x2, v11;
	v18 =	vld.idx.msk [tilespmem:v50+s4+$0x0], $0xffff  }
0x96: {  	v8 =	vadd.s32 $0x2, v10;
	v16 =	vld.idx.msk [tilespmem:v51+s24+$0x0], $0xffff  }
0x97: {  	v55 =	vadd.s32 $0x3, v7;
	v33 =	vld.idx.msk [tilespmem:v53+s4+$0x0], $0xffff  }
0x98: {  	v56 =	vadd.s32 $0x3, v12;
	v9 =	vld.idx.msk [tilespmem:v4+s4+$0x0], $0xffff  }
0x99: {  	v57 =	vadd.s32 $0x3, v10;
	v6 =	vld.idx.msk [tilespmem:v54+s24+$0x0], $0xffff  }
0x9a: {  	v21 =	vadd.s32 $0x4, v7;
	v13 =	vld.idx.msk [tilespmem:v5+s4+$0x0], $0xffff  }
0x9b: {  	v22 =	vadd.s32 $0x4, v11;
	v20 =	vld.idx.msk [tilespmem:v8+s4+$0x0], $0xffff  }
0x9c: {  	v23 =	vadd.s32 $0x4, v10;
	v8 =	vld.idx.msk [tilespmem:v55+s4+$0x0], $0xffff  }
0x9d: {  	v24 =	vadd.s32 $0x5, v7;
	v4 =	vld.idx.msk [tilespmem:v56+s24+$0x0], $0xffff  }
0x9e: {  	v25 =	vadd.s32 $0x5, v12;
	v35 =	vld.idx.msk [tilespmem:v57+s4+$0x0], $0xffff  }
0x9f: {  	v59 =	vadd.s32 $0x5, v10;
	v5 =	vld.idx.msk [tilespmem:v21+s4+$0x0], $0xffff  }
0xa0: {  	v0 =	vadd.s32 $0x6, v7;
	v21 =	vld.idx.msk [tilespmem:v22+s4+$0x0], $0xffff  }
0xa1: {  	v32 =	vadd.s32 $0x6, v10;
	v34 =	vld.idx.msk [tilespmem:v23+s4+$0x0], $0xffff  }
0xa2: {  	v29 =	vadd.s32 $0x7, v12;
	v36 =	vld.idx.msk [tilespmem:v24+s4+$0x0], $0xffff  }
0xa3: {  	v38 =	vadd.s32 $0x7, v11;
	v46 =	vld.idx.msk [tilespmem:v25+s24+$0x0], $0xffff  }
0xa4: {  	v40 =	vadd.s32 $0x9, v11;
	v37 =	vld.idx.msk [tilespmem:v59+s4+$0x0], $0xffff  }
0xa5: {  	[tilespmem:$0x1FFE0] =	vst v1;
	v1 =	vadd.s32 $0x6, v12;
	v23 =	vld.idx.msk [tilespmem:v0+s4+$0x0], $0xffff  }
0xa6: {  	[tilespmem:$0x1FFD0] =	vst v2;
	v2 =	vadd.s32 $0x6, v11;
	v42 =	vld.idx.msk [tilespmem:v32+s4+$0x0], $0xffff  }
0xa7: {  	v27 =	vadd.s32 $0x7, v7;
	v60 =	vld.idx.msk [tilespmem:v29+s24+$0x0], $0xffff  }
0xa8: {  	v41 =	vadd.s32 $0x9, v10;
	v56 =	vld.idx.msk [tilespmem:v38+s4+$0x0], $0xffff  }
0xa9: {  	v61 =	vadd.s32 $0xA, v7;
	v44 =	vld.idx.msk [tilespmem:v40+s4+$0x0], $0xffff  }
0xaa: {  	v30 =	vadd.s32 $0xA, v10;
	v22 =	vld.idx.msk [tilespmem:v1+s24+$0x0], $0xffff  }
0xab: {  	v50 =	vadd.s32 $0x8, v12;
	v47 =	vld.idx.msk [tilespmem:v2+s4+$0x0], $0xffff  }
0xac: {  	v0 =	vadd.s32 $0x8, v11;
	[tilespmem:$0x1FF90] =	vst v48;
	v48 =	vld.idx.msk [tilespmem:v27+s4+$0x0], $0xffff  }
0xad: {  	v32 =	vadd.s32 $0x9, v12;
	v27 =	vld.idx.msk [tilespmem:v41+s4+$0x0], $0xffff  }
0xae: {  	v62 =	vadd.s32 $0xA, v12;
	[tilespmem:$0x1FFA0] =	vst v49;
	v49 =	vld.idx.msk [tilespmem:v61+s4+$0x0], $0xffff  }
0xaf: {  	v40 =	vadd.s32 $0xC, v12;
	v61 =	vld.idx.msk [tilespmem:v30+s4+$0x0], $0xffff  }
0xb0: {  	v43 =	vadd.s32 $0xD, v7;
	v59 =	vld.idx.msk [tilespmem:v50+s24+$0x0], $0xffff  }
0xb1: {  	v55 =	vadd.s32 $0xD, v10;
	v57 =	vld.idx.msk [tilespmem:v0+s4+$0x0], $0xffff  }
0xb2: {  	v41 =	vadd.s32 $0xC, v10;
	v53 =	vld.idx.msk [tilespmem:v32+s24+$0x0], $0xffff  }
0xb3: {  	v1 =	vadd.s32 $0x8, v10;
	v50 =	vld.idx.msk [tilespmem:v62+s24+$0x0], $0xffff  }
0xb4: {  	v2 =	vadd.s32 $0x9, v7;
	v25 =	vld.idx.msk [tilespmem:v40+s24+$0x0], $0xffff  }
0xb5: {  	v0 =	vadd.s32 $0xA, v11;
	v40 =	vld.idx.msk [tilespmem:v43+s4+$0x0], $0xffff  }
0xb6: {  	v32 =	vadd.s32 $0xB, v12;
	v55 =	vld.idx.msk [tilespmem:v55+s4+$0x0], $0xffff  }
0xb7: {  	v62 =	vadd.s32 $0xC, v11;
	v41 =	vld.idx.msk [tilespmem:v41+s4+$0x0], $0xffff  }
0xb8: {  	v38 =	vld.idx.msk [tilespmem:v1+s4+$0x0], $0xffff;
	v1 =	vadd.s32 $0xB, v7  }
0xb9: {  	v51 =	vld.idx.msk [tilespmem:v2+s4+$0x0], $0xffff;
	v2 =	vadd.s32 $0xB, v11  }
0xba: {  	v24 =	vld.idx.msk [tilespmem:v0+s4+$0x0], $0xffff;
	v0 =	vadd.s32 $0xE, v11  }
0xbb: {  	v29 =	vld.idx.msk [tilespmem:v32+s24+$0x0], $0xffff;
	[tilespmem:$0x1FA70] =	vst v55;
	v55 =	vadd.s32 $0xF, v7  }
0xbc: {  	v32 =	vld.idx.msk [tilespmem:v62+s4+$0x0], $0xffff;
	[tilespmem:$0x1FA60] =	vst v41;
	v41 =	vadd.s32 $0xE, v7  }
0xbd: {  	v30 =	vld.idx.msk [tilespmem:v1+s4+$0x0], $0xffff;
	v1 =	vadd.s32 $0xE, v10  }
0xbe: {  	v54 =	vld.idx.msk [tilespmem:v2+s4+$0x0], $0xffff;
	v2 =	vadd.s32 $0xF, v12  }
0xbf: {  	v62 =	vadd.s32 $0xE, v12;
	v0 =	vld.idx.msk [tilespmem:v0+s4+$0x0], $0xffff  }
0xc0: {  	v55 =	vld.idx.msk [tilespmem:v55+s4+$0x0], $0xffff  }
0xc1: {  	v43 =	vld.idx.msk [tilespmem:v41+s4+$0x0], $0xffff  }
0xc2: {  	v1 =	vld.idx.msk [tilespmem:v1+s4+$0x0], $0xffff  }
0xc3: {  	v2 =	vld.idx.msk [tilespmem:v2+s24+$0x0], $0xffff  }
0xc4: {  	v41 =	vld.idx.msk [tilespmem:v62+s24+$0x0], $0xffff;
	v62 =	vadd.s32 $0xF, v11;
	_ =	sdelay $0x1  }
0xc5: {  	[tilespmem:$0x1FA80] =	vst v0;
	v0 =	vadd.s32 $0xF, v10  }
0xc6: {  	[tilespmem:$0x1FAB0] =	vst v1;
	v1 =	vadd.s32 $0x10, v7  }
0xc7: {  	[tilespmem:$0x1FAA0] =	vst v2;
	v2 =	vadd.s32 $0x10, v11  }
0xc8: {  	[tilespmem:$0x1FA90] =	vst v55;
	v55 =	vadd.s32 $0x10, v12;
	v62 =	vld.idx.msk [tilespmem:v62+s4+$0x0], $0xffff;
	_ =	sdelay $0x1  }
0xc9: {  	v0 =	vld.idx.msk [tilespmem:v0+s4+$0x0], $0xffff  }
0xca: {  	v1 =	vld.idx.msk [tilespmem:v1+s4+$0x0], $0xffff  }
0xcb: {  	v2 =	vld.idx.msk [tilespmem:v2+s4+$0x0], $0xffff  }
0xcc: {  	v55 =	vld.idx.msk [tilespmem:v55+s24+$0x0], $0xffff;
	[tilespmem:$0x1FAC0] =	vst v62;
	v62 =	vadd.s32 $0x10, v10;
	_ =	sdelay $0x1  }
0xcd: {  	[tilespmem:$0x1FAF0] =	vst v0;
	v0 =	vadd.s32 $0x11, v7  }
0xce: {  	[tilespmem:$0x1FAD0] =	vst v1;
	v1 =	vadd.s32 $0x11, v12  }
0xcf: {  	[tilespmem:$0x1FB00] =	vst v2;
	v2 =	vadd.s32 $0x11, v10  }
0xd0: {  	[tilespmem:$0x1FAE0] =	vst v55;
	v55 =	vadd.s32 $0x11, v11;
	v62 =	vld.idx.msk [tilespmem:v62+s4+$0x0], $0xffff;
	_ =	sdelay $0x1  }
0xd1: {  	v0 =	vld.idx.msk [tilespmem:v0+s4+$0x0], $0xffff  }
0xd2: {  	v1 =	vld.idx.msk [tilespmem:v1+s24+$0x0], $0xffff  }
0xd3: {  	v2 =	vld.idx.msk [tilespmem:v2+s4+$0x0], $0xffff  }
0xd4: {  	v55 =	vld.idx.msk [tilespmem:v55+s4+$0x0], $0xffff;
	[tilespmem:$0x1FB30] =	vst v62;
	v62 =	vadd.s32 $0x12, v7  }
0xd5: {  	v58 =	vadd.s32 $0x4, v12;
	v17 =	vld.idx.msk [tilespmem:v7+s4+$0x0], $0xffff  }
0xd6: {  	v14 =	vld.idx.msk [tilespmem:v12+s24+$0x0], $0xffff;
	[tilespmem:$0x1FB10] =	vst v0;
	v0 =	vadd.s32 $0x12, v12  }
0xd7: {  	v19 =	vld.idx.msk [tilespmem:v11+s4+$0x0], $0xffff;
	[tilespmem:$0x1FB20] =	vst v1;
	v1 =	vadd.s32 $0x12, v11  }
0xd8: {  	v31 =	vld.idx.msk [tilespmem:v10+s4+$0x0], $0xffff;
	[tilespmem:$0x1FB70] =	vst v2;
	v2 =	vadd.s32 $0x13, v7  }
0xd9: {  	[tilespmem:$0x1FB40] =	vst v55;
	v55 =	vadd.s32 $0x12, v10;
	v62 =	vld.idx.msk [tilespmem:v62+s4+$0x0], $0xffff  }
0xda: {  	[tilespmem:$0x1FFC0] =	vst v3;
	v45 =	vadd.s32 $0x8, v7;
	v3 =	vld.idx.msk [tilespmem:v58+s24+$0x0], $0xffff  }
0xdb: {  	v52 =	vadd.s32 $0x1, v11;
	v0 =	vld.idx.msk [tilespmem:v0+s24+$0x0], $0xffff  }
0xdc: {  	v26 =	vadd.s32 $0x5, v11;
	v1 =	vld.idx.msk [tilespmem:v1+s4+$0x0], $0xffff  }
0xdd: {  	v39 =	vadd.s32 $0x7, v10;
	v2 =	vld.idx.msk [tilespmem:v2+s4+$0x0], $0xffff  }
0xde: {  	v55 =	vld.idx.msk [tilespmem:v55+s4+$0x0], $0xffff;
	[tilespmem:$0x1FB50] =	vst v62;
	v62 =	vadd.s32 $0x13, v12  }
0xdf: {  	v58 =	vld.idx.msk [tilespmem:v45+s4+$0x0], $0xffff;
	v45 =	vadd.s32 $0xB, v10  }
0xe0: {  	v28 =	vld.idx.msk [tilespmem:v52+s4+$0x0], $0xffff;
	[tilespmem:$0x1FB60] =	vst v0;
	v0 =	vadd.s32 $0x13, v11  }
0xe1: {  	v63 =	vld.idx.msk [tilespmem:v26+s4+$0x0], $0xffff;
	[tilespmem:$0x1FB80] =	vst v1;
	v1 =	vadd.s32 $0x13, v10  }
0xe2: {  	v52 =	vld.idx.msk [tilespmem:v39+s4+$0x0], $0xffff;
	[tilespmem:$0x1FB90] =	vst v2;
	v2 =	vadd.s32 $0x14, v12  }
0xe3: {  	v14 =	vadd.f32 v14, v17;
	v6 =	vadd.f32 v6, v9;
	[tilespmem:$0x1FBB0] =	vst v55;
	v55 =	vadd.s32 $0x14, v7;
	v62 =	vld.idx.msk [tilespmem:v62+s24+$0x0], $0xffff  }
0xe4: {  	v26 =	vld.idx.msk [tilespmem:v45+s4+$0x0], $0xffff;
	v16 =	vadd.f32 v16, v18;
	v18 =	vadd.s32 $0x16, v11  }
0xe5: {  	v15 =	vadd.s32 $0x3, v11;
	v9 =	vsub.f32 v14, v19;
	v13 =	vsub.f32 v6, v13;
	v0 =	vld.idx.msk [tilespmem:v0+s4+$0x0], $0xffff  }
0xe6: {  	v17 =	vadd.s32 $0x15, v10;
	v1 =	vld.idx.msk [tilespmem:v1+s4+$0x0], $0xffff  }
0xe7: {  	v39 =	vadd.s32 $0xC, v7;
	v9 =	vmul.f32 v9, v9;
	v13 =	vmul.f32 v13, v13;
	v2 =	vld.idx.msk [tilespmem:v2+s24+$0x0], $0xffff  }
0xe8: {  	v4 =	vadd.f32 v4, v8;
	v55 =	vld.idx.msk [tilespmem:v55+s4+$0x0], $0xffff;
	[tilespmem:$0x1FBA0] =	vst v62;
	v62 =	vadd.s32 $0x14, v11  }
0xe9: {  	v6 =	vsub.f32 v6, v20;
	[tilespmem:$0x1FA50] =	vst v26;
	v20 =	vld.idx.msk [tilespmem:v18+s4+$0x0], $0xffff;
	v8 =	vadd.f32 v13, v9;
	v9 =	vadd.s32 $0x17, v10  }
0xea: {  	v15 =	vld.idx.msk [tilespmem:v15+s4+$0x0], $0xffff;
	v14 =	vsub.f32 v14, v31;
	[tilespmem:$0x1FBC0] =	vst v0;
	v0 =	vadd.s32 $0x14, v10  }
0xeb: {  	v31 =	vsub.f32 v16, v28;
	v17 =	vld.idx.msk [tilespmem:v17+s4+$0x0], $0xffff;
	[tilespmem:$0x1FBF0] =	vst v1;
	v1 =	vadd.s32 $0x15, v7  }
0xec: {  	v28 =	vmul.f32 v14, v14;
	v6 =	vmul.f32 v6, v6;
	v26 =	vld.idx.msk [tilespmem:v39+s4+$0x0], $0xffff;
	[tilespmem:$0x1FBE0] =	vst v2;
	v2 =	vadd.s32 $0x15, v11  }
0xed: {  	v3 =	vadd.f32 v3, v5;
	[tilespmem:$0x1FBD0] =	vst v55;
	v55 =	vadd.s32 $0x15, v12;
	v62 =	vld.idx.msk [tilespmem:v62+s4+$0x0], $0xffff  }
0xee: {  	v45 =	vadd.s32 $0xD, v11;
	v6 =	vadd.f32 v6, v28;
	[tilespmem:$0x1FC80] =	vst v20;
	v20 =	vld.idx.msk [tilespmem:v9+s4+$0x0], $0xffff  }
0xef: {  	v28 =	vsub.f32 v3, v21;
	v21 =	vadd.f32 v22, v23;
	v22 =	vadd.s32 $0x1A, v7;
	v0 =	vld.idx.msk [tilespmem:v0+s4+$0x0], $0xffff  }
0xf0: {  	v23 =	vadd.s32 $0x1A, v12;
	v1 =	vld.idx.msk [tilespmem:v1+s4+$0x0], $0xffff  }
0xf1: {  	v9 =	vadd.s32 $0x19, v7;
	v2 =	vld.idx.msk [tilespmem:v2+s4+$0x0], $0xffff  }
0xf2: {  	[tilespmem:$0x1FC00] =	vst v62;
	v62 =	vld.idx.msk [tilespmem:v55+s24+$0x0], $0xffff;
	v55 =	vadd.s32 $0x17, v7  }
0xf3: {  	v60 =	vadd.f32 v60, v48;
	v16 =	vsub.f32 v16, v33;
	v33 =	vadd.s32 $0x17, v12;
	v45 =	vld.idx.msk [tilespmem:v45+s4+$0x0], $0xffff  }
0xf4: {  	v48 =	vld.idx.msk [tilespmem:v22+s4+$0x0], $0xffff;
	[tilespmem:$0x1FC30] =	vst v0;
	v0 =	vadd.s32 $0x16, v7  }
0xf5: {  	v39 =	vadd.s32 $0xD, v12;
	v22 =	vsub.f32 v60, v56;
	v56 =	vld.idx.msk [tilespmem:v23+s24+$0x0], $0xffff;
	[tilespmem:$0x1FC10] =	vst v1  }
0xf6: {  	v9 =	vld.idx.msk [tilespmem:v9+s4+$0x0], $0xffff;
	[tilespmem:$0x1FC40] =	vst v2;
	v2 =	vadd.s32 $0x16, v10  }
0xf7: {  	v1 =	vadd.s32 $0x16, v12;
	[tilespmem:$0x1FC20] =	vst v62;
	v62 =	vsub.f32 v4, v15;
	v55 =	vld.idx.msk [tilespmem:v55+s4+$0x0], $0xffff  }
0xf8: {  	v4 =	vsub.f32 v4, v35;
	v35 =	vld.idx.msk [tilespmem:v33+s24+$0x0], $0xffff;
	v33 =	vadd.s32 $0x19, v12  }
0xf9: {  	v31 =	vmul.f32 v31, v31;
	v23 =	vadd.s32 $0x1B, v11;
	v5 =	vmul.f32 v62, v62;
	v0 =	vld.idx.msk [tilespmem:v0+s4+$0x0], $0xffff  }
0xfa: {  	v3 =	vsub.f32 v3, v34;
	v39 =	vld.idx.msk [tilespmem:v39+s24+$0x0], $0xffff;
	v62 =	vadd.s32 $0x18, v12;
	v4 =	vmul.f32 v4, v4  }
0xfb: {  	v5 =	vadd.f32 v5, v31;
	v31 =	vmul.f32 v16, v16;
	v18 =	vld.idx.msk [tilespmem:v2+s4+$0x0], $0xffff;
	v2 =	vadd.s32 $0x18, v7  }
0xfc: {  	v13 =	vmul.f32 v28, v28;
	v16 =	vadd.f32 v46, v36;
	v1 =	vld.idx.msk [tilespmem:v1+s24+$0x0], $0xffff;
	[tilespmem:$0x1FC90] =	vst v55;
	v55 =	vadd.s32 $0x19, v11  }
0xfd: {  	[tilespmem:$0x1FCB0] =	vst v9;
	v4 =	vadd.f32 v4, v31;
	v31 =	vsub.f32 v21, v47;
	v47 =	vld.idx.msk [tilespmem:v33+s24+$0x0], $0xffff;
	v33 =	vadd.s32 $0x1A, v11  }
0xfe: {  	v3 =	vmul.f32 v3, v3;
	v8 =	vadd.f32 v13, v8;
	v9 =	vld.idx.msk [tilespmem:v23+s4+$0x0], $0xffff;
	[tilespmem:$0x1FC50] =	vst v0;
	v0 =	vadd.s32 $0x18, v11  }
0xff: {  	v46 =	vld.idx.msk [tilespmem:v62+s24+$0x0], $0xffff;
	v62 =	vsub.f32 v16, v63;
	v63 =	vadd.s32 $0x19, v10;
	v16 =	vsub.f32 v16, v37  }
0x100: {  	v3 =	vadd.f32 v3, v6;
	v37 =	vadd.s32 $0x1A, v10;
	v6 =	vmul.f32 v31, v31;
	v36 =	vld.idx.msk [tilespmem:v2+s4+$0x0], $0xffff  }
0x101: {  	v34 =	vmul.f32 v16, v16;
	v16 =	vsub.f32 v60, v52;
	v60 =	vadd.s32 $0x1C, v11;
	v14 =	vld.idx.msk [tilespmem:v55+s4+$0x0], $0xffff  }
0x102: {  	[tilespmem:$0x1FC60] =	vst v1;
	v1 =	vadd.s32 $0x17, v11;
	v2 =	vld.idx.msk [tilespmem:v33+s4+$0x0], $0xffff  }
0x103: {  	v6 =	vadd.f32 v6, v8;
	v8 =	vmul.f32 v22, v22;
	v22 =	vadd.s32 $0x1D, v7;
	v28 =	vld.idx.msk [tilespmem:v0+s4+$0x0], $0xffff  }
0x104: {  	v33 =	vadd.s32 $0x1B, v10;
	v0 =	vld.idx.msk [tilespmem:v63+s4+$0x0], $0xffff  }
0x105: {  	v4 =	vadd.f32 v34, v4;
	v34 =	vadd.s32 $0x1C, v7;
	v63 =	vsub.f32 v21, v42;
	v42 =	vld.idx.msk [tilespmem:v37+s4+$0x0], $0xffff  }
0x106: {  	[tilespmem:$0x1FC70] =	vst v17;
	v13 =	vmul.f32 v62, v62;
	v62 =	vadd.s32 $0x1B, v7;
	v17 =	vld.idx.msk [tilespmem:v60+s4+$0x0], $0xffff  }
0x107: {  	v21 =	vadd.s32 $0x1B, v12;
	v1 =	vld.idx.msk [tilespmem:v1+s4+$0x0], $0xffff  }
0x108: {  	v31 =	vadd.f32 v59, v58;
	v52 =	vadd.s32 $0x1C, v12;
	v59 =	vld.idx.msk [tilespmem:v22+s4+$0x0], $0xffff  }
0x109: {  	v5 =	vadd.f32 v13, v5;
	v13 =	vmul.f32 v63, v63;
	[tilespmem:$0x1FCE0] =	vst v2;
	v63 =	vadd.s32 $0x1C, v10;
	v2 =	vld.idx.msk [tilespmem:v33+s4+$0x0], $0xffff  }
0x10a: {  	v37 =	vsub.f32 v31, v57;
	v58 =	vld.idx.msk [tilespmem:v34+s4+$0x0], $0xffff;
	v33 =	vadd.s32 $0x1D, v12  }
0x10b: {  	[tilespmem:$0x1FCD0] =	vst v0;
	v0 =	vld.idx.msk [tilespmem:v62+s4+$0x0], $0xffff  }
0x10c: {  	v3 =	vadd.f32 v13, v3;
	v13 =	vmul.f32 v37, v37;
	v57 =	vld.idx.msk [tilespmem:v21+s24+$0x0], $0xffff;
	v62 =	vadd.f32 v53, v51  }
0x10d: {  	v55 =	vmul.f32 v16, v16;
	v34 =	vadd.f32 v50, v49;
	v21 =	vsub.f32 v31, v38;
	v31 =	vld.idx.msk [tilespmem:v52+s24+$0x0], $0xffff  }
0x10e: {  	[tilespmem:$0x1FD00] =	vst v9;
	v37 =	vadd.s32 $0x1D, v11;
	v6 =	vadd.f32 v13, v6;
	v23 =	vsub.f32 v62, v44;
	v9 =	vld.idx.msk [tilespmem:v63+s4+$0x0], $0xffff  }
0x10f: {  	v38 =	vadd.s32 $0x1D, v10;
	v16 =	vsub.f32 v62, v27;
	v62 =	vadd.f32 v29, v30;
	v52 =	vld.idx.msk [tilespmem:v33+s24+$0x0], $0xffff  }
0x110: {  	[tilespmem:$0x1FCA0] =	vst v1;
	v1 =	vadd.s32 $0x18, v10;
	v30 =	vadd.f32 v25, v26;
	v26 =	vadd.f32 v41, v43;
	v41 =	vld [tilespmem:$0x1FAA0]  }
0x111: {  	v44 =	vsub.f32 v34, v24;
	v13 =	vmul.f32 v23, v23;
	v23 =	vsub.f32 v34, v61;
	v34 =	vld [tilespmem:$0x1FA50]  }
0x112: {  	v49 =	vadd.s32 $0x1E, v7;
	v61 =	vld [tilespmem:$0x1FA60]  }
0x113: {  	v60 =	vadd.s32 $0x1E, v12;
	v27 =	vsub.f32 v62, v54;
	v54 =	vadd.f32 v39, v40;
	v40 =	vld [tilespmem:$0x1FA90]  }
0x114: {  	[tilespmem:$0x1FCF0] =	vst v0;
	v0 =	vld.idx.msk [tilespmem:v37+s4+$0x0], $0xffff  }
0x115: {  	v4 =	vadd.f32 v55, v4;
	v55 =	vadd.s32 $0x20, v12;
	v50 =	vmul.f32 v16, v16;
	v19 =	vld.idx.msk [tilespmem:v1+s4+$0x0], $0xffff  }
0x116: {  	v1 =	vld.idx.msk [tilespmem:v38+s4+$0x0], $0xffff  }
0x117: {  	v63 =	vadd.s32 $0x1E, v11;
	v4 =	vadd.f32 v50, v4;
	v50 =	vld.idx.msk [tilespmem:v49+s4+$0x0], $0xffff  }
0x118: {  	v5 =	vadd.f32 v8, v5;
	v29 =	vadd.s32 $0x1F, v7;
	v49 =	vld.idx.msk [tilespmem:v60+s24+$0x0], $0xffff  }
0x119: {  	v33 =	vadd.s32 $0x1F, v12;
	v38 =	vsub.f32 v30, v32;
	v32 =	vld [tilespmem:$0x1FA80]  }
0x11a: {  	v5 =	vadd.f32 v13, v5;
	v13 =	vmul.f32 v23, v23;
	v23 =	vld.idx.msk [tilespmem:v55+s24+$0x0], $0xffff  }
0x11b: {  	v53 =	vadd.s32 $0x20, v7;
	v8 =	vmul.f32 v21, v21;
	v55 =	vld [tilespmem:$0x1FAD0]  }
0x11c: {  	v63 =	vld.idx.msk [tilespmem:v63+s4+$0x0], $0xffff  }
0x11d: {  	v3 =	vadd.f32 v8, v3;
	v8 =	vmul.f32 v44, v44;
	v44 =	vadd.s32 $0x1F, v10;
	v60 =	vld.idx.msk [tilespmem:v29+s4+$0x0], $0xffff  }
0x11e: {  	v33 =	vld.idx.msk [tilespmem:v33+s24+$0x0], $0xffff  }
0x11f: {  	v29 =	vld [tilespmem:$0x1FA70]  }
0x120: {  	v24 =	vadd.s32 $0x1E, v10;
	v3 =	vadd.f32 v13, v3;
	v13 =	vmul.f32 v38, v38;
	v38 =	vld.idx.msk [tilespmem:v53+s4+$0x0], $0xffff  }
0x121: {  	v37 =	vadd.s32 $0x1F, v11;
	v6 =	vadd.f32 v8, v6;
	v53 =	vld [tilespmem:$0x1FAC0]  }
0x122: {  	[tilespmem:$0x1FCC0] =	vst v14;
	v8 =	vmul.f32 v27, v27;
	v16 =	vsub.f32 v62, v34;
	v62 =	vadd.s32 $0x20, v11;
	v14 =	vld.idx.msk [tilespmem:v44+s4+$0x0], $0xffff  }
0x123: {  	v44 =	vld [tilespmem:$0x1FAB0]  }
0x124: {  	v27 =	vadd.s32 $0x21, v7;
	v5 =	vadd.f32 v8, v5;
	v8 =	vsub.f32 v30, v61;
	v61 =	vld [tilespmem:$0x1FAE0]  }
0x125: {  	v34 =	vadd.s32 $0x21, v11;
	[tilespmem:$0x1FD30] =	vst v0;
	v0 =	vld.idx.msk [tilespmem:v24+s4+$0x0], $0xffff  }
0x126: {  	[tilespmem:$0x1FD10] =	vst v2;
	v25 =	vadd.s32 $0x20, v10;
	v24 =	vsub.f32 v54, v45;
	v2 =	vld.idx.msk [tilespmem:v37+s4+$0x0], $0xffff  }
0x127: {  	v39 =	vadd.s32 $0x21, v10;
	[tilespmem:$0x1FD20] =	vst v9;
	v9 =	vld.idx.msk [tilespmem:v62+s4+$0x0], $0xffff  }
0x128: {  	v6 =	vadd.f32 v13, v6;
	v13 =	vmul.f32 v24, v24;
	v24 =	vld [tilespmem:$0x1FAF0]  }
0x129: {  	v43 =	vadd.s32 $0x22, v7;
	[tilespmem:$0x1FD70] =	vst v14;
	v14 =	vld.idx.msk [tilespmem:v27+s4+$0x0], $0xffff  }
0x12a: {  	[tilespmem:$0x1FD40] =	vst v1;
	v8 =	vmul.f32 v8, v8;
	v1 =	vld.idx.msk [tilespmem:v34+s4+$0x0], $0xffff  }
0x12b: {  	v45 =	vadd.s32 $0x22, v12;
	v51 =	vmul.f32 v16, v16;
	v16 =	vsub.f32 v54, v29;
	[tilespmem:$0x1FD60] =	vst v2;
	v2 =	vld.idx.msk [tilespmem:v25+s4+$0x0], $0xffff  }
0x12c: {  	v30 =	vadd.s32 $0x21, v12;
	v3 =	vadd.f32 v8, v3;
	v8 =	vsub.f32 v26, v32;
	[tilespmem:$0x1FD80] =	vst v9;
	v9 =	vld.idx.msk [tilespmem:v39+s4+$0x0], $0xffff  }
0x12d: {  	v5 =	vadd.f32 v13, v5;
	v13 =	vsub.f32 v26, v44;
	v26 =	vld [tilespmem:$0x1FB00];
	[tilespmem:$0x1FD50] =	vst v0  }
0x12e: {  	v37 =	vmul.f32 v16, v16;
	v16 =	vadd.f32 v41, v40;
	v40 =	vld.idx.msk [tilespmem:v43+s4+$0x0], $0xffff;
	[tilespmem:$0x1FD90] =	vst v14  }
0x12f: {  	v62 =	vadd.s32 $0x22, v10;
	v34 =	vld [tilespmem:$0x1FB10];
	v8 =	vmul.f32 v8, v8;
	[tilespmem:$0x1FDB0] =	vst v1  }
0x130: {  	v4 =	vadd.f32 v51, v4;
	v21 =	vld.idx.msk [tilespmem:v45+s24+$0x0], $0xffff;
	[tilespmem:$0x1FDA0] =	vst v2  }
0x131: {  	v25 =	vadd.s32 $0x23, v7;
	v6 =	vadd.f32 v8, v6;
	v8 =	vsub.f32 v16, v53;
	v53 =	vld.idx.msk [tilespmem:v30+s24+$0x0], $0xffff;
	[tilespmem:$0x1FDC0] =	vst v9  }
0x132: {  	v4 =	vadd.f32 v37, v4;
	v37 =	vld [tilespmem:$0x1FB20]  }
0x133: {  	v27 =	vadd.s32 $0x23, v12;
	v41 =	vld [tilespmem:$0x1FB30]  }
0x134: {  	v1 =	vld.idx.msk [tilespmem:v62+s4+$0x0], $0xffff  }
0x135: {  	v16 =	vsub.f32 v16, v24;
	v30 =	vadd.s32 $0x23, v11;
	v24 =	vld [tilespmem:$0x1FB40]  }
0x136: {  	v15 =	vadd.f32 v61, v55;
	v55 =	vld.idx.msk [tilespmem:v25+s4+$0x0], $0xffff  }
0x137: {  	v39 =	vadd.s32 $0x23, v10;
	v32 =	vld [tilespmem:$0x1FB50]  }
0x138: {  	v43 =	vadd.s32 $0x24, v7;
	v61 =	vld.idx.msk [tilespmem:v27+s24+$0x0], $0xffff  }
0x139: {  	v44 =	vld [tilespmem:$0x1FB70]  }
0x13a: {  	v14 =	vld.idx.msk [tilespmem:v30+s4+$0x0], $0xffff  }
0x13b: {  	v29 =	vmul.f32 v16, v16;
	v9 =	vadd.s32 $0x25, v11;
	v51 =	vld [tilespmem:$0x1FB80]  }
0x13c: {  	v0 =	vld.idx.msk [tilespmem:v39+s4+$0x0], $0xffff  }
0x13d: {  	v4 =	vadd.f32 v29, v4;
	v25 =	vadd.s32 $0x24, v12;
	v29 =	vld.idx.msk [tilespmem:v43+s4+$0x0], $0xffff  }
0x13e: {  	v45 =	vadd.s32 $0x24, v10;
	v30 =	vld [tilespmem:$0x1FB90]  }
0x13f: {  	v43 =	vld [tilespmem:$0x1FBC0]  }
0x140: {  	v8 =	vmul.f32 v8, v8;
	v9 =	vld.idx.msk [tilespmem:v9+s4+$0x0], $0xffff  }
0x141: {  	v13 =	vmul.f32 v13, v13;
	v22 =	vadd.f32 v37, v34;
	v34 =	vld [tilespmem:$0x1FB60]  }
0x142: {  	v5 =	vadd.f32 v8, v5;
	v8 =	vsub.f32 v15, v41;
	v41 =	vld.idx.msk [tilespmem:v25+s24+$0x0], $0xffff  }
0x143: {  	v3 =	vadd.f32 v13, v3;
	v13 =	vsub.f32 v15, v26;
	[tilespmem:$0x1FDE0] =	vst v14;
	v14 =	vld.idx.msk [tilespmem:v45+s4+$0x0], $0xffff  }
0x144: {  	v37 =	vadd.s32 $0x24, v11;
	v25 =	vld [tilespmem:$0x1FBE0]  }
0x145: {  	v13 =	vmul.f32 v13, v13;
	[tilespmem:$0x1FDF0] =	vst v0;
	v45 =	vld [tilespmem:$0x1FBF0];
	v0 =	vadd.s32 $0x27, v11  }
0x146: {  	v62 =	vadd.s32 $0x25, v7;
	v15 =	vadd.f32 v34, v32;
	v32 =	vld [tilespmem:$0x1FBA0]  }
0x147: {  	v6 =	vadd.f32 v13, v6;
	v27 =	vadd.s32 $0x25, v12;
	v13 =	vsub.f32 v22, v24;
	v24 =	vld [tilespmem:$0x1FBD0]  }
0x148: {  	v22 =	vsub.f32 v22, v44;
	v34 =	vld [tilespmem:$0x1FBB0]  }
0x149: {  	v39 =	vld.idx.msk [tilespmem:v37+s4+$0x0], $0xffff;
	v37 =	vadd.s32 $0x25, v10  }
0x14a: {  	v26 =	vmul.f32 v22, v22;
	v0 =	vld.idx.msk [tilespmem:v0+s4+$0x0], $0xffff  }
0x14b: {  	v8 =	vmul.f32 v8, v8;
	v22 =	vadd.f32 v32, v30;
	v30 =	vld.idx.msk [tilespmem:v62+s4+$0x0], $0xffff  }
0x14c: {  	v13 =	vmul.f32 v13, v13;
	v4 =	vadd.f32 v26, v4;
	v26 =	vadd.s32 $0x26, v12;
	v62 =	vld.idx.msk [tilespmem:v27+s24+$0x0], $0xffff  }
0x14d: {  	v27 =	vld [tilespmem:$0x1FC00]  }
0x14e: {  	v3 =	vadd.f32 v8, v3;
	v5 =	vadd.f32 v13, v5;
	v2 =	vld.idx.msk [tilespmem:v37+s4+$0x0], $0xffff  }
0x14f: {  	v8 =	vsub.f32 v15, v51;
	v13 =	vsub.f32 v15, v34;
	v34 =	vld [tilespmem:$0x1FC10]  }
0x150: {  	v51 =	vadd.s32 $0x26, v11;
	v37 =	vld [tilespmem:$0x1FC20]  }
0x151: {  	v8 =	vmul.f32 v8, v8;
	v15 =	vadd.f32 v25, v24;
	v25 =	vld.idx.msk [tilespmem:v26+s24+$0x0], $0xffff  }
0x152: {  	v26 =	vld [tilespmem:$0x1FC60]  }
0x153: {  	v54 =	vadd.s32 $0x22, v11;
	v6 =	vadd.f32 v8, v6;
	v8 =	vsub.f32 v22, v43;
	v43 =	vld [tilespmem:$0x1FC30]  }
0x154: {  	[tilespmem:$0x1FDD0] =	vst v1;
	v13 =	vmul.f32 v13, v13;
	v22 =	vsub.f32 v22, v45;
	v45 =	vld [tilespmem:$0x1FC40]  }
0x155: {  	[tilespmem:$0x1FE10] =	vst v9;
	v9 =	vadd.s32 $0x26, v10;
	v1 =	vld.idx.msk [tilespmem:v51+s4+$0x0], $0xffff  }
0x156: {  	v51 =	vld [tilespmem:$0x1FC50];
	v8 =	vmul.f32 v8, v8;
	v3 =	vadd.f32 v13, v3;
	v32 =	vmul.f32 v22, v22  }
0x157: {  	v13 =	vsub.f32 v15, v27;
	[tilespmem:$0x1FE20] =	vst v2;
	v2 =	vadd.s32 $0x27, v7;
	v22 =	vadd.f32 v37, v34;
	v37 =	vld [tilespmem:$0x1FC70]  }
0x158: {  	v54 =	vld.idx.msk [tilespmem:v54+s4+$0x0], $0xffff;
	v24 =	vadd.s32 $0x27, v10;
	[tilespmem:$0x1FE60] =	vst v0;
	v0 =	vadd.s32 $0x28, v10  }
0x159: {  	v5 =	vadd.f32 v8, v5;
	v13 =	vmul.f32 v13, v13;
	v8 =	vsub.f32 v15, v43;
	v43 =	vld [tilespmem:$0x1FC80]  }
0x15a: {  	v44 =	vadd.s32 $0x26, v7;
	v4 =	vadd.f32 v32, v4;
	v15 =	vld [tilespmem:$0x1FC90]  }
0x15b: {  	[tilespmem:$0x1FE00] =	vst v14;
	v14 =	vadd.s32 $0x27, v12;
	v32 =	vld.idx.msk [tilespmem:v9+s4+$0x0], $0xffff;
	v6 =	vadd.f32 v13, v6;
	v13 =	vsub.f32 v22, v45  }
0x15c: {  	v9 =	vadd.s32 $0x28, v7;
	v34 =	vadd.f32 v26, v51;
	v22 =	vsub.f32 v22, v37;
	v2 =	vld.idx.msk [tilespmem:v2+s4+$0x0], $0xffff  }
0x15d: {  	v0 =	vld.idx.msk [tilespmem:v0+s4+$0x0], $0xffff;
	v51 =	vadd.s32 $0x28, v11;
	v27 =	vmul.f32 v8, v8;
	v13 =	vmul.f32 v13, v13  }
0x15e: {  	v45 =	vsub.f32 v34, v43;
	v8 =	vmul.f32 v22, v22;
	v43 =	vld.idx.msk [tilespmem:v24+s4+$0x0], $0xffff;
	v24 =	vsub.f32 v34, v18  }
0x15f: {  	v44 =	vld.idx.msk [tilespmem:v44+s4+$0x0], $0xffff;
	v22 =	vadd.f32 v35, v15;
	v35 =	vadd.s32 $0x29, v7;
	v5 =	vadd.f32 v13, v5  }
0x160: {  	v26 =	vld.idx.msk [tilespmem:v14+s24+$0x0], $0xffff;
	v16 =	vmul.f32 v45, v45;
	v13 =	vmul.f32 v24, v24;
	v24 =	vadd.s32 $0x29, v10  }
0x161: {  	v37 =	vld.idx.msk [tilespmem:v9+s4+$0x0], $0xffff;
	[tilespmem:$0x1FE40] =	vst v2;
	v2 =	vadd.s32 $0x28, v12  }
0x162: {  	v3 =	vadd.f32 v27, v3;
	v27 =	vadd.s32 $0x29, v12;
	v15 =	vadd.f32 v16, v6;
	v16 =	vld [tilespmem:$0x1FCA0]  }
0x163: {  	v36 =	vadd.f32 v46, v36;
	[tilespmem:$0x1FE70] =	vst v0;
	v0 =	vadd.s32 $0x2A, v7;
	v46 =	vld.idx.msk [tilespmem:v51+s4+$0x0], $0xffff  }
0x164: {  	[tilespmem:$0x1FE50] =	vst v32;
	v32 =	vld.idx.msk [tilespmem:v35+s4+$0x0], $0xffff  }
0x165: {  	[tilespmem:$0x1FE30] =	vst v1;
	v1 =	vld.idx.msk [tilespmem:v24+s4+$0x0], $0xffff  }
0x166: {  	v45 =	vld.idx.msk [tilespmem:v2+s24+$0x0], $0xffff  }
0x167: {  	v18 =	vsub.f32 v22, v16;
	v16 =	vsub.f32 v36, v28;
	v28 =	vld.idx.msk [tilespmem:v27+s24+$0x0], $0xffff  }
0x168: {  	v2 =	vadd.s32 $0x29, v11;
	v22 =	vsub.f32 v22, v20;
	v20 =	vsub.f32 v36, v19;
	v36 =	vld.idx.msk [tilespmem:v0+s4+$0x0], $0xffff  }
0x169: {  	v35 =	vadd.s32 $0x2A, v12;
	v19 =	vld [tilespmem:$0x1FCE0]  }
0x16a: {  	v4 =	vadd.f32 v8, v4;
	v34 =	vmul.f32 v18, v18;
	v22 =	vmul.f32 v22, v22;
	v18 =	vld [tilespmem:$0x1FCB0]  }
0x16b: {  	v8 =	vadd.f32 v13, v3;
	v13 =	vmul.f32 v16, v16;
	v16 =	vld [tilespmem:$0x1FCD0]  }
0x16c: {  	v48 =	vadd.f32 v56, v48;
	v6 =	vadd.s32 $0x2A, v10;
	v9 =	vadd.f32 v22, v4;
	v22 =	vld [tilespmem:$0x1FCC0]  }
0x16d: {  	v3 =	vadd.s32 $0x2A, v11;
	v27 =	vmul.f32 v20, v20;
	v51 =	vld.idx.msk [tilespmem:v2+s4+$0x0], $0xffff  }
0x16e: {  	v14 =	vadd.f32 v34, v5;
	v5 =	vadd.s32 $0x2B, v7;
	v34 =	vld.idx.msk [tilespmem:v35+s24+$0x0], $0xffff;
	v20 =	vsub.f32 v48, v19  }
0x16f: {  	v8 =	vadd.f32 v27, v8;
	v27 =	vld [tilespmem:$0x1FCF0];
	v47 =	vadd.f32 v47, v18  }
0x170: {  	v35 =	vadd.s32 $0x2B, v11;
	v2 =	vmul.f32 v20, v20;
	v20 =	vld [tilespmem:$0x1FD10]  }
0x171: {  	v4 =	vadd.s32 $0x2B, v12;
	v24 =	vsub.f32 v47, v22;
	v22 =	vld.idx.msk [tilespmem:v6+s4+$0x0], $0xffff  }
0x172: {  	v15 =	vadd.f32 v13, v15;
	v18 =	vsub.f32 v47, v16;
	v47 =	vld.idx.msk [tilespmem:v3+s4+$0x0], $0xffff;
	v3 =	vadd.s32 $0x2B, v10  }
0x173: {  	v6 =	vadd.s32 $0x2C, v7;
	v56 =	vld.idx.msk [tilespmem:v5+s4+$0x0], $0xffff  }
0x174: {  	v16 =	vadd.f32 v2, v15;
	v15 =	vld [tilespmem:$0x1FD00]  }
0x175: {  	v42 =	vsub.f32 v48, v42;
	[tilespmem:$0x1FE80] =	vst v1;
	v48 =	vld.idx.msk [tilespmem:v35+s4+$0x0], $0xffff;
	v35 =	vadd.s32 $0x2C, v10;
	v13 =	vmul.f32 v24, v24  }
0x176: {  	v19 =	vadd.s32 $0x2D, v7;
	v1 =	vmul.f32 v18, v18;
	[tilespmem:$0x1FE90] =	vst v22;
	v22 =	vld.idx.msk [tilespmem:v4+s24+$0x0], $0xffff  }
0x177: {  	v0 =	vadd.f32 v57, v27;
	v24 =	vadd.s32 $0x2C, v12;
	v14 =	vadd.f32 v13, v14;
	v57 =	vld.idx.msk [tilespmem:v3+s4+$0x0], $0xffff  }
0x178: {  	v13 =	vadd.f32 v1, v9;
	v1 =	vadd.f32 v31, v58;
	v58 =	vld.idx.msk [tilespmem:v6+s4+$0x0], $0xffff  }
0x179: {  	v2 =	vadd.s32 $0x2D, v12;
	v18 =	vsub.f32 v0, v15;
	v0 =	vsub.f32 v0, v20;
	v20 =	vld [tilespmem:$0x1FD30]  }
0x17a: {  	v31 =	vsub.f32 v1, v17;
	v17 =	vld.idx.msk [tilespmem:v35+s4+$0x0], $0xffff  }
0x17b: {  	v4 =	vadd.s32 $0x2C, v11;
	v35 =	vld.idx.msk [tilespmem:v19+s4+$0x0], $0xffff  }
0x17c: {  	v9 =	vmul.f32 v42, v42;
	v27 =	vld.idx.msk [tilespmem:v24+s24+$0x0], $0xffff;
	v24 =	vadd.s32 $0x2D, v11  }
0x17d: {  	v19 =	vld [tilespmem:$0x1FD20]  }
0x17e: {  	v3 =	vadd.s32 $0x2E, v12;
	v8 =	vadd.f32 v9, v8;
	v9 =	vadd.f32 v52, v59;
	v59 =	vld.idx.msk [tilespmem:v2+s24+$0x0], $0xffff  }
0x17f: {  	v2 =	vadd.s32 $0x2E, v11;
	v52 =	vld [tilespmem:$0x1FD40]  }
0x180: {  	v15 =	vmul.f32 v18, v18;
	v42 =	vld.idx.msk [tilespmem:v4+s4+$0x0], $0xffff  }
0x181: {  	v0 =	vmul.f32 v0, v0;
	v5 =	vld.idx.msk [tilespmem:v24+s4+$0x0], $0xffff;
	v24 =	vadd.s32 $0x2E, v10  }
0x182: {  	v18 =	vmul.f32 v31, v31;
	v14 =	vadd.f32 v15, v14;
	v1 =	vsub.f32 v1, v19;
	v19 =	vld [tilespmem:$0x1FD50]  }
0x183: {  	v15 =	vadd.s32 $0x2E, v7;
	v6 =	vadd.f32 v0, v13;
	v0 =	vsub.f32 v9, v20;
	v20 =	vld.idx.msk [tilespmem:v3+s24+$0x0], $0xffff  }
0x184: {  	v4 =	vadd.s32 $0x2D, v10;
	v16 =	vadd.f32 v18, v16;
	v18 =	vld.idx.msk [tilespmem:v2+s4+$0x0], $0xffff  }
0x185: {  	v49 =	vadd.f32 v49, v50;
	v9 =	vsub.f32 v9, v52;
	v52 =	vld [tilespmem:$0x1FD60];
	v0 =	vmul.f32 v0, v0  }
0x186: {  	v33 =	vadd.f32 v33, v60;
	v3 =	vadd.s32 $0x2F, v11;
	v60 =	vld.idx.msk [tilespmem:v24+s4+$0x0], $0xffff  }
0x187: {  	v13 =	vadd.f32 v0, v14;
	v14 =	vadd.s32 $0x2F, v10;
	v24 =	vsub.f32 v49, v19;
	v19 =	vld [tilespmem:$0x1FD70]  }
0x188: {  	v31 =	vld.idx.msk [tilespmem:v15+s4+$0x0], $0xffff  }
0x189: {  	[tilespmem:$0x1FEA0] =	vst v17;
	v17 =	vsub.f32 v49, v63;
	v1 =	vmul.f32 v1, v1;
	v15 =	vadd.s32 $0x2F, v12;
	v4 =	vld.idx.msk [tilespmem:v4+s4+$0x0], $0xffff  }
0x18a: {  	v9 =	vmul.f32 v9, v9;
	[tilespmem:$0x1FED0] =	vst v18;
	v63 =	vsub.f32 v33, v52;
	v52 =	vld [tilespmem:$0x1FD80]  }
0x18b: {  	v8 =	vadd.f32 v1, v8;
	v1 =	vmul.f32 v17, v17;
	v18 =	vld.idx.msk [tilespmem:v3+s4+$0x0], $0xffff;
	[tilespmem:$0x1FEB0] =	vst v5;
	v5 =	vadd.s32 $0x30, v7  }
0x18c: {  	v9 =	vadd.f32 v9, v6;
	v6 =	vmul.f32 v24, v24;
	v24 =	vsub.f32 v33, v19;
	v33 =	vld.idx.msk [tilespmem:v14+s4+$0x0], $0xffff  }
0x18d: {  	v38 =	vadd.f32 v23, v38;
	v49 =	vadd.s32 $0x30, v12;
	v19 =	vld [tilespmem:$0x1FDA0]  }
0x18e: {  	v1 =	vadd.f32 v1, v16;
	v17 =	vld.idx.msk [tilespmem:v15+s24+$0x0], $0xffff;
	v15 =	vadd.s32 $0x30, v11  }
0x18f: {  	v16 =	vmul.f32 v63, v63;
	[tilespmem:$0x1FEC0] =	vst v4;
	v4 =	vadd.f32 v6, v8;
	v63 =	vsub.f32 v38, v52;
	v8 =	vld [tilespmem:$0x1FD90]  }
0x190: {  	v23 =	vadd.s32 $0x30, v10;
	v52 =	vld.idx.msk [tilespmem:v5+s4+$0x0], $0xffff  }
0x191: {  	v14 =	vadd.s32 $0x31, v7;
	[tilespmem:$0x1FEF0] =	vst v33;
	v33 =	vmul.f32 v63, v63;
	v63 =	vld [tilespmem:$0x1FDB0]  }
0x192: {  	[tilespmem:$0x1FEE0] =	vst v18;
	v5 =	vadd.s32 $0x31, v12;
	v18 =	vld.idx.msk [tilespmem:v49+s24+$0x0], $0xffff;
	v6 =	vmul.f32 v24, v24;
	v24 =	vsub.f32 v38, v19  }
0x193: {  	v49 =	vld.idx.msk [tilespmem:v15+s4+$0x0], $0xffff;
	v15 =	vadd.s32 $0x31, v10  }
0x194: {  	v53 =	vadd.f32 v53, v8;
	v38 =	vadd.s32 $0x32, v7;
	v8 =	vmul.f32 v24, v24;
	v24 =	vld [tilespmem:$0x1FDC0]  }
0x195: {  	v21 =	vadd.f32 v21, v40;
	v9 =	vadd.f32 v6, v9;
	v19 =	vld.idx.msk [tilespmem:v23+s4+$0x0], $0xffff  }
0x196: {  	v23 =	vld.idx.msk [tilespmem:v14+s4+$0x0], $0xffff;
	v6 =	vadd.f32 v33, v1;
	v33 =	vsub.f32 v53, v63  }
0x197: {  	v40 =	vsub.f32 v21, v54;
	v13 =	vadd.f32 v16, v13;
	v14 =	vadd.s32 $0x32, v12;
	v16 =	vld.idx.msk [tilespmem:v5+s24+$0x0], $0xffff  }
0x198: {  	v54 =	vld.idx.msk [tilespmem:v15+s4+$0x0], $0xffff;
	v33 =	vmul.f32 v33, v33  }
0x199: {  	v40 =	vmul.f32 v40, v40;
	v0 =	vadd.s32 $0x31, v11;
	v63 =	vsub.f32 v53, v24;
	v24 =	vld.idx.msk [tilespmem:v38+s4+$0x0], $0xffff  }
0x19a: {  	v2 =	vadd.s32 $0x32, v10;
	v15 =	vadd.s32 $0x33, v7;
	v13 =	vadd.f32 v33, v13;
	v33 =	vld [tilespmem:$0x1FDD0]  }
0x19b: {  	v4 =	vadd.f32 v8, v4;
	v6 =	vadd.f32 v40, v6;
	v40 =	vld [tilespmem:$0x1FDF0];
	v8 =	vmul.f32 v63, v63  }
0x19c: {  	v61 =	vadd.f32 v61, v55;
	v1 =	vadd.s32 $0x32, v11;
	v55 =	vld.idx.msk [tilespmem:v14+s24+$0x0], $0xffff  }
0x19d: {  	v38 =	vadd.s32 $0x33, v12;
	v9 =	vadd.f32 v8, v9;
	v8 =	vld [tilespmem:$0x1FDE0]  }
0x19e: {  	v14 =	vadd.s32 $0x33, v11;
	v53 =	vld.idx.msk [tilespmem:v0+s4+$0x0], $0xffff  }
0x19f: {  	v29 =	vadd.f32 v41, v29;
	v3 =	vadd.s32 $0x33, v10;
	[tilespmem:$0x1FF00] =	vst v24;
	v24 =	vld.idx.msk [tilespmem:v2+s4+$0x0], $0xffff;
	v63 =	vsub.f32 v21, v33  }
0x1a0: {  	v41 =	vld.idx.msk [tilespmem:v15+s4+$0x0], $0xffff  }
0x1a1: {  	v21 =	vld.idx.msk [tilespmem:v1+s4+$0x0], $0xffff;
	v33 =	vmul.f32 v63, v63;
	v63 =	vsub.f32 v29, v39  }
0x1a2: {  	v2 =	vadd.s32 $0x34, v7;
	v1 =	vsub.f32 v61, v40;
	v0 =	vsub.f32 v61, v8;
	v61 =	vld.idx.msk [tilespmem:v38+s24+$0x0], $0xffff  }
0x1a3: {  	v15 =	vadd.s32 $0x34, v12;
	v39 =	vld.idx.msk [tilespmem:v14+s4+$0x0], $0xffff;
	v5 =	vadd.f32 v33, v4;
	v33 =	vmul.f32 v63, v63  }
0x1a4: {  	v38 =	vadd.s32 $0x34, v11;
	[tilespmem:$0x1FF10] =	vst v24;
	v24 =	vld.idx.msk [tilespmem:v3+s4+$0x0], $0xffff  }
0x1a5: {  	v14 =	vadd.s32 $0x34, v10;
	v6 =	vadd.f32 v33, v6;
	v33 =	vld [tilespmem:$0x1FE10]  }
0x1a6: {  	v3 =	vadd.f32 v62, v30;
	v30 =	vld [tilespmem:$0x1FE00]  }
0x1a7: {  	v40 =	vld.idx.msk [tilespmem:v2+s4+$0x0], $0xffff  }
0x1a8: {  	v62 =	vld.idx.msk [tilespmem:v15+s24+$0x0], $0xffff  }
0x1a9: {  	v0 =	vmul.f32 v0, v0;
	v15 =	vld.idx.msk [tilespmem:v38+s4+$0x0], $0xffff  }
0x1aa: {  	v8 =	vmul.f32 v1, v1;
	v1 =	vadd.s32 $0x35, v7;
	[tilespmem:$0x1FF20] =	vst v24;
	v24 =	vld.idx.msk [tilespmem:v14+s4+$0x0], $0xffff;
	v63 =	vsub.f32 v3, v33  }
0x1ab: {  	v2 =	vadd.s32 $0x35, v12;
	v13 =	vadd.f32 v0, v13;
	v0 =	vsub.f32 v29, v30;
	v30 =	vld [tilespmem:$0x1FE30]  }
0x1ac: {  	v33 =	vmul.f32 v63, v63;
	v63 =	vld [tilespmem:$0x1FE40]  }
0x1ad: {  	v38 =	vadd.s32 $0x35, v10;
	v29 =	vld [tilespmem:$0x1FE20]  }
0x1ae: {  	v25 =	vadd.f32 v25, v44;
	v0 =	vmul.f32 v0, v0  }
0x1af: {  	v44 =	vld.idx.msk [tilespmem:v1+s4+$0x0], $0xffff  }
0x1b0: {  	[tilespmem:$0x1FF30] =	vst v15;
	v5 =	vadd.f32 v0, v5;
	v15 =	vld.idx.msk [tilespmem:v2+s24+$0x0], $0xffff;
	v0 =	vsub.f32 v25, v30  }
0x1b1: {  	v4 =	vadd.s32 $0x35, v11;
	v13 =	vadd.f32 v33, v13;
	v33 =	vadd.f32 v26, v63;
	v26 =	vld [tilespmem:$0x1FE50]  }
0x1b2: {  	v1 =	vadd.s32 $0x36, v12;
	[tilespmem:$0x1FF40] =	vst v24;
	v3 =	vsub.f32 v3, v29;
	v24 =	vld.idx.msk [tilespmem:v38+s4+$0x0], $0xffff;
	v0 =	vmul.f32 v0, v0  }
0x1b3: {  	v9 =	vadd.f32 v8, v9;
	v2 =	vadd.s32 $0x36, v11;
	v30 =	vld [tilespmem:$0x1FE60]  }
0x1b4: {  	v3 =	vmul.f32 v3, v3;
	v8 =	vadd.f32 v0, v6;
	v0 =	vadd.s32 $0x37, v11  }
0x1b5: {  	v37 =	vadd.f32 v45, v37;
	v14 =	vadd.s32 $0x36, v7  }
0x1b6: {  	v29 =	vld.idx.msk [tilespmem:v4+s4+$0x0], $0xffff;
	v3 =	vadd.f32 v3, v9;
	v9 =	vsub.f32 v25, v26  }
0x1b7: {  	v4 =	vadd.s32 $0x36, v10;
	[tilespmem:$0x1FF50] =	vst v24;
	v24 =	vld.idx.msk [tilespmem:v1+s24+$0x0], $0xffff  }
0x1b8: {  	v1 =	vsub.f32 v37, v46;
	v63 =	vsub.f32 v33, v30;
	v30 =	vld.idx.msk [tilespmem:v2+s4+$0x0], $0xffff;
	v9 =	vmul.f32 v9, v9  }
0x1b9: {  	v28 =	vadd.f32 v28, v32;
	v32 =	vld.idx.msk [tilespmem:v0+s4+$0x0], $0xffff;
	v25 =	vadd.s32 $0x37, v12  }
0x1ba: {  	v0 =	vadd.s32 $0x38, v10;
	v26 =	vld.idx.msk [tilespmem:v14+s4+$0x0], $0xffff;
	v5 =	vadd.f32 v9, v5;
	v9 =	vmul.f32 v1, v1  }
0x1bb: {  	v2 =	vadd.s32 $0x37, v10;
	v14 =	vld [tilespmem:$0x1FE70]  }
0x1bc: {  	v36 =	vadd.f32 v34, v36;
	v34 =	vld [tilespmem:$0x1FE80];
	v8 =	vadd.f32 v9, v8;
	v9 =	vadd.s32 $0x39, v12  }
0x1bd: {  	v45 =	vld.idx.msk [tilespmem:v4+s4+$0x0], $0xffff  }
0x1be: {  	v33 =	vsub.f32 v33, v43;
	v6 =	vmul.f32 v63, v63;
	v46 =	vld.idx.msk [tilespmem:v25+s24+$0x0], $0xffff;
	v25 =	vadd.s32 $0x38, v11  }
0x1bf: {  	v0 =	vld.idx.msk [tilespmem:v0+s4+$0x0], $0xffff  }
0x1c0: {  	v63 =	vmul.f32 v33, v33;
	v6 =	vadd.f32 v6, v13;
	v13 =	vsub.f32 v37, v14;
	v37 =	vld.idx.msk [tilespmem:v2+s4+$0x0], $0xffff  }
0x1c1: {  	v47 =	vsub.f32 v36, v47;
	v22 =	vadd.f32 v22, v56;
	v2 =	vadd.s32 $0x39, v7;
	v56 =	vld.idx.msk [tilespmem:v9+s24+$0x0], $0xffff  }
0x1c2: {  	v4 =	vadd.s32 $0x38, v7;
	v3 =	vadd.f32 v63, v3;
	v63 =	vsub.f32 v28, v51;
	v9 =	vld [tilespmem:$0x1FE90]  }
0x1c3: {  	v28 =	vsub.f32 v28, v34;
	v34 =	vld.idx.msk [tilespmem:v25+s4+$0x0], $0xffff;
	v25 =	vadd.s32 $0x39, v10  }
0x1c4: {  	v47 =	vmul.f32 v47, v47;
	v33 =	vmul.f32 v63, v63  }
0x1c5: {  	v48 =	vsub.f32 v22, v48;
	v57 =	vsub.f32 v22, v57;
	[tilespmem:$0x1FF70] =	vst v0;
	v0 =	vadd.s32 $0x3A, v7  }
0x1c6: {  	v63 =	vmul.f32 v28, v28;
	v6 =	vadd.f32 v33, v6;
	v28 =	vld.idx.msk [tilespmem:v2+s4+$0x0], $0xffff;
	v2 =	vadd.s32 $0x3A, v12  }
0x1c7: {  	[tilespmem:$0x1FF60] =	vst v37;
	v37 =	vld.idx.msk [tilespmem:v4+s4+$0x0], $0xffff;
	v14 =	vsub.f32 v36, v9;
	v9 =	vmul.f32 v48, v48  }
0x1c8: {  	v27 =	vadd.f32 v27, v58;
	v47 =	vadd.f32 v47, v8;
	v8 =	vld.idx.msk [tilespmem:v25+s4+$0x0], $0xffff;
	v25 =	vadd.s32 $0x3B, v7  }
0x1c9: {  	v9 =	vadd.f32 v9, v6;
	v6 =	vld [tilespmem:$0x1FEA0]  }
0x1ca: {  	v22 =	vld.idx.msk [tilespmem:v0+s4+$0x0], $0xffff;
	v0 =	vmul.f32 v57, v57;
	v57 =	vsub.f32 v27, v42  }
0x1cb: {  	v48 =	vld.idx.msk [tilespmem:v2+s24+$0x0], $0xffff  }
0x1cc: {  	v4 =	vadd.s32 $0x3A, v11;
	v1 =	vmul.f32 v57, v57;
	v57 =	vld [tilespmem:$0x1FEC0]  }
0x1cd: {  	v2 =	vadd.s32 $0x3B, v11;
	v58 =	vld.idx.msk [tilespmem:v25+s4+$0x0], $0xffff  }
0x1ce: {  	v13 =	vmul.f32 v13, v13;
	v25 =	vsub.f32 v27, v6;
	v6 =	vadd.f32 v1, v47;
	v47 =	vld [tilespmem:$0x1FEB0]  }
0x1cf: {  	v50 =	vadd.s32 $0x2F, v7  }
0x1d0: {  	v38 =	vadd.s32 $0x37, v7;
	v13 =	vadd.f32 v13, v5;
	v33 =	vmul.f32 v14, v14  }
0x1d1: {  	v5 =	vadd.f32 v63, v3;
	v3 =	vadd.s32 $0x3B, v12;
	v42 =	vld.idx.msk [tilespmem:v4+s4+$0x0], $0xffff;
	v14 =	vadd.f32 v59, v35  }
0x1d2: {  	v4 =	vadd.s32 $0x3B, v10;
	v13 =	vadd.f32 v33, v13;
	v35 =	vld.idx.msk [tilespmem:v2+s4+$0x0], $0xffff  }
0x1d3: {  	v33 =	vadd.s32 $0x3C, v7;
	v27 =	vsub.f32 v14, v57;
	v2 =	vsub.f32 v14, v47;
	v14 =	vld [tilespmem:$0x1FED0]  }
0x1d4: {  	v50 =	vld.idx.msk [tilespmem:v50+s4+$0x0], $0xffff  }
0x1d5: {  	v43 =	vld.idx.msk [tilespmem:v38+s4+$0x0], $0xffff  }
0x1d6: {  	v20 =	vadd.f32 v20, v31;
	v59 =	vld.idx.msk [tilespmem:v3+s24+$0x0], $0xffff  }
0x1d7: {  	v38 =	vadd.s32 $0x38, v12;
	v31 =	vld.idx.msk [tilespmem:v4+s4+$0x0], $0xffff  }
0x1d8: {  	v60 =	vsub.f32 v20, v60;
	v4 =	vsub.f32 v20, v14;
	v20 =	vld.idx.msk [tilespmem:v33+s4+$0x0], $0xffff  }
0x1d9: {  	v3 =	vadd.s32 $0x3C, v11;
	v33 =	vld [tilespmem:$0x1FEE0]  }
0x1da: {  	[tilespmem:$0x1FF80] =	vst v8;
	v8 =	vadd.f32 v0, v5;
	v5 =	vadd.s32 $0x3C, v12;
	_ =	sdelay $0x1  }
0x1db: {  	v17 =	vadd.f32 v17, v50;
	v51 =	vld.idx.msk [tilespmem:v38+s24+$0x0], $0xffff;
	v38 =	vadd.s32 $0x39, v11;
	v25 =	vmul.f32 v25, v25  }
0x1dc: {  	v50 =	vadd.s32 $0x3D, v11;
	v16 =	vadd.f32 v16, v23  }
0x1dd: {  	v57 =	vld.idx.msk [tilespmem:v3+s4+$0x0], $0xffff;
	v13 =	vadd.f32 v25, v13;
	v47 =	vadd.s32 $0x3D, v7;
	v25 =	vsub.f32 v17, v33  }
0x1de: {  	v53 =	vsub.f32 v16, v53;
	v14 =	vld.idx.msk [tilespmem:v5+s24+$0x0], $0xffff  }
0x1df: {  	v3 =	vadd.s32 $0x3D, v10;
	v0 =	vmul.f32 v2, v2;
	v5 =	vmul.f32 v25, v25;
	v25 =	vld [tilespmem:$0x1FEF0]  }
0x1e0: {  	v36 =	vld.idx.msk [tilespmem:v38+s4+$0x0], $0xffff;
	v38 =	vadd.s32 $0x3C, v10;
	v1 =	vadd.s32 $0x3D, v12;
	v27 =	vmul.f32 v27, v27  }
0x1e1: {  	v50 =	vld.idx.msk [tilespmem:v50+s4+$0x0], $0xffff;
	v2 =	vmul.f32 v60, v60;
	v60 =	vadd.f32 v18, v52;
	v0 =	vadd.f32 v0, v9  }
0x1e2: {  	v16 =	vsub.f32 v16, v54;
	v9 =	vadd.f32 v27, v8;
	v8 =	vld.idx.msk [tilespmem:v47+s4+$0x0], $0xffff  }
0x1e3: {  	v47 =	vsub.f32 v60, v49;
	v4 =	vmul.f32 v4, v4;
	v0 =	vadd.f32 v5, v0;
	v5 =	vld [tilespmem:s1+$0x0]  }
0x1e4: {  	v63 =	vadd.s32 $0x3A, v10;
	v18 =	vld.idx.msk [tilespmem:v3+s4+$0x0], $0xffff;
	v3 =	vadd.s32 $0x3E, v7;
	v27 =	vsub.f32 v17, v25  }
0x1e5: {  	v4 =	vadd.f32 v4, v6;
	v6 =	vsub.f32 v60, v19;
	v33 =	vld.idx.msk [tilespmem:v38+s4+$0x0], $0xffff;
	v17 =	vmul.f32 v47, v47  }
0x1e6: {  	v15 =	vadd.f32 v15, v44;
	v38 =	vld.idx.msk [tilespmem:v1+s24+$0x0], $0xffff;
	v1 =	vadd.f32 v2, v13;
	v13 =	vmul.f32 v27, v27  }
0x1e7: {  	v54 =	vld [tilespmem:$0x1FF00];
	v60 =	vadd.s32 $0x3F, v7;
	v52 =	vmul.f32 v6, v6;
	v4 =	vadd.f32 v17, v4  }
0x1e8: {  	v44 =	vld [tilespmem:$0x1FF40];
	v17 =	vmul.f32 v53, v53;
	v9 =	vadd.f32 v13, v9;
	v13 =	vmul.u32 $0x41, v5  }
0x1e9: {  	v63 =	vld.idx.msk [tilespmem:v63+s4+$0x0], $0xffff  }
0x1ea: {  	v23 =	vld.idx.msk [tilespmem:v3+s4+$0x0], $0xffff;
	v2 =	vadd.f32 v52, v1;
	v1 =	vadd.f32 v17, v0;
	v17 =	vadd.s32 $0x1, v13  }
0x1eb: {  	v7 =	vld [tilespmem:s17+$0x0]  }
0x1ec: {  	v55 =	vadd.f32 v55, v54;
	v54 =	vld.idx.msk [tilespmem:v60+s4+$0x0], $0xffff  }
0x1ed: {  	v16 =	vmul.f32 v16, v16;
	v41 =	vadd.f32 v61, v41;
	v60 =	vld [tilespmem:$0x1FF10];
	v25 =	vadd.s32 $0x3F, v10  }
0x1ee: {  	v27 =	vld [tilespmem:s2+$0x0]  }
0x1ef: {  	v39 =	vsub.f32 v41, v39;
	v49 =	vadd.s32 $0x3E, v11;
	v9 =	vadd.f32 v16, v9;
	v16 =	vld.idx.msk [tilespmem:v17+s4+$0x0], $0xffff  }
0x1f0: {  	v19 =	vadd.s32 $0x3E, v12;
	v17 =	vld [tilespmem:$0x1FF20]  }
0x1f1: {  	v21 =	vsub.f32 v55, v21;
	v39 =	vmul.f32 v39, v39;
	v6 =	vld [tilespmem:s18+$0x0];
	v47 =	vadd.s32 $0x3E, v10  }
0x1f2: {  	v3 =	vadd.s32 $0x3F, v12;
	v0 =	vsub.f32 v55, v60;
	v60 =	vld.idx.msk [tilespmem:v25+s4+$0x0], $0xffff  }
0x1f3: {  	v21 =	vmul.f32 v21, v21;
	[tilespmem:$0x1FFF0] =	vst v5;
	v25 =	vadd.s32 $0x2, v13;
	v5 =	vadd.f32 v39, v1;
	v39 =	vld [tilespmem:$0x1FF30]  }
0x1f4: {  	v40 =	vadd.f32 v62, v40;
	v24 =	vadd.f32 v24, v26;
	v49 =	vld.idx.msk [tilespmem:v49+s4+$0x0], $0xffff;
	v12 =	vmul.u32 $0x41, v27  }
0x1f5: {  	v29 =	vsub.f32 v15, v29;
	v53 =	vld.idx.msk [tilespmem:v19+s24+$0x0], $0xffff;
	v19 =	vadd.s32 $0x3F, v11;
	v41 =	vsub.f32 v41, v17  }
0x1f6: {  	v30 =	vsub.f32 v24, v30;
	v52 =	vld.idx.msk [tilespmem:v47+s4+$0x0], $0xffff;
	v47 =	vmul.f32 v0, v0;
	v0 =	vadd.s32 $0x2, v12  }
0x1f7: {  	v61 =	vld.idx.msk [tilespmem:v3+s24+$0x0], $0xffff;
	v10 =	vmul.u32 $0x41, v6;
	v27 =	vadd.s32 $0x1, v12;
	v41 =	vmul.f32 v41, v41  }
0x1f8: {  	v62 =	vadd.s32 $0x3, v13;
	v2 =	vadd.f32 v47, v2;
	v47 =	vsub.f32 v40, v39;
	v39 =	vld.idx.msk [tilespmem:v25+s4+$0x0], $0xffff  }
0x1f9: {  	v3 =	vadd.s32 $0x1, v10;
	v25 =	vsub.f32 v40, v44;
	v9 =	vadd.f32 v41, v9;
	v41 =	vld [tilespmem:$0x1FF50]  }
0x1fa: {  	v24 =	vsub.f32 v24, v45;
	v4 =	vadd.f32 v21, v4;
	v55 =	vld.idx.msk [tilespmem:v19+s4+$0x0], $0xffff  }
0x1fb: {  	[tilespmem:$0x1FFB0] =	vst v6;
	v47 =	vmul.f32 v47, v47;
	v6 =	vmul.f32 v25, v25;
	v44 =	vld.idx.msk [tilespmem:v0+s24+$0x0], $0xffff;
	v0 =	vadd.s32 $0x3, v10  }
0x1fc: {  	v45 =	vmul.f32 v24, v24;
	v11 =	vmul.u32 $0x41, v7;
	v21 =	vld.idx.msk [tilespmem:v27+s24+$0x0], $0xffff;
	v27 =	vadd.s32 $0x2, v10  }
0x1fd: {  	v26 =	vld.idx.msk [tilespmem:v62+s4+$0x0], $0xffff;
	v4 =	vadd.f32 v47, v4;
	v47 =	vadd.s32 $0x4, v12;
	v6 =	vadd.f32 v6, v2  }
0x1fe: {  	v29 =	vmul.f32 v29, v29;
	v17 =	vld.idx.msk [tilespmem:v3+s4+$0x0], $0xffff;
	v15 =	vsub.f32 v15, v41  }
0x1ff: {  	v46 =	vadd.f32 v46, v43;
	v3 =	vadd.s32 $0x2, v11;
	v6 =	vadd.f32 v45, v6;
	v45 =	vld [tilespmem:$0x1FF60]  }
0x200: {  	v5 =	vadd.f32 v29, v5;
	v29 =	vld.idx.msk [tilespmem:v0+s4+$0x0], $0xffff;
	v0 =	vadd.s32 $0x4, v11;
	v62 =	vmul.f32 v15, v15  }
0x201: {  	v53 =	vadd.f32 v53, v23;
	v40 =	vld.idx.msk [tilespmem:v27+s4+$0x0], $0xffff;
	v27 =	vadd.s32 $0x3, v11  }
0x202: {  	v32 =	vsub.f32 v46, v32;
	v9 =	vadd.f32 v62, v9;
	v62 =	vld.idx.msk [tilespmem:v47+s24+$0x0], $0xffff;
	v47 =	vadd.s32 $0x5, v10  }
0x203: {  	v30 =	vmul.f32 v30, v30;
	v49 =	vsub.f32 v53, v49;
	v52 =	vsub.f32 v53, v52;
	v53 =	vld.idx.msk [tilespmem:v10+s4+$0x0], $0xffff  }
0x204: {  	v32 =	vmul.f32 v32, v32;
	v1 =	vadd.s32 $0x3, v12;
	v25 =	vld.idx.msk [tilespmem:v3+s4+$0x0], $0xffff  }
0x205: {  	v51 =	vadd.f32 v51, v37;
	v4 =	vadd.f32 v30, v4;
	v3 =	vadd.s32 $0x4, v13;
	v30 =	vld.idx.msk [tilespmem:v0+s4+$0x0], $0xffff  }
0x206: {  	v56 =	vadd.f32 v56, v28;
	v46 =	vsub.f32 v46, v45;
	v15 =	vld.idx.msk [tilespmem:v27+s4+$0x0], $0xffff;
	v27 =	vadd.s32 $0x5, v13  }
0x207: {  	v19 =	vadd.s32 $0x1, v11;
	v5 =	vadd.f32 v32, v5;
	v32 =	vsub.f32 v51, v34;
	v34 =	vld.idx.msk [tilespmem:v47+s4+$0x0], $0xffff  }
0x208: {  	v28 =	vmul.f32 v46, v46;
	v46 =	vadd.s32 $0x6, v11;
	v0 =	vsub.f32 v56, v36;
	v47 =	vld [tilespmem:$0x1FF70]  }
0x209: {  	v41 =	vld.idx.msk [tilespmem:v1+s24+$0x0], $0xffff;
	v1 =	vadd.s32 $0x4, v10  }
0x20a: {  	v48 =	vadd.f32 v48, v22;
	v43 =	vld.idx.msk [tilespmem:v3+s4+$0x0], $0xffff;
	v3 =	vadd.s32 $0x5, v12;
	v0 =	vmul.f32 v0, v0  }
0x20b: {  	v32 =	vmul.f32 v32, v32;
	v37 =	vld.idx.msk [tilespmem:v27+s4+$0x0], $0xffff;
	v27 =	vadd.s32 $0x6, v12  }
0x20c: {  	v19 =	vld.idx.msk [tilespmem:v19+s4+$0x0], $0xffff;
	v0 =	vadd.f32 v0, v5;
	v5 =	vsub.f32 v48, v42  }
0x20d: {  	v2 =	vadd.s32 $0x6, v13;
	v4 =	vadd.f32 v32, v4;
	v22 =	vld.idx.msk [tilespmem:v46+s4+$0x0], $0xffff;
	v47 =	vsub.f32 v51, v47  }
0x20e: {  	v48 =	vsub.f32 v48, v63;
	v24 =	vld.idx.msk [tilespmem:v1+s4+$0x0], $0xffff;
	v1 =	vadd.s32 $0x5, v11;
	v5 =	vmul.f32 v5, v5  }
0x20f: {  	v14 =	vadd.f32 v14, v20;
	v45 =	vld.idx.msk [tilespmem:v3+s24+$0x0], $0xffff;
	v3 =	vadd.s32 $0x6, v10;
	v47 =	vmul.f32 v47, v47  }
0x210: {  	v5 =	vadd.f32 v5, v4;
	v4 =	vmul.f32 v48, v48;
	v48 =	vadd.s32 $0x9, v12;
	v36 =	vld.idx.msk [tilespmem:v27+s24+$0x0], $0xffff  }
0x211: {  	v57 =	vsub.f32 v14, v57;
	v27 =	vadd.s32 $0x7, v10;
	v6 =	vadd.f32 v47, v6;
	v47 =	vld [tilespmem:$0x1FF80]  }
0x212: {  	v14 =	vsub.f32 v14, v33;
	v9 =	vadd.f32 v28, v9;
	v28 =	vld.idx.msk [tilespmem:v2+s4+$0x0], $0xffff;
	v51 =	vadd.s32 $0x7, v13  }
0x213: {  	v54 =	vadd.f32 v61, v54;
	v63 =	vadd.s32 $0x8, v11;
	v1 =	vld.idx.msk [tilespmem:v1+s4+$0x0], $0xffff  }
0x214: {  	v14 =	vmul.f32 v14, v14;
	v2 =	vadd.s32 $0x7, v12;
	v32 =	vld.idx.msk [tilespmem:v3+s4+$0x0], $0xffff;
	v6 =	vadd.f32 v4, v6  }
0x215: {  	v61 =	vsub.f32 v54, v60;
	v60 =	vmul.f32 v52, v52;
	v3 =	vadd.s32 $0x7, v11;
	v48 =	vld.idx.msk [tilespmem:v48+s24+$0x0], $0xffff  }
0x216: {  	v46 =	vld.idx.msk [tilespmem:v27+s4+$0x0], $0xffff;
	v6 =	vadd.f32 v14, v6;
	v47 =	vsub.f32 v56, v47;
	v56 =	vadd.s32 $0x8, v13  }
0x217: {  	v58 =	vadd.f32 v59, v58;
	v42 =	vld.idx.msk [tilespmem:v51+s4+$0x0], $0xffff;
	v51 =	vadd.s32 $0x8, v12  }
0x218: {  	v4 =	vld.idx.msk [tilespmem:v63+s4+$0x0], $0xffff;
	v6 =	vadd.f32 v60, v6;
	v60 =	vadd.s32 $0xC, v10;
	v59 =	vmul.f32 v47, v47  }
0x219: {  	v47 =	vld.idx.msk [tilespmem:v2+s24+$0x0], $0xffff;
	v2 =	vadd.s32 $0x8, v10  }
0x21a: {  	v59 =	vadd.f32 v59, v9;
	v9 =	vld.idx.msk [tilespmem:v3+s4+$0x0], $0xffff;
	v3 =	vadd.s32 $0x9, v13  }
0x21b: {  	v35 =	vsub.f32 v58, v35;
	v27 =	vld.idx.msk [tilespmem:v56+s4+$0x0], $0xffff  }
0x21c: {  	v56 =	vsub.f32 v58, v31;
	v31 =	vld.idx.msk [tilespmem:v51+s24+$0x0], $0xffff;
	v51 =	vadd.s32 $0x9, v10  }
0x21d: {  	v35 =	vmul.f32 v35, v35;
	v16 =	vadd.f32 v21, v16;
	v58 =	vadd.s32 $0xA, v13;
	v21 =	vld.idx.msk [tilespmem:v60+s4+$0x0], $0xffff  }
0x21e: {  	v20 =	vld.idx.msk [tilespmem:v2+s4+$0x0], $0xffff;
	v2 =	vadd.s32 $0x9, v11;
	v56 =	vmul.f32 v56, v56  }
0x21f: {  	v0 =	vadd.f32 v35, v0;
	v35 =	vld.idx.msk [tilespmem:v3+s4+$0x0], $0xffff;
	v3 =	vadd.f32 v38, v8;
	v38 =	vadd.s32 $0xA, v10  }
0x220: {  	v56 =	vadd.f32 v56, v59;
	v59 =	vmul.f32 v57, v57;
	v8 =	vadd.s32 $0xA, v11;
	v57 =	vld.idx.msk [tilespmem:v13+s4+$0x0], $0xffff  }
0x221: {  	v55 =	vsub.f32 v54, v55;
	v43 =	vadd.f32 v62, v43;
	v63 =	vadd.s32 $0xA, v12;
	v33 =	vld.idx.msk [tilespmem:v51+s4+$0x0], $0xffff  }
0x222: {  	v50 =	vsub.f32 v3, v50;
	v18 =	vsub.f32 v3, v18;
	v3 =	vld.idx.msk [tilespmem:v58+s4+$0x0], $0xffff  }
0x223: {  	v55 =	vmul.f32 v55, v55;
	v51 =	vadd.s32 $0xB, v13;
	v2 =	vld.idx.msk [tilespmem:v2+s4+$0x0], $0xffff  }
0x224: {  	v30 =	vsub.f32 v43, v30;
	v45 =	vadd.f32 v45, v37;
	v14 =	vmul.f32 v50, v50;
	v23 =	vld.idx.msk [tilespmem:v38+s4+$0x0], $0xffff  }
0x225: {  	v5 =	vadd.f32 v59, v5;
	v50 =	vmul.f32 v18, v18;
	v38 =	vld.idx.msk [tilespmem:v8+s4+$0x0], $0xffff;
	v8 =	vadd.s32 $0xB, v10  }
0x226: {  	v58 =	vadd.s32 $0xB, v11;
	v18 =	vld.idx.msk [tilespmem:v63+s24+$0x0], $0xffff;
	v63 =	vmul.f32 v49, v49;
	v0 =	vadd.f32 v14, v0  }
0x227: {  	v61 =	vmul.f32 v61, v61;
	v1 =	vsub.f32 v45, v1;
	v14 =	vadd.f32 v50, v56;
	v56 =	vld.idx.msk [tilespmem:v12+s24+$0x0], $0xffff  }
0x228: {  	v54 =	vadd.s32 $0xC, v12;
	v49 =	vld.idx.msk [tilespmem:v51+s4+$0x0], $0xffff;
	v5 =	vadd.f32 v63, v5;
	v0 =	vadd.f32 v55, v0  }
0x229: {  	v41 =	vadd.f32 v41, v26;
	v59 =	vadd.s32 $0xC, v13;
	v52 =	vadd.f32 v61, v14;
	v55 =	vld.idx.msk [tilespmem:v11+s4+$0x0], $0xffff  }
0x22a: {  	v30 =	vmul.f32 v30, v30;
	v1 =	vmul.f32 v1, v1;
	v14 =	vadd.f32 v0, v5;
	v51 =	vld.idx.msk [tilespmem:v8+s4+$0x0], $0xffff  }
0x22b: {  	v50 =	vadd.s32 $0xB, v12;
	v5 =	vadd.f32 v52, v6;
	v6 =	vadd.f32 v44, v39;
	v39 =	vld.idx.msk [tilespmem:v58+s4+$0x0], $0xffff  }
0x22c: {  	v60 =	vsub.f32 v16, v19;
	v19 =	vsub.f32 v41, v29;
	v63 =	vadd.s32 $0xC, v11;
	v58 =	vld [tilespmem:$0x1FFA0]  }
0x22d: {  	v47 =	vadd.f32 v47, v42;
	v52 =	vadd.s32 $0xD, v13;
	v0 =	vadd.f32 v56, v57;
	v57 =	vld [tilespmem:$0x1FF90]  }
0x22e: {  	v62 =	vmul.f32 v19, v19;
	v60 =	vmul.f32 v60, v60;
	v44 =	vld.idx.msk [tilespmem:v59+s4+$0x0], $0xffff;
	v56 =	vadd.s32 $0xE, v13  }
0x22f: {  	v46 =	vsub.f32 v47, v46;
	v61 =	vsub.f32 v6, v40;
	v40 =	vld.idx.msk [tilespmem:v54+s24+$0x0], $0xffff;
	v54 =	vadd.s32 $0xD, v10  }
0x230: {  	v59 =	vsub.f32 v16, v17;
	v50 =	vld.idx.msk [tilespmem:v50+s24+$0x0], $0xffff;
	v6 =	vsub.f32 v6, v25;
	v25 =	vadd.s32 $0xE, v10  }
0x231: {  	v17 =	vld.idx.msk [tilespmem:v63+s4+$0x0], $0xffff;
	v53 =	vsub.f32 v0, v53;
	v0 =	vsub.f32 v0, v55;
	v55 =	vadd.s32 $0xD, v11  }
0x232: {  	v47 =	vsub.f32 v47, v9;
	v26 =	vld.idx.msk [tilespmem:v52+s4+$0x0], $0xffff;
	v8 =	vsub.f32 v57, v58;
	v57 =	vadd.s32 $0xD, v12  }
0x233: {  	v31 =	vadd.f32 v31, v27;
	v58 =	vmul.f32 v61, v61;
	v61 =	vadd.s32 $0xE, v12;
	v19 =	vld.idx.msk [tilespmem:v56+s4+$0x0], $0xffff  }
0x234: {  	v6 =	vmul.f32 v6, v6;
	v0 =	vmul.f32 v0, v0;
	v56 =	vadd.s32 $0xF, v12;
	v29 =	vld.idx.msk [tilespmem:v54+s4+$0x0], $0xffff  }
0x235: {  	v46 =	vmul.f32 v46, v46;
	v53 =	vmul.f32 v53, v53;
	v54 =	vadd.s32 $0xE, v11;
	v25 =	vld.idx.msk [tilespmem:v25+s4+$0x0], $0xffff  }
0x236: {  	v6 =	vadd.f32 v6, v0;
	v0 =	vsub.f32 v41, v15;
	v15 =	vadd.s32 $0xF, v10;
	v16 =	vld.idx.msk [tilespmem:v55+s4+$0x0], $0xffff  }
0x237: {  	v47 =	vmul.f32 v47, v47;
	v63 =	vmul.f32 v59, v59;
	v59 =	vadd.s32 $0xF, v11;
	v52 =	vld.idx.msk [tilespmem:v57+s24+$0x0], $0xffff  }
0x238: {  	v53 =	vadd.f32 v58, v53;
	v55 =	vadd.s32 $0xF, v13;
	v58 =	vsub.f32 v43, v24;
	v41 =	vld.idx.msk [tilespmem:v61+s24+$0x0], $0xffff  }
0x239: {  	v35 =	vadd.f32 v48, v35;
	v3 =	vadd.f32 v18, v3;
	v43 =	vld.idx.msk [tilespmem:v56+s24+$0x0], $0xffff;
	v56 =	vadd.s32 $0x10, v10  }
0x23a: {  	v0 =	vmul.f32 v0, v0;
	v58 =	vmul.f32 v58, v58;
	v24 =	vld.idx.msk [tilespmem:v54+s4+$0x0], $0xffff;
	v54 =	vadd.s32 $0x10, v13  }
0x23b: {  	v57 =	vadd.f32 v62, v63;
	v61 =	vsub.f32 v45, v34;
	v34 =	vld.idx.msk [tilespmem:v15+s4+$0x0], $0xffff;
	v15 =	vadd.s32 $0x10, v11  }
0x23c: {  	v60 =	vadd.f32 v0, v60;
	v0 =	vld.idx.msk [tilespmem:v59+s4+$0x0], $0xffff;
	v59 =	vadd.s32 $0x11, v13;
	v63 =	vadd.s32 $0x11, v12  }
0x23d: {  	v53 =	vadd.f32 v58, v53;
	v37 =	vld.idx.msk [tilespmem:v55+s4+$0x0], $0xffff;
	v58 =	vmul.f32 v61, v61;
	v61 =	vadd.f32 v36, v28  }
0x23e: {  	v33 =	vsub.f32 v35, v33;
	v6 =	vadd.f32 v30, v6;
	v62 =	vadd.s32 $0x12, v11;
	v30 =	vld.idx.msk [tilespmem:v56+s4+$0x0], $0xffff  }
0x23f: {  	v23 =	vsub.f32 v3, v23;
	v55 =	vadd.s32 $0x10, v12;
	v32 =	vsub.f32 v61, v32;
	v28 =	vld.idx.msk [tilespmem:v54+s4+$0x0], $0xffff  }
0x240: {  	v45 =	vadd.f32 v58, v57;
	v61 =	vsub.f32 v61, v22;
	v58 =	vadd.s32 $0x12, v12;
	v22 =	vld.idx.msk [tilespmem:v15+s4+$0x0], $0xffff  }
0x241: {  	v3 =	vsub.f32 v3, v38;
	v56 =	vadd.s32 $0x11, v11;
	v57 =	vmul.f32 v32, v32;
	v32 =	vld.idx.msk [tilespmem:v59+s4+$0x0], $0xffff  }
0x242: {  	v40 =	vadd.f32 v40, v44;
	v15 =	vadd.s32 $0x12, v13;
	v59 =	vadd.f32 v1, v60;
	v54 =	vld.idx.msk [tilespmem:v63+s24+$0x0], $0xffff  }
0x243: {  	v60 =	vadd.s32 $0x12, v10;
	v63 =	vsub.f32 v31, v20;
	v31 =	vsub.f32 v31, v4;
	v4 =	vld.idx.msk [tilespmem:v62+s4+$0x0], $0xffff  }
0x244: {  	v33 =	vmul.f32 v33, v33;
	v1 =	vmul.f32 v61, v61;
	v61 =	vadd.s32 $0x13, v10;
	v36 =	vld.idx.msk [tilespmem:v55+s24+$0x0], $0xffff  }
0x245: {  	v3 =	vmul.f32 v3, v3;
	v21 =	vsub.f32 v40, v21;
	v62 =	vadd.s32 $0x14, v13;
	v27 =	vld.idx.msk [tilespmem:v58+s24+$0x0], $0xffff  }
0x246: {  	v17 =	vsub.f32 v40, v17;
	v55 =	vadd.s32 $0x11, v10;
	v6 =	vadd.f32 v1, v6;
	v1 =	vld.idx.msk [tilespmem:v56+s4+$0x0], $0xffff  }
0x247: {  	v21 =	vmul.f32 v21, v21;
	v53 =	vadd.f32 v57, v53;
	v57 =	vadd.s32 $0x13, v11;
	v9 =	vld.idx.msk [tilespmem:v15+s4+$0x0], $0xffff  }
0x248: {  	v45 =	vadd.f32 v46, v45;
	v46 =	vmul.f32 v63, v63;
	v63 =	vadd.s32 $0x14, v12;
	v20 =	vld.idx.msk [tilespmem:v60+s4+$0x0], $0xffff  }
0x249: {  	v26 =	vadd.f32 v52, v26;
	v47 =	vadd.f32 v47, v59;
	v59 =	vadd.s32 $0x14, v11;
	v48 =	vld.idx.msk [tilespmem:v61+s4+$0x0], $0xffff  }
0x24a: {  	v33 =	vadd.f32 v33, v45;
	v45 =	vadd.f32 v50, v49;
	v49 =	vadd.s32 $0x15, v12;
	v18 =	vld.idx.msk [tilespmem:v62+s4+$0x0], $0xffff  }
0x24b: {  	v17 =	vmul.f32 v17, v17;
	v29 =	vsub.f32 v26, v29;
	v56 =	vadd.s32 $0x13, v13;
	v42 =	vld.idx.msk [tilespmem:v55+s4+$0x0], $0xffff  }
0x24c: {  	v16 =	vsub.f32 v26, v16;
	v15 =	vadd.s32 $0x13, v12;
	v61 =	vsub.f32 v35, v2;
	v2 =	vld.idx.msk [tilespmem:v57+s4+$0x0], $0xffff  }
0x24d: {  	v37 =	vadd.f32 v43, v37;
	v31 =	vmul.f32 v31, v31;
	v60 =	vadd.s32 $0x14, v10;
	v38 =	vld.idx.msk [tilespmem:v63+s24+$0x0], $0xffff  }
0x24e: {  	v58 =	vadd.s32 $0x16, v11;
	v35 =	vadd.s32 $0x15, v13;
	v63 =	vmul.f32 v23, v23;
	v23 =	vld.idx.msk [tilespmem:v59+s4+$0x0], $0xffff  }
0x24f: {  	v34 =	vsub.f32 v37, v34;
	v46 =	vadd.f32 v46, v53;
	v55 =	vadd.s32 $0x15, v10;
	v44 =	vld.idx.msk [tilespmem:v49+s24+$0x0], $0xffff  }
0x250: {  	v29 =	vmul.f32 v29, v29;
	v6 =	vadd.f32 v31, v6;
	v51 =	vsub.f32 v45, v51;
	v56 =	vld.idx.msk [tilespmem:v56+s4+$0x0], $0xffff  }
0x251: {  	v39 =	vsub.f32 v45, v39;
	v62 =	vmul.f32 v61, v61;
	v61 =	vadd.s32 $0x16, v13;
	v15 =	vld.idx.msk [tilespmem:v15+s24+$0x0], $0xffff  }
0x252: {  	v51 =	vmul.f32 v51, v51;
	v6 =	vadd.f32 v3, v6;
	v59 =	vadd.s32 $0x17, v13;
	v31 =	vld.idx.msk [tilespmem:v60+s4+$0x0], $0xffff  }
0x253: {  	v47 =	vadd.f32 v62, v47;
	v46 =	vadd.f32 v63, v46;
	v62 =	vadd.s32 $0x16, v12;
	v35 =	vld.idx.msk [tilespmem:v35+s4+$0x0], $0xffff  }
0x254: {  	v39 =	vmul.f32 v39, v39;
	v57 =	vadd.f32 v41, v19;
	v63 =	vadd.s32 $0x16, v10;
	v45 =	vld.idx.msk [tilespmem:v55+s4+$0x0], $0xffff  }
0x255: {  	v33 =	vadd.f32 v51, v33;
	v60 =	vadd.s32 $0x15, v11;
	v21 =	vadd.f32 v21, v46;
	v46 =	vld.idx.msk [tilespmem:v58+s4+$0x0], $0xffff  }
0x256: {  	v6 =	vadd.f32 v17, v6;
	v25 =	vsub.f32 v57, v25;
	v58 =	vadd.s32 $0x18, v12;
	v40 =	vld.idx.msk [tilespmem:v61+s4+$0x0], $0xffff  }
0x257: {  	v17 =	vsub.f32 v57, v24;
	v57 =	vmul.f32 v34, v34;
	v61 =	vadd.s32 $0x17, v10;
	v19 =	vld.idx.msk [tilespmem:v59+s4+$0x0], $0xffff  }
0x258: {  	v26 =	vadd.f32 v29, v33;
	v25 =	vmul.f32 v25, v25;
	v59 =	vadd.s32 $0x18, v10;
	v53 =	vld.idx.msk [tilespmem:v62+s24+$0x0], $0xffff  }
0x259: {  	v50 =	vadd.s32 $0x18, v11;
	v39 =	vadd.f32 v39, v47;
	v47 =	vld.idx.msk [tilespmem:v63+s4+$0x0], $0xffff  }
0x25a: {  	v21 =	vadd.f32 v25, v21;
	v25 =	vadd.f32 v57, v26;
	v57 =	vadd.s32 $0x1B, v13;
	v3 =	vld.idx.msk [tilespmem:v60+s4+$0x0], $0xffff  }
0x25b: {  	v63 =	vadd.s32 $0x18, v13;
	v41 =	vld.idx.msk [tilespmem:v58+s24+$0x0], $0xffff  }
0x25c: {  	v60 =	vadd.s32 $0x17, v12;
	v43 =	vld.idx.msk [tilespmem:v61+s4+$0x0], $0xffff  }
0x25d: {  	v0 =	vsub.f32 v37, v0;
	v62 =	vadd.s32 $0x17, v11;
	v33 =	vld.idx.msk [tilespmem:v59+s4+$0x0], $0xffff  }
0x25e: {  	v32 =	vadd.f32 v54, v32;
	v58 =	vadd.s32 $0x19, v11;
	v59 =	vadd.f32 v36, v28;
	v28 =	vld.idx.msk [tilespmem:v50+s4+$0x0], $0xffff  }
0x25f: {  	v52 =	vadd.s32 $0x21, v12;
	v9 =	vadd.f32 v27, v9;
	v61 =	vadd.s32 $0x19, v13;
	v50 =	vld.idx.msk [tilespmem:v57+s4+$0x0], $0xffff  }
0x260: {  	v0 =	vmul.f32 v0, v0;
	v1 =	vsub.f32 v32, v1;
	v49 =	vld.idx.msk [tilespmem:v63+s4+$0x0], $0xffff;
	v63 =	vadd.s32 $0x19, v10  }
0x261: {  	v17 =	vmul.f32 v17, v17;
	v20 =	vsub.f32 v9, v20;
	v57 =	vadd.s32 $0x1C, v11;
	v29 =	vld.idx.msk [tilespmem:v60+s24+$0x0], $0xffff  }
0x262: {  	v30 =	vsub.f32 v59, v30;
	v60 =	vmul.f32 v16, v16;
	v16 =	vld.idx.msk [tilespmem:v62+s4+$0x0], $0xffff;
	v62 =	vadd.s32 $0x19, v12  }
0x263: {  	v6 =	vadd.f32 v17, v6;
	v15 =	vadd.f32 v15, v56;
	v56 =	vadd.s32 $0x1C, v10;
	v34 =	vld.idx.msk [tilespmem:v58+s4+$0x0], $0xffff  }
0x264: {  	v30 =	vmul.f32 v30, v30;
	v58 =	vadd.s32 $0x1B, v12;
	v39 =	vadd.f32 v60, v39;
	v24 =	vld.idx.msk [tilespmem:v61+s4+$0x0], $0xffff  }
0x265: {  	v20 =	vmul.f32 v20, v20;
	v17 =	vsub.f32 v59, v22;
	v60 =	vadd.s32 $0x1A, v13;
	v22 =	vld.idx.msk [tilespmem:v63+s4+$0x0], $0xffff  }
0x266: {  	v61 =	vadd.s32 $0x1A, v12;
	v21 =	vadd.f32 v30, v21;
	v0 =	vadd.f32 v0, v39;
	v39 =	vld.idx.msk [tilespmem:v57+s4+$0x0], $0xffff  }
0x267: {  	v54 =	vadd.s32 $0x1D, v11;
	v42 =	vsub.f32 v32, v42;
	v63 =	vadd.s32 $0x1A, v11;
	v37 =	vld.idx.msk [tilespmem:v62+s24+$0x0], $0xffff  }
0x268: {  	v1 =	vmul.f32 v1, v1;
	v57 =	vadd.s32 $0x1E, v10;
	v20 =	vadd.f32 v20, v21;
	v21 =	vld.idx.msk [tilespmem:v56+s4+$0x0], $0xffff  }
0x269: {  	v4 =	vsub.f32 v9, v4;
	v35 =	vadd.f32 v44, v35;
	v62 =	vadd.s32 $0x1A, v10;
	v9 =	vld.idx.msk [tilespmem:v58+s24+$0x0], $0xffff  }
0x26a: {  	v55 =	vadd.s32 $0x1E, v13;
	v48 =	vsub.f32 v15, v48;
	v56 =	vadd.s32 $0x1E, v12;
	v36 =	vld.idx.msk [tilespmem:v60+s4+$0x0], $0xffff  }
0x26b: {  	v2 =	vsub.f32 v15, v2;
	v45 =	vsub.f32 v35, v45;
	v26 =	vld.idx.msk [tilespmem:v61+s24+$0x0], $0xffff;
	v60 =	vadd.s32 $0x1B, v10  }
0x26c: {  	v59 =	vmul.f32 v42, v42;
	v17 =	vmul.f32 v17, v17;
	v61 =	vadd.s32 $0x1B, v11;
	v30 =	vld.idx.msk [tilespmem:v63+s4+$0x0], $0xffff  }
0x26d: {  	v2 =	vmul.f32 v2, v2;
	v3 =	vsub.f32 v35, v3;
	v19 =	vadd.f32 v29, v19;
	v29 =	vld.idx.msk [tilespmem:v57+s4+$0x0], $0xffff  }
0x26e: {  	v25 =	vadd.f32 v59, v25;
	v6 =	vadd.f32 v17, v6;
	v17 =	vld.idx.msk [tilespmem:v62+s4+$0x0], $0xffff;
	v62 =	vadd.s32 $0x1C, v13  }
0x26f: {  	v59 =	vadd.s32 $0x1D, v13;
	v3 =	vmul.f32 v3, v3;
	v57 =	vadd.s32 $0x20, v13;
	v27 =	vld.idx.msk [tilespmem:v56+s24+$0x0], $0xffff  }
0x270: {  	v0 =	vadd.f32 v1, v0;
	v63 =	vadd.s32 $0x1C, v12;
	v42 =	vld.idx.msk [tilespmem:v60+s4+$0x0], $0xffff;
	v60 =	vmul.f32 v48, v48  }
0x271: {  	v58 =	vmul.f32 v4, v4;
	v43 =	vsub.f32 v19, v43;
	v16 =	vsub.f32 v19, v16;
	v4 =	vld.idx.msk [tilespmem:v61+s4+$0x0], $0xffff  }
0x272: {  	v0 =	vadd.f32 v2, v0;
	v61 =	vadd.s32 $0x1D, v12;
	v15 =	vadd.f32 v60, v25;
	v25 =	vld.idx.msk [tilespmem:v54+s4+$0x0], $0xffff  }
0x273: {  	v1 =	vadd.f32 v58, v6;
	v16 =	vmul.f32 v16, v16;
	v32 =	vld.idx.msk [tilespmem:v62+s4+$0x0], $0xffff;
	v62 =	vadd.f32 v38, v18  }
0x274: {  	v56 =	vadd.s32 $0x1F, v11;
	v0 =	vadd.f32 v3, v0;
	v24 =	vadd.f32 v37, v24;
	v19 =	vld.idx.msk [tilespmem:v57+s4+$0x0], $0xffff  }
0x275: {  	v60 =	vmul.f32 v45, v45;
	v18 =	vld.idx.msk [tilespmem:v63+s24+$0x0], $0xffff;
	v63 =	vadd.s32 $0x1D, v10;
	v31 =	vsub.f32 v62, v31  }
0x276: {  	v54 =	vadd.s32 $0x1F, v10;
	v6 =	vsub.f32 v62, v23;
	v23 =	vld.idx.msk [tilespmem:v59+s4+$0x0], $0xffff;
	v62 =	vadd.f32 v53, v40  }
0x277: {  	v57 =	vadd.s32 $0x22, v10;
	v15 =	vadd.f32 v60, v15;
	v48 =	vld.idx.msk [tilespmem:v61+s24+$0x0], $0xffff;
	v59 =	vadd.s32 $0x1E, v11  }
0x278: {  	v60 =	vmul.f32 v43, v43;
	v61 =	vadd.s32 $0x1F, v13;
	v40 =	vld.idx.msk [tilespmem:v55+s4+$0x0], $0xffff;
	v55 =	vsub.f32 v62, v47  }
0x279: {  	v31 =	vmul.f32 v31, v31;
	v2 =	vsub.f32 v62, v46;
	v62 =	vadd.f32 v41, v49;
	v41 =	vld.idx.msk [tilespmem:v56+s4+$0x0], $0xffff  }
0x27a: {  	v15 =	vadd.f32 v60, v15;
	v60 =	vadd.s32 $0x23, v13;
	v58 =	vmul.f32 v6, v6;
	v6 =	vld.idx.msk [tilespmem:v63+s4+$0x0], $0xffff  }
0x27b: {  	v9 =	vadd.f32 v9, v50;
	v63 =	vadd.s32 $0x1F, v12;
	v20 =	vadd.f32 v31, v20;
	v31 =	vld.idx.msk [tilespmem:v54+s4+$0x0], $0xffff  }
0x27c: {  	v22 =	vsub.f32 v24, v22;
	v0 =	vadd.f32 v16, v0;
	v35 =	vmul.f32 v55, v55;
	v38 =	vld.idx.msk [tilespmem:v59+s4+$0x0], $0xffff  }
0x27d: {  	v51 =	vadd.s32 $0x26, v10;
	v24 =	vsub.f32 v24, v34;
	v33 =	vsub.f32 v62, v33;
	v45 =	vld.idx.msk [tilespmem:v61+s4+$0x0], $0xffff  }
0x27e: {  	v1 =	vadd.f32 v58, v1;
	v58 =	vadd.s32 $0x20, v12;
	v20 =	vadd.f32 v35, v20;
	v35 =	vld.idx.msk [tilespmem:v57+s4+$0x0], $0xffff  }
0x27f: {  	v24 =	vmul.f32 v24, v24;
	v53 =	vadd.s32 $0x21, v10;
	v33 =	vmul.f32 v33, v33;
	v34 =	vld.idx.msk [tilespmem:v60+s4+$0x0], $0xffff  }
0x280: {  	v22 =	vmul.f32 v22, v22;
	v54 =	vadd.s32 $0x21, v11;
	v23 =	vadd.f32 v48, v23;
	v3 =	vld.idx.msk [tilespmem:v63+s24+$0x0], $0xffff  }
0x281: {  	v0 =	vadd.f32 v24, v0;
	v55 =	vadd.s32 $0x22, v13;
	v20 =	vadd.f32 v33, v20;
	v33 =	vld.idx.msk [tilespmem:v52+s24+$0x0], $0xffff  }
0x282: {  	v59 =	vadd.s32 $0x20, v10;
	v6 =	vsub.f32 v23, v6;
	v23 =	vsub.f32 v23, v25;
	v25 =	vld.idx.msk [tilespmem:v51+s4+$0x0], $0xffff  }
0x283: {  	v4 =	vsub.f32 v9, v4;
	v2 =	vmul.f32 v2, v2;
	v61 =	vadd.s32 $0x20, v11;
	v37 =	vld.idx.msk [tilespmem:v58+s24+$0x0], $0xffff  }
0x284: {  	v56 =	vadd.s32 $0x22, v12;
	v15 =	vadd.f32 v22, v15;
	v58 =	vadd.f32 v26, v36;
	v26 =	vld.idx.msk [tilespmem:v53+s4+$0x0], $0xffff  }
0x285: {  	v1 =	vadd.f32 v2, v1;
	v2 =	vsub.f32 v62, v28;
	v62 =	vadd.s32 $0x23, v10;
	v22 =	vld.idx.msk [tilespmem:v54+s4+$0x0], $0xffff  }
0x286: {  	v42 =	vsub.f32 v9, v42;
	v4 =	vmul.f32 v4, v4;
	v60 =	vadd.s32 $0x25, v12;
	v44 =	vld.idx.msk [tilespmem:v55+s4+$0x0], $0xffff  }
0x287: {  	v50 =	vadd.s32 $0x26, v12;
	v2 =	vmul.f32 v2, v2;
	v28 =	vld.idx.msk [tilespmem:v59+s4+$0x0], $0xffff  }
0x288: {  	v0 =	vadd.f32 v4, v0;
	v63 =	vadd.s32 $0x21, v13;
	v53 =	vmul.f32 v42, v42;
	v43 =	vld.idx.msk [tilespmem:v61+s4+$0x0], $0xffff  }
0x289: {  	v52 =	vadd.s32 $0x24, v13;
	v1 =	vadd.f32 v2, v1;
	v2 =	vsub.f32 v58, v30;
	v30 =	vld.idx.msk [tilespmem:v56+s24+$0x0], $0xffff  }
0x28a: {  	v54 =	vadd.s32 $0x24, v12;
	v23 =	vmul.f32 v23, v23;
	v57 =	vadd.f32 v53, v15;
	v15 =	vld.idx.msk [tilespmem:v62+s4+$0x0], $0xffff  }
0x28b: {  	v59 =	vadd.s32 $0x22, v11;
	v9 =	vld.idx.msk [tilespmem:v60+s24+$0x0], $0xffff  }
0x28c: {  	v49 =	vadd.f32 v27, v40;
	v61 =	vadd.s32 $0x23, v12;
	v0 =	vadd.f32 v23, v0;
	v23 =	vld.idx.msk [tilespmem:v50+s24+$0x0], $0xffff  }
0x28d: {  	v56 =	vadd.s32 $0x24, v10;
	v16 =	vld.idx.msk [tilespmem:v63+s4+$0x0], $0xffff  }
0x28e: {  	v29 =	vsub.f32 v49, v29;
	v17 =	vsub.f32 v58, v17;
	v58 =	vadd.s32 $0x24, v11;
	v36 =	vld.idx.msk [tilespmem:v52+s4+$0x0], $0xffff  }
0x28f: {  	v51 =	vadd.s32 $0x29, v11;
	v55 =	vadd.f32 v18, v32;
	v62 =	vadd.s32 $0x25, v11;
	v42 =	vld.idx.msk [tilespmem:v54+s24+$0x0], $0xffff  }
0x290: {  	v29 =	vmul.f32 v29, v29;
	v6 =	vmul.f32 v6, v6;
	v63 =	vadd.s32 $0x23, v11;
	v24 =	vld.idx.msk [tilespmem:v59+s4+$0x0], $0xffff  }
0x291: {  	v21 =	vsub.f32 v55, v21;
	v17 =	vmul.f32 v17, v17;
	v52 =	vadd.s32 $0x26, v11;
	v18 =	vld.idx.msk [tilespmem:v61+s24+$0x0], $0xffff  }
0x292: {  	v53 =	vadd.s32 $0x27, v13;
	v6 =	vadd.f32 v6, v57;
	v57 =	vadd.s32 $0x27, v11;
	v4 =	vld.idx.msk [tilespmem:v56+s4+$0x0], $0xffff  }
0x293: {  	v2 =	vmul.f32 v2, v2;
	v3 =	vadd.f32 v3, v45;
	v17 =	vadd.f32 v17, v20;
	v20 =	vld.idx.msk [tilespmem:v58+s4+$0x0], $0xffff  }
0x294: {  	v60 =	vadd.s32 $0x28, v12;
	v21 =	vmul.f32 v21, v21;
	v54 =	vadd.s32 $0x27, v12;
	v32 =	vld.idx.msk [tilespmem:v62+s4+$0x0], $0xffff  }
0x295: {  	v1 =	vadd.f32 v2, v1;
	v59 =	vadd.s32 $0x25, v13;
	v31 =	vsub.f32 v3, v31;
	v46 =	vld.idx.msk [tilespmem:v63+s4+$0x0], $0xffff  }
0x296: {  	v61 =	vadd.s32 $0x25, v10;
	v58 =	vadd.f32 v37, v19;
	v17 =	vadd.f32 v21, v17;
	v19 =	vld.idx.msk [tilespmem:v52+s4+$0x0], $0xffff  }
0x297: {  	v2 =	vsub.f32 v55, v39;
	v55 =	vadd.s32 $0x27, v10;
	v56 =	vmul.f32 v31, v31;
	v31 =	vld.idx.msk [tilespmem:v57+s4+$0x0], $0xffff  }
0x298: {  	v3 =	vsub.f32 v3, v41;
	v62 =	vadd.s32 $0x28, v11;
	v17 =	vadd.f32 v29, v17;
	v29 =	vld.idx.msk [tilespmem:v53+s4+$0x0], $0xffff  }
0x299: {  	v50 =	vadd.f32 v30, v44;
	v2 =	vmul.f32 v2, v2;
	v16 =	vadd.f32 v33, v16;
	v33 =	vld.idx.msk [tilespmem:v54+s24+$0x0], $0xffff  }
0x29a: {  	v3 =	vmul.f32 v3, v3;
	v63 =	vadd.s32 $0x26, v13;
	v28 =	vsub.f32 v58, v28;
	v27 =	vld.idx.msk [tilespmem:v59+s4+$0x0], $0xffff  }
0x29b: {  	v1 =	vadd.f32 v2, v1;
	v2 =	vsub.f32 v49, v38;
	v49 =	vadd.s32 $0x29, v10;
	v39 =	vld.idx.msk [tilespmem:v61+s4+$0x0], $0xffff  }
0x29c: {  	v52 =	vadd.s32 $0x2A, v13;
	v35 =	vsub.f32 v50, v35;
	v40 =	vld.idx.msk [tilespmem:v55+s4+$0x0], $0xffff;
	v28 =	vmul.f32 v28, v28  }
0x29d: {  	v57 =	vadd.s32 $0x2B, v12;
	v26 =	vsub.f32 v16, v26;
	v16 =	vsub.f32 v16, v22;
	v22 =	vld.idx.msk [tilespmem:v62+s4+$0x0], $0xffff  }
0x29e: {  	v6 =	vadd.f32 v56, v6;
	v53 =	vadd.s32 $0x2A, v12;
	v17 =	vadd.f32 v28, v17;
	v28 =	vld.idx.msk [tilespmem:v60+s24+$0x0], $0xffff  }
0x29f: {  	v0 =	vadd.f32 v3, v0;
	v59 =	vadd.s32 $0x28, v13;
	v16 =	vmul.f32 v16, v16;
	v21 =	vld.idx.msk [tilespmem:v63+s4+$0x0], $0xffff  }
0x2a0: {  	v61 =	vadd.s32 $0x28, v10;
	v2 =	vmul.f32 v2, v2;
	v26 =	vmul.f32 v26, v26;
	v38 =	vld.idx.msk [tilespmem:v49+s4+$0x0], $0xffff  }
0x2a1: {  	v18 =	vadd.f32 v18, v34;
	v35 =	vmul.f32 v35, v35;
	v0 =	vadd.f32 v16, v0;
	v16 =	vld.idx.msk [tilespmem:v51+s4+$0x0], $0xffff  }
0x2a2: {  	v55 =	vadd.s32 $0x2A, v11;
	v1 =	vadd.f32 v2, v1;
	v6 =	vadd.f32 v26, v6;
	v26 =	vld.idx.msk [tilespmem:v52+s4+$0x0], $0xffff  }
0x2a3: {  	v54 =	vadd.s32 $0x2A, v10;
	v2 =	vsub.f32 v58, v43;
	v58 =	vadd.f32 v42, v36;
	v36 =	vld.idx.msk [tilespmem:v53+s24+$0x0], $0xffff  }
0x2a4: {  	v48 =	vadd.s32 $0x29, v12;
	v15 =	vsub.f32 v18, v15;
	v17 =	vadd.f32 v35, v17;
	v35 =	vld.idx.msk [tilespmem:v57+s24+$0x0], $0xffff  }
0x2a5: {  	v60 =	vadd.s32 $0x2B, v11;
	v3 =	vld.idx.msk [tilespmem:v59+s4+$0x0], $0xffff  }
0x2a6: {  	v63 =	vadd.s32 $0x29, v13;
	v15 =	vmul.f32 v15, v15;
	v30 =	vld.idx.msk [tilespmem:v61+s4+$0x0], $0xffff  }
0x2a7: {  	v62 =	vadd.s32 $0x2C, v12;
	v2 =	vmul.f32 v2, v2;
	v9 =	vadd.f32 v9, v27;
	v27 =	vld.idx.msk [tilespmem:v55+s4+$0x0], $0xffff  }
0x2a8: {  	v51 =	vadd.s32 $0x2D, v10;
	v4 =	vsub.f32 v58, v4;
	v6 =	vadd.f32 v15, v6;
	v15 =	vld.idx.msk [tilespmem:v54+s4+$0x0], $0xffff  }
0x2a9: {  	v59 =	vadd.s32 $0x2B, v10;
	v1 =	vadd.f32 v2, v1;
	v2 =	vsub.f32 v50, v24;
	v24 =	vld.idx.msk [tilespmem:v48+s24+$0x0], $0xffff  }
0x2aa: {  	v18 =	vsub.f32 v18, v46;
	v61 =	vadd.s32 $0x2C, v13;
	v4 =	vmul.f32 v4, v4;
	v37 =	vld.idx.msk [tilespmem:v60+s4+$0x0], $0xffff  }
0x2ab: {  	v56 =	vadd.s32 $0x2B, v13;
	v29 =	vadd.f32 v33, v29;
	v34 =	vld.idx.msk [tilespmem:v63+s4+$0x0], $0xffff  }
0x2ac: {  	v52 =	vadd.s32 $0x2D, v11;
	v18 =	vmul.f32 v18, v18;
	v4 =	vadd.f32 v4, v17;
	v17 =	vld.idx.msk [tilespmem:v62+s24+$0x0], $0xffff  }
0x2ad: {  	v57 =	vadd.s32 $0x2E, v11;
	v39 =	vsub.f32 v9, v39;
	v9 =	vsub.f32 v9, v32;
	v32 =	vld.idx.msk [tilespmem:v51+s4+$0x0], $0xffff  }
0x2ae: {  	v0 =	vadd.f32 v18, v0;
	v48 =	vadd.s32 $0x2D, v13;
	v2 =	vmul.f32 v2, v2;
	v18 =	vld.idx.msk [tilespmem:v59+s4+$0x0], $0xffff  }
0x2af: {  	v40 =	vsub.f32 v29, v40;
	v50 =	vadd.s32 $0x2D, v12;
	v49 =	vadd.f32 v23, v21;
	v21 =	vld.idx.msk [tilespmem:v61+s4+$0x0], $0xffff  }
0x2b0: {  	v60 =	vadd.s32 $0x2F, v12;
	v1 =	vadd.f32 v2, v1;
	v2 =	vsub.f32 v58, v20;
	v20 =	vld.idx.msk [tilespmem:v56+s4+$0x0], $0xffff  }
0x2b1: {  	v63 =	vadd.s32 $0x2C, v10;
	v58 =	vadd.f32 v28, v3;
	v3 =	vld.idx.msk [tilespmem:v52+s4+$0x0], $0xffff  }
0x2b2: {  	v54 =	vadd.s32 $0x2E, v12;
	v9 =	vmul.f32 v9, v9;
	v56 =	vmul.f32 v40, v40;
	v40 =	vld.idx.msk [tilespmem:v57+s4+$0x0], $0xffff  }
0x2b3: {  	v53 =	vadd.s32 $0x2E, v13;
	v47 =	vmul.f32 v39, v39;
	v39 =	vld.idx.msk [tilespmem:v48+s4+$0x0], $0xffff  }
0x2b4: {  	v62 =	vadd.s32 $0x2F, v11;
	v25 =	vsub.f32 v49, v25;
	v0 =	vadd.f32 v9, v0;
	v9 =	vld.idx.msk [tilespmem:v50+s24+$0x0], $0xffff  }
0x2b5: {  	v46 =	vadd.s32 $0x2C, v11;
	v29 =	vsub.f32 v29, v31;
	v31 =	vld.idx.msk [tilespmem:v60+s24+$0x0], $0xffff  }
0x2b6: {  	v41 =	vadd.s32 $0x34, v13;
	v59 =	vadd.s32 $0x2F, v13;
	v25 =	vmul.f32 v25, v25;
	v33 =	vld.idx.msk [tilespmem:v63+s4+$0x0], $0xffff  }
0x2b7: {  	v55 =	vadd.s32 $0x2E, v10;
	v61 =	vadd.s32 $0x2F, v10;
	v24 =	vadd.f32 v24, v34;
	v34 =	vld.idx.msk [tilespmem:v54+s24+$0x0], $0xffff  }
0x2b8: {  	v52 =	vadd.s32 $0x31, v11;
	v2 =	vmul.f32 v2, v2;
	v4 =	vadd.f32 v25, v4;
	v25 =	vld.idx.msk [tilespmem:v53+s4+$0x0], $0xffff  }
0x2b9: {  	v29 =	vmul.f32 v29, v29;
	v6 =	vadd.f32 v47, v6;
	v50 =	vadd.s32 $0x31, v12;
	v23 =	vld.idx.msk [tilespmem:v62+s4+$0x0], $0xffff  }
0x2ba: {  	v60 =	vadd.s32 $0x33, v13;
	v1 =	vadd.f32 v2, v1;
	v2 =	vsub.f32 v49, v19;
	v19 =	vld.idx.msk [tilespmem:v46+s4+$0x0], $0xffff  }
0x2bb: {  	v47 =	vadd.f32 v36, v26;
	v6 =	vadd.f32 v56, v6;
	v63 =	vadd.s32 $0x30, v13;
	v28 =	vld.idx.msk [tilespmem:v59+s4+$0x0], $0xffff  }
0x2bc: {  	v51 =	vadd.s32 $0x31, v10;
	v30 =	vsub.f32 v58, v30;
	v0 =	vadd.f32 v29, v0;
	v26 =	vld.idx.msk [tilespmem:v61+s4+$0x0], $0xffff  }
0x2bd: {  	v48 =	vadd.s32 $0x30, v11;
	v15 =	vsub.f32 v47, v15;
	v20 =	vadd.f32 v35, v20;
	v35 =	vld.idx.msk [tilespmem:v52+s4+$0x0], $0xffff  }
0x2be: {  	v30 =	vmul.f32 v30, v30;
	v38 =	vsub.f32 v24, v38;
	v16 =	vsub.f32 v24, v16;
	v57 =	vld.idx.msk [tilespmem:v50+s24+$0x0], $0xffff  }
0x2bf: {  	v46 =	vadd.s32 $0x30, v10;
	v49 =	vadd.s32 $0x31, v13;
	v2 =	vmul.f32 v2, v2;
	v43 =	vld.idx.msk [tilespmem:v60+s4+$0x0], $0xffff  }
0x2c0: {  	v15 =	vmul.f32 v15, v15;
	v4 =	vadd.f32 v30, v4;
	v16 =	vmul.f32 v16, v16;
	v30 =	vld.idx.msk [tilespmem:v63+s4+$0x0], $0xffff  }
0x2c1: {  	v59 =	vadd.s32 $0x32, v11;
	v1 =	vadd.f32 v2, v1;
	v2 =	vsub.f32 v58, v22;
	v22 =	vld.idx.msk [tilespmem:v55+s4+$0x0], $0xffff  }
0x2c2: {  	v56 =	vadd.f32 v17, v21;
	v61 =	vadd.s32 $0x33, v12;
	v0 =	vadd.f32 v16, v0;
	v16 =	vld.idx.msk [tilespmem:v48+s4+$0x0], $0xffff  }
0x2c3: {  	v62 =	vadd.s32 $0x33, v10;
	v18 =	vsub.f32 v20, v18;
	v4 =	vadd.f32 v15, v4;
	v15 =	vld.idx.msk [tilespmem:v51+s4+$0x0], $0xffff  }
0x2c4: {  	v44 =	vadd.s32 $0x30, v12;
	v53 =	vadd.s32 $0x32, v13;
	v45 =	vmul.f32 v38, v38;
	v38 =	vld.idx.msk [tilespmem:v46+s4+$0x0], $0xffff  }
0x2c5: {  	v50 =	vadd.s32 $0x35, v10;
	v33 =	vsub.f32 v56, v33;
	v54 =	vmul.f32 v18, v18;
	v18 =	vld.idx.msk [tilespmem:v49+s4+$0x0], $0xffff  }
0x2c6: {  	v52 =	vadd.s32 $0x35, v11;
	v9 =	vadd.f32 v9, v39;
	v60 =	vadd.s32 $0x36, v11;
	v29 =	vld.idx.msk [tilespmem:v59+s4+$0x0], $0xffff  }
0x2c7: {  	v63 =	vadd.s32 $0x33, v11;
	v6 =	vadd.f32 v45, v6;
	v33 =	vmul.f32 v33, v33;
	v45 =	vld.idx.msk [tilespmem:v61+s24+$0x0], $0xffff  }
0x2c8: {  	v20 =	vsub.f32 v20, v37;
	v55 =	vadd.s32 $0x32, v12;
	v28 =	vadd.f32 v31, v28;
	v31 =	vld.idx.msk [tilespmem:v62+s4+$0x0], $0xffff  }
0x2c9: {  	v58 =	vadd.s32 $0x32, v10;
	v2 =	vmul.f32 v2, v2;
	v4 =	vadd.f32 v33, v4;
	v33 =	vld.idx.msk [tilespmem:v41+s4+$0x0], $0xffff  }
0x2ca: {  	v37 =	vadd.s32 $0x3B, v12;
	v32 =	vsub.f32 v9, v32;
	v42 =	vadd.f32 v34, v25;
	v59 =	vld.idx.msk [tilespmem:v50+s4+$0x0], $0xffff  }
0x2cb: {  	v46 =	vadd.s32 $0x34, v10;
	v1 =	vadd.f32 v2, v1;
	v2 =	vsub.f32 v47, v27;
	v27 =	vld.idx.msk [tilespmem:v44+s24+$0x0], $0xffff  }
0x2cc: {  	v3 =	vsub.f32 v9, v3;
	v20 =	vmul.f32 v20, v20;
	v49 =	vadd.s32 $0x35, v12;
	v21 =	vld.idx.msk [tilespmem:v63+s4+$0x0], $0xffff  }
0x2cd: {  	v61 =	vadd.s32 $0x37, v13;
	v32 =	vmul.f32 v32, v32;
	v6 =	vadd.f32 v54, v6;
	v24 =	vld.idx.msk [tilespmem:v55+s24+$0x0], $0xffff  }
0x2ce: {  	v62 =	vadd.s32 $0x37, v12;
	v0 =	vadd.f32 v20, v0;
	v26 =	vsub.f32 v28, v26;
	v20 =	vld.idx.msk [tilespmem:v58+s4+$0x0], $0xffff  }
0x2cf: {  	v48 =	vadd.s32 $0x35, v13;
	v3 =	vmul.f32 v3, v3;
	v6 =	vadd.f32 v32, v6;
	v32 =	vld.idx.msk [tilespmem:v52+s4+$0x0], $0xffff  }
0x2d0: {  	v54 =	vadd.s32 $0x36, v13;
	v23 =	vsub.f32 v28, v23;
	v51 =	vmul.f32 v26, v26;
	v26 =	vld.idx.msk [tilespmem:v46+s4+$0x0], $0xffff  }
0x2d1: {  	v41 =	vadd.s32 $0x37, v11;
	v44 =	vadd.s32 $0x34, v12;
	v17 =	vadd.f32 v57, v18;
	v57 =	vld.idx.msk [tilespmem:v49+s24+$0x0], $0xffff  }
0x2d2: {  	v47 =	vadd.s32 $0x34, v11;
	v2 =	vmul.f32 v2, v2;
	v9 =	vadd.f32 v45, v43;
	v43 =	vld.idx.msk [tilespmem:v61+s4+$0x0], $0xffff  }
0x2d3: {  	v22 =	vsub.f32 v42, v22;
	v0 =	vadd.f32 v3, v0;
	v23 =	vmul.f32 v23, v23;
	v45 =	vld.idx.msk [tilespmem:v62+s24+$0x0], $0xffff  }
0x2d4: {  	v55 =	vadd.s32 $0x36, v12;
	v1 =	vadd.f32 v2, v1;
	v2 =	vsub.f32 v56, v19;
	v19 =	vld.idx.msk [tilespmem:v53+s4+$0x0], $0xffff  }
0x2d5: {  	v63 =	vadd.s32 $0x37, v10;
	v46 =	vadd.s32 $0x38, v10;
	v0 =	vadd.f32 v23, v0;
	v23 =	vld.idx.msk [tilespmem:v54+s4+$0x0], $0xffff  }
0x2d6: {  	v58 =	vadd.s32 $0x36, v10;
	v61 =	vadd.s32 $0x3A, v11;
	v22 =	vmul.f32 v22, v22;
	v3 =	vld.idx.msk [tilespmem:v44+s24+$0x0], $0xffff  }
0x2d7: {  	v62 =	vadd.s32 $0x3B, v13;
	v6 =	vadd.f32 v51, v6;
	v53 =	vadd.f32 v27, v30;
	v27 =	vld.idx.msk [tilespmem:v47+s4+$0x0], $0xffff  }
0x2d8: {  	v51 =	vadd.s32 $0x39, v12;
	v15 =	vsub.f32 v17, v15;
	v4 =	vadd.f32 v22, v4;
	v22 =	vld.idx.msk [tilespmem:v48+s4+$0x0], $0xffff  }
0x2d9: {  	v17 =	vsub.f32 v17, v35;
	v31 =	vsub.f32 v9, v31;
	v54 =	vadd.s32 $0x39, v10;
	v28 =	vld.idx.msk [tilespmem:v55+s24+$0x0], $0xffff  }
0x2da: {  	v44 =	vadd.s32 $0x38, v12;
	v47 =	vadd.s32 $0x38, v11;
	v2 =	vmul.f32 v2, v2;
	v55 =	vld.idx.msk [tilespmem:v46+s4+$0x0], $0xffff  }
0x2db: {  	v48 =	vadd.s32 $0x39, v13;
	v9 =	vsub.f32 v9, v21;
	v15 =	vmul.f32 v15, v15;
	v46 =	vld.idx.msk [tilespmem:v37+s24+$0x0], $0xffff  }
0x2dc: {  	v17 =	vmul.f32 v17, v17;
	v1 =	vadd.f32 v2, v1;
	v2 =	vsub.f32 v42, v40;
	v40 =	vld.idx.msk [tilespmem:v58+s4+$0x0], $0xffff  }
0x2dd: {  	v49 =	vmul.f32 v31, v31;
	v56 =	vsub.f32 v53, v38;
	v6 =	vadd.f32 v15, v6;
	v15 =	vld.idx.msk [tilespmem:v60+s4+$0x0], $0xffff  }
0x2de: {  	v9 =	vmul.f32 v9, v9;
	v25 =	vadd.f32 v45, v43;
	v0 =	vadd.f32 v17, v0;
	v17 =	vld.idx.msk [tilespmem:v41+s4+$0x0], $0xffff  }
0x2df: {  	v43 =	vadd.s32 $0x3C, v13;
	v45 =	vadd.s32 $0x3C, v12;
	v42 =	vadd.s32 $0x38, v13;
	v34 =	vld.idx.msk [tilespmem:v51+s24+$0x0], $0xffff  }
0x2e0: {  	v58 =	vadd.s32 $0x3A, v12;
	v41 =	vadd.s32 $0x3B, v11;
	v36 =	vmul.f32 v56, v56;
	v60 =	vld.idx.msk [tilespmem:v54+s4+$0x0], $0xffff  }
0x2e1: {  	v39 =	vadd.f32 v24, v19;
	v56 =	vadd.s32 $0x39, v11;
	v18 =	vadd.f32 v57, v22;
	v22 =	vld.idx.msk [tilespmem:v47+s4+$0x0], $0xffff  }
0x2e2: {  	v2 =	vmul.f32 v2, v2;
	v52 =	vadd.f32 v3, v33;
	v6 =	vadd.f32 v49, v6;
	v24 =	vld.idx.msk [tilespmem:v48+s4+$0x0], $0xffff  }
0x2e3: {  	v54 =	vadd.s32 $0x3D, v12;
	v0 =	vadd.f32 v9, v0;
	v4 =	vadd.f32 v36, v4;
	v36 =	vld.idx.msk [tilespmem:v63+s4+$0x0], $0xffff  }
0x2e4: {  	v57 =	vadd.s32 $0x3A, v13;
	v1 =	vadd.f32 v2, v1;
	v2 =	vsub.f32 v53, v16;
	v53 =	vld.idx.msk [tilespmem:v44+s24+$0x0], $0xffff  }
0x2e5: {  	v47 =	vadd.s32 $0x3C, v10;
	v20 =	vsub.f32 v39, v20;
	v63 =	vadd.f32 v28, v23;
	v50 =	vld.idx.msk [tilespmem:v42+s4+$0x0], $0xffff  }
0x2e6: {  	v49 =	vadd.s32 $0x3C, v11;
	v26 =	vsub.f32 v52, v26;
	v16 =	vsub.f32 v18, v59;
	v38 =	vld.idx.msk [tilespmem:v58+s24+$0x0], $0xffff  }
0x2e7: {  	v59 =	vadd.s32 $0x3A, v10;
	v18 =	vsub.f32 v18, v32;
	v20 =	vmul.f32 v20, v20;
	v42 =	vld.idx.msk [tilespmem:v61+s4+$0x0], $0xffff  }
0x2e8: {  	v19 =	vsub.f32 v63, v40;
	v51 =	vld.idx.msk [tilespmem:v41+s4+$0x0], $0xffff;
	v17 =	vsub.f32 v25, v17;
	v58 =	vadd.s32 $0x3D, v11  }
0x2e9: {  	v61 =	vadd.s32 $0x3E, v12;
	v2 =	vmul.f32 v2, v2;
	v26 =	vmul.f32 v26, v26;
	v21 =	vld.idx.msk [tilespmem:v56+s4+$0x0], $0xffff  }
0x2ea: {  	v12 =	vadd.s32 $0x3F, v12;
	v16 =	vmul.f32 v16, v16;
	v18 =	vmul.f32 v18, v18;
	v23 =	vld.idx.msk [tilespmem:v57+s4+$0x0], $0xffff  }
0x2eb: {  	v56 =	vadd.s32 $0x3D, v10;
	v4 =	vadd.f32 v20, v4;
	v24 =	vadd.f32 v34, v24;
	v57 =	vld.idx.msk [tilespmem:v47+s4+$0x0], $0xffff  }
0x2ec: {  	v19 =	vmul.f32 v19, v19;
	v33 =	vld.idx.msk [tilespmem:v49+s4+$0x0], $0xffff;
	v1 =	vadd.f32 v2, v1;
	v2 =	vsub.f32 v39, v29  }
0x2ed: {  	v17 =	vmul.f32 v17, v17;
	v6 =	vadd.f32 v16, v6;
	v44 =	vsub.f32 v25, v36;
	v40 =	vld.idx.msk [tilespmem:v59+s4+$0x0], $0xffff  }
0x2ee: {  	v39 =	vadd.s32 $0x3B, v10;
	v0 =	vadd.f32 v18, v0;
	v4 =	vadd.f32 v26, v4;
	v26 =	vld.idx.msk [tilespmem:v62+s4+$0x0], $0xffff  }
0x2ef: {  	v9 =	vsub.f32 v24, v60;
	v62 =	vld.idx.msk [tilespmem:v54+s24+$0x0], $0xffff;
	v2 =	vmul.f32 v2, v2;
	v50 =	vadd.f32 v53, v50  }
0x2f0: {  	v48 =	vmul.f32 v44, v44;
	v53 =	vld.idx.msk [tilespmem:v43+s4+$0x0], $0xffff;
	v0 =	vadd.f32 v17, v0;
	v4 =	vadd.f32 v19, v4  }
0x2f1: {  	v59 =	vadd.s32 $0x3E, v13;
	v37 =	vld.idx.msk [tilespmem:v58+s4+$0x0], $0xffff;
	v21 =	vsub.f32 v24, v21;
	v1 =	vadd.f32 v2, v1  }
0x2f2: {  	v41 =	vld.idx.msk [tilespmem:v61+s24+$0x0], $0xffff;
	v9 =	vmul.f32 v9, v9;
	v2 =	vsub.f32 v52, v27;
	v6 =	vadd.f32 v48, v6  }
0x2f3: {  	v52 =	vadd.s32 $0x3D, v13;
	v20 =	vsub.f32 v50, v55;
	v55 =	vld.idx.msk [tilespmem:v45+s24+$0x0], $0xffff;
	v35 =	vadd.f32 v38, v23  }
0x2f4: {  	v13 =	vadd.s32 $0x3F, v13;
	v27 =	vld.idx.msk [tilespmem:v39+s4+$0x0], $0xffff;
	v39 =	vadd.s32 $0x3E, v11;
	v2 =	vmul.f32 v2, v2  }
0x2f5: {  	v12 =	vld.idx.msk [tilespmem:v12+s24+$0x0], $0xffff;
	v21 =	vmul.f32 v21, v21;
	v6 =	vadd.f32 v9, v6;
	v23 =	vsub.f32 v35, v40  }
0x2f6: {  	v36 =	vld.idx.msk [tilespmem:v56+s4+$0x0], $0xffff;
	v20 =	vmul.f32 v20, v20;
	v1 =	vadd.f32 v2, v1;
	v2 =	vsub.f32 v63, v15  }
0x2f7: {  	v11 =	vadd.s32 $0x3F, v11;
	v18 =	vadd.f32 v46, v26;
	v38 =	vld.idx.msk [tilespmem:v59+s4+$0x0], $0xffff;
	v0 =	vadd.f32 v21, v0  }
0x2f8: {  	v4 =	vadd.f32 v20, v4;
	v63 =	vadd.s32 $0x3E, v10;
	v60 =	vld.idx.msk [tilespmem:v52+s4+$0x0], $0xffff;
	v2 =	vmul.f32 v2, v2  }
0x2f9: {  	v10 =	vadd.s32 $0x3F, v10;
	v3 =	vsub.f32 v18, v51;
	v40 =	vadd.f32 v55, v53;
	v13 =	vld.idx.msk [tilespmem:v13+s4+$0x0], $0xffff  }
0x2fa: {  	v53 =	vld [tilespmem:$0x1FFB0];
	v1 =	vadd.f32 v2, v1;
	v2 =	vsub.f32 v50, v22  }
0x2fb: {  	v27 =	vsub.f32 v18, v27;
	v44 =	vmul.f32 v3, v3;
	v45 =	vld.idx.msk [tilespmem:v39+s4+$0x0], $0xffff;
	v15 =	vsub.f32 v40, v33  }
0x2fc: {  	v11 =	vld.idx.msk [tilespmem:v11+s4+$0x0], $0xffff;
	v48 =	vadd.f32 v41, v38;
	v22 =	vsub.f32 v40, v57;
	v2 =	vmul.f32 v2, v2  }
0x2fd: {  	v43 =	vmul.f32 v27, v27;
	v0 =	vadd.f32 v44, v0;
	v25 =	vld.idx.msk [tilespmem:v63+s4+$0x0], $0xffff;
	v47 =	vadd.f32 v62, v60  }
0x2fe: {  	v10 =	vld.idx.msk [tilespmem:v10+s4+$0x0], $0xffff;
	v1 =	vadd.f32 v2, v1;
	v2 =	vsub.f32 v35, v42  }
0x2ff: {  	v6 =	vadd.f32 v43, v6;
	v12 =	vadd.f32 v12, v13;
	v42 =	vmul.f32 v23, v23  }
0x300: {  	v58 =	vld [tilespmem:$0x1FFC0];
	v3 =	vsub.f32 v48, v45;
	v49 =	vsub.f32 v47, v36;
	v2 =	vmul.f32 v2, v2  }
0x301: {  	v59 =	vld [tilespmem:$0x1FFD0];
	v15 =	vmul.f32 v15, v15;
	v52 =	vsub.f32 v12, v11;
	v4 =	vadd.f32 v42, v4  }
0x302: {  	v61 =	vld [tilespmem:$0x1FFE0];
	v46 =	vmul.f32 v22, v22;
	v1 =	vadd.f32 v2, v1;
	v2 =	vsub.f32 v47, v37  }
0x303: {  	[tilespmem:s0+$0xFFFFFFF0] =	vst v14;
	v50 =	vmul.f32 v49, v49;
	v51 =	vsub.f32 v48, v25;
	v10 =	vsub.f32 v12, v10  }
0x304: {  	v56 =	vld.idx.msk [tilespmem:v7+s25+$0x0], $0xffff;
	v3 =	vmul.f32 v3, v3;
	v4 =	vadd.f32 v46, v4;
	v2 =	vmul.f32 v2, v2  }
0x305: {  	[tilespmem:s31+$0xFFFFFFF0] =	vst v5;
	v63 =	vld [tilespmem:$0x1FFF0];
	v6 =	vadd.f32 v50, v6;
	v55 =	vmul.f32 v51, v51;
	v10 =	vmul.f32 v10, v10  }
0x306: {  	v54 =	vld.idx.msk [tilespmem:v53+s25+$0x0], $0xffff;
	v5 =	vmul.f32 v52, v52;
	v1 =	vadd.f32 v15, v1;
	v0 =	vadd.f32 v2, v0  }
0x307: {  	[tilespmem:s29+$0xFFFFFFF0] =	vst v8;
	v57 =	vimm.f32 $1.000000000e+00;
	v4 =	vadd.f32 v55, v4;
	v6 =	vadd.f32 v10, v6  }
0x308: {  	[tilespmem:v58+s28+$0x0] =	vst.idx.msk $0xffff, v57;
	v1 =	vadd.f32 v3, v1;
	v0 =	vadd.f32 v5, v0  }
0x309: {  	[tilespmem:v59+s28+$0x0] =	vst.idx.msk $0xffff, v57;
	v60 =	vadd.f32 v6, v4  }
0x30a: {  	s20 =	sadd.s32 $0x2, s20;
	[tilespmem:v61+s28+$0x0] =	vst.idx.msk $0xffff, v57;
	v0 =	vadd.f32 v0, v1  }
0x30b: {  	p1 =	slt.u32 s20, $0x1E;
	v62 =	vsub.f32 v54, v56;
	[tilespmem:s0+$0x0] =	vst v60  }
.Ltmp0:
0x30c: {  	[tilespmem:s31+$0x0] =	vst v0;
	(pc) =	sbr.rel @p1 .LBB2_2-.Ltmp0, $4  }
0x30d: {  	[tilespmem:s29+$0x0] =	vst v62  }
0x30e: {  	s17 =	sadd.s32 $0x20, s17;
	[tilespmem:v63+s28+$0x0] =	vst.idx.msk $0xffff, v57  }
0x30f: {  	s18 =	sadd.s32 $0x20, s18;
	s1 =	sadd.s32 $0x20, s1;
	s2 =	sadd.s32 $0x20, s2;
	[tilespmem:v53+s28+$0x0] =	vst.idx.msk $0xffff, v57  }
0x310: {  	s0 =	sadd.s32 $0x20, s0;
	s31 =	sadd.s32 $0x20, s31;
	s29 =	sadd.s32 $0x20, s29;
	[tilespmem:v7+s28+$0x0] =	vst.idx.msk $0xffff, v57  }
0x311: {  	_ =	strace $0x90000049;
	s0 =	simm.s32 $0x12A80  }
0x312: {  	[hbm4b:s12+s4] =	stream.linear.scatter [tilespmem:s0], [sflag:$0x2], $0x200, $0x38;
	[tilespmem:$0x146A8] =	vst v63  }
0x313: {  	_ =	swait.ge [sflag:s30], $0x200  }
0x314: {  	[sflag:s30] =	ssyncset.done $0x0  }
0x315: {  	s20 =	simm.s32 $0x12C80;
	[sflag:s30] =	ssyncadd.s32 $0xFFFFFE00  }
0x316: {  	[hbm4b:s13+s4] =	stream.linear.scatter [tilespmem:s20], [sflag:$0x2], $0x200, $0x38;
	[tilespmem:$0x146A8] =	vst v63  }
0x317: {  	_ =	swait.ge [sflag:s30], $0x200  }
0x318: {  	[sflag:s30] =	ssyncset.done $0x0  }
0x319: {  	s29 =	simm.s32 $0x12E80;
	[sflag:s30] =	ssyncadd.s32 $0xFFFFFE00  }
0x31a: {  	[hbm4b:s14+s4] =	stream.linear.scatter [tilespmem:s29], [sflag:$0x2], $0x200, $0x38;
	[tilespmem:$0x146A8] =	vst v63  }
0x31b: {  	s19 =	sadd.s32 $0x1, s19;
	_ =	swait.ge [sflag:s30], $0x200  }
0x31c: {  	s31 =	simm.s32 $0x80;
	p1 =	sne.s32 s19, s16;
	[sflag:s30] =	ssyncset.done $0x0  }
.Ltmp1:
0x31d: {  	s1 =	simm.s32 $0x400;
	[sflag:s30] =	ssyncadd.s32 $0xFFFFFE00;
	(pc) =	sbr.rel @p1 .LBB2_1-.Ltmp1, $4  }
0x31e: {  	[hbm4b:s15+s31] =	stream.strided.scatter [tilespmem:s28], [sflag:$0x2], $0x400, s1, s31, $0x38;
	[tilespmem:$0x146A8] =	vst v63  }
0x31f: {  	_ =	swait.ge [sflag:s30], $0x400  }
0x320: {  	[sflag:s30] =	ssyncset.done $0x0  }
0x321: {  	[sflag:s30] =	ssyncadd.s32 $0xFFFFFC00  }
0x322: {  	_ =	sfence.sel $0x180000  }
0x323: {  	[bflag:$0x0] =	sbarrier.arrive $0xFFFF  }
0x324: {  	_ =	strace $0x90000047  }
0x325: {  	[bflag:$0x2] =	sbarrier.arrive $0xFFFF  }
0x326: {  	s0 =	rddreg [dreg:$0xa]  }
0x327: {  	s0 =	sadd.s32 @!p0 $0x100000, s0  }
0x328: {  	[sflag:s0] =	ssyncadd.tile.s32 @!p0 $0x1;
	_ =	shalt  }
.Lfunc_end2:
_tile_overlayer_lowered:
.L_overlay_start_2:
0x329: {  	(tag) =	ssettag $0x2  }
0x32a: {  	s0 =	rddreg [dreg:$0x0];
	s2 =	stileid.u32  }
0x32b: {  	s1 =	rddreg [dreg:$0x1];
	p0 =	sne.s32 s2, $0x0  }
0x32c: {  	s3 =	rddreg [dreg:$0x2];
	[bflag:$0x3] =	sbarrier.arrive $0xFFFF;
	s2 =	simm.s32 @!p0 $0x1C02  }
0x32d: {  	[timem:s3], [sflag:s2] =	dma.local @!p0 [hbm:s0], s1  }
0x32e: {  	s0 =	simm.s32 @!p0 $0x2  }
0x32f: {  	_ =	swait.ge @!p0 [sflag:s0], s1  }
0x330: {  	s1 =	ssub.s32 @!p0 $0x0, s1;
	[sflag:s0] =	ssyncset.done @!p0 $0x0  }
0x331: {  	[sflag:s0] =	ssyncadd.s32 @!p0 s1  }
0x332: {  	[bflag:$0x3] =	sbarrier.arrive $0xFFFF  }
0x333: {  	_ =	shalt  }

</sc_bundles>
